<compile_context>
chip_gen: v7x
topology: tpu7x:2x2x1
jax: 0.10.2.dev20260603
libtpu: 0.0.44.dev20260713+nightly
codegen_flags: <defaults>
</compile_context>

<pallas_src>
import functools

import jax
import jax.numpy as jnp
from jax import lax
from jax.experimental import pallas as pl
from jax.experimental.pallas import tpu as pltpu
from jax.experimental.pallas import tpu_sc as plsc

D_MODEL = 128
H = 30
W = 30
NCOLORS = 11
P = H * W
B = 1024
NPL = B * H
NC, NS = 2, 16
NW = NC * NS
PPW = NPL // NW
BPW = B // NW
PLCH = 4
NCH = PPW // PLCH
CPW = PPW * W
NBUF = 3


def _fused_body(color_ref, row_ref, col_ref, out_ref):
    out_ref[...] = (color_ref[...][:, None, None, :]
                    + row_ref[...][None, :, None, :]
                    + col_ref[...][None, None, :, :])


def _build_fused(color_table, row_table, col_table):
    out = pl.pallas_call(
        _fused_body,
        out_shape=jax.ShapeDtypeStruct((NCOLORS, H, W, D_MODEL), jnp.float32),
    )(color_table, row_table, col_table)
    return out.reshape(NCOLORS * P, D_MODEL)


_mesh = plsc.VectorSubcoreMesh(core_axis_name="c", subcore_axis_name="s",
                               num_cores=NC, num_subcores=NS)


@functools.partial(
    pl.kernel,
    out_type=jax.ShapeDtypeStruct((B, H, W, D_MODEL), jnp.float32),
    mesh=_mesh,
    compiler_params=pltpu.CompilerParams(use_tc_tiling_on_sc=True),
    scratch_types=[
        pltpu.VMEM((CPW + 16,), jnp.int32),
        pltpu.VMEM((NCH, PLCH * 32), jnp.int32),
        pltpu.VMEM((NBUF, PLCH, W, D_MODEL), jnp.float32),
        [pltpu.SemaphoreType.DMA] * NBUF,
        [pltpu.SemaphoreType.DMA] * NBUF,
    ],
)
def _sc_gather(fused_hbm, grid_hbm, out_hbm, grid_v, idx_v, rows_v,
               gsems, ssems):
    wid = lax.axis_index("s") * NC + lax.axis_index("c")
    bbase = wid * BPW

    pltpu.sync_copy(grid_hbm.at[pl.ds(wid * CPW, CPW)],
                    grid_v.at[pl.ds(0, CPW)])

    iota = lax.iota(jnp.int32, 16)

    def idx_body(c, h0):
        for k in range(PLCH):
            hk = h0 + k
            hk = jnp.where(hk >= H, hk - H, hk)
            f = c * (PLCH * W) + k * W
            pb = hk * W + iota
            idx_v[c, pl.ds(k * 32, 16)] = grid_v[pl.ds(f, 16)] * P + pb
            idx_v[c, pl.ds(k * 32 + 16, 16)] = (
                grid_v[pl.ds(f + 16, 16)] * P + pb + 16)
        h1 = h0 + PLCH
        return jnp.where(h1 >= H, h1 - H, h1)

    lax.fori_loop(0, NCH, idx_body, jnp.int32(0))

    def g_descs(c, b):
        return [pltpu.make_async_copy(
                    fused_hbm.at[idx_v.at[c, pl.ds(k * 32, W)]],
                    rows_v.at[b, k], gsems[b])
                for k in range(PLCH)]

    def start_gather(c, b):
        for d in g_descs(c, b):
            d.start()

    def wait_gather(c, b):
        for d in g_descs(c, b):
            d.wait()

    def s_start(b, bloc, h0):
        bg = bbase + bloc

        @pl.when(h0 != H - 2)
        def _():
            pltpu.make_async_copy(
                rows_v.at[b], out_hbm.at[bg, pl.ds(h0, PLCH)],
                ssems[b]).start()

        @pl.when(h0 == H - 2)
        def _():
            pltpu.make_async_copy(
                rows_v.at[b, pl.ds(0, 2)],
                out_hbm.at[bg, pl.ds(H - 2, 2)], ssems[b]).start()
            pltpu.make_async_copy(
                rows_v.at[b, pl.ds(2, 2)],
                out_hbm.at[bg + 1, pl.ds(0, 2)], ssems[b]).start()

    def s_start_static(c, b):
        h0 = (c * PLCH) % H
        assert h0 != H - 2
        pltpu.make_async_copy(
            rows_v.at[b],
            out_hbm.at[bbase + (c * PLCH) // H, pl.ds(h0, PLCH)],
            ssems[b]).start()

    def s_wait(b):
        pltpu.make_async_copy(
            rows_v.at[b], out_hbm.at[0, pl.ds(0, PLCH)], ssems[b]).wait()

    start_gather(0, 0)
    for c in range(NBUF):
        b = c % NBUF
        wait_gather(c, b)
        s_start_static(c, b)
        nb = (b + 1) % NBUF
        if c == NBUF - 1:
            s_wait(nb)
        start_gather(c + 1, nb)

    def outer(t, state):
        bloc, h0 = state
        for b in range(NBUF):
            c = t * NBUF + b
            wait_gather(c, b)
            s_start(b, bloc, h0)
            nb = (b + 1) % NBUF
            s_wait(nb)
            start_gather(c + 1, nb)
            h1 = h0 + PLCH
            wrap = h1 >= H
            h0 = jnp.where(wrap, h1 - H, h1)
            bloc = bloc + wrap.astype(jnp.int32)
        return bloc, h0

    c0 = NBUF
    lax.fori_loop(1, NCH // NBUF - 1, outer,
                  (jnp.int32((c0 * PLCH) // H), jnp.int32((c0 * PLCH) % H)))

    for c in range(NCH - NBUF, NCH):
        b = c % NBUF
        wait_gather(c, b)
        s_start_static(c, b)
        if c + 1 < NCH:
            nb = (b + 1) % NBUF
            s_wait(nb)
            start_gather(c + 1, nb)
    for c in range(NCH - NBUF, NCH):
        s_wait(c % NBUF)


def kernel(grid, color_table, row_table, col_table):
    fused = _build_fused(color_table, row_table, col_table)
    return _sc_gather(fused, grid.reshape(B * P))

# --- scband reference (transcript-rebuilt; emitter-appended) ---
"""Pipeline reference for scband-grid-embed-20289425507056 (READ-ONLY COPY).

The authoritative reference and input builder live on the scoring server;
editing this copy changes nothing except your own understanding.
"""

import jax, jax.numpy as jnp
import numpy as np

D_MODEL = 128
MAX_SIZE = 30
NUM_COLORS = 10

def setup_inputs(seed: int = 0) -> dict:
    key = jax.random.key(seed)
    k1, k2, k3, k4 = jax.random.split(key, 4)
    grid = jax.random.randint(k1, (1024, 30, 30), 0, NUM_COLORS + 1, dtype=jnp.int32)
    color_table = jax.random.normal(k2, (NUM_COLORS + 1, D_MODEL), dtype=jnp.float32)
    row_table = jax.random.normal(k3, (MAX_SIZE, D_MODEL), dtype=jnp.float32)
    col_table = jax.random.normal(k4, (MAX_SIZE, D_MODEL), dtype=jnp.float32)
    return {"grid": grid, "color_table": color_table, "row_table": row_table, "col_table": col_table}

def reference(grid, color_table, row_table, col_table):
    H, W = grid.shape[-2], grid.shape[-1]
    # color embedding lookup: gather rows of color_table by grid values
    color = jnp.take(color_table, grid, axis=0)  # [..., H, W, d]
    # positional row/col embeddings broadcast over the grid
    rows = jnp.take(row_table, jnp.arange(H), axis=0)[:, None, :]  # [H, 1, d]
    cols = jnp.take(col_table, jnp.arange(W), axis=0)[None, :, :]  # [1, W, d]
    out = color + rows + cols
    return out

if __name__ == "__main__":
    import jax
    _d = setup_inputs()
    print(jax.jit(kernel)(*tuple(_d.values())))

</pallas_src>

<mosaic_0001>
#map = affine_map<(d0, d1) -> (0, 0)>
#map1 = affine_map<(d0, d1) -> (0)>
#map2 = affine_map<(d0, d1) -> (0, 0, 0, 0)>
module attributes {stable_mosaic.version = 14 : i64} {
  func.func @_sc_gather(%arg0: i32, %arg1: i32, %arg2: memref<9900x128xf32, #tpu.memory_space<hbm>>, %arg3: memref<921600xi32, #tpu.memory_space<hbm>>, %arg4: memref<1024x30x30x128xf32, #tpu.memory_space<hbm>>, %arg5: memref<28816xi32, #tpu.memory_space<vmem>>, %arg6: memref<240x128xi32, #tpu.memory_space<vmem>>, %arg7: memref<3x4x30x128xf32, #tpu.memory_space<vmem>>, %arg8: memref<!tpu.dma_semaphore, #tpu.memory_space<semaphore_mem>>, %arg9: memref<!tpu.dma_semaphore, #tpu.memory_space<semaphore_mem>>, %arg10: memref<!tpu.dma_semaphore, #tpu.memory_space<semaphore_mem>>, %arg11: memref<!tpu.dma_semaphore, #tpu.memory_space<semaphore_mem>>, %arg12: memref<!tpu.dma_semaphore, #tpu.memory_space<semaphore_mem>>, %arg13: memref<!tpu.dma_semaphore, #tpu.memory_space<semaphore_mem>>) attributes {dimension_semantics = [#tpu.dimension_semantics<core_parallel>, #tpu.dimension_semantics<subcore_parallel>], iteration_bounds = array<i64: 2, 16>, scalar_prefetch = 0 : i64, scratch_operands = 9 : i64, tpu.core_type = #tpu.core_type<sc_vector_subcore>, window_params = [{transform_indices = #map}, {transform_indices = #map1}, {transform_indices = #map2}]} {
    %mul3A = arith.constant 2 : i32
    %mul3A_0 = arith.muli %arg1, %mul3A : i32
    %add3A = arith.addi %mul3A_0, %arg0 : i32
    %mul3A_1 = arith.constant 32 : i32
    %mul3A_2 = arith.muli %add3A, %mul3A_1 : i32
    %mul3A_3 = arith.constant 28800 : i32
    %mul3A_4 = arith.muli %add3A, %mul3A_3 : i32
    "tpu.region"() ({
      %run_scoped3A = tpu.sem_alloc : memref<!tpu.dma_semaphore, #tpu.memory_space<semaphore_mem>>
      %dma_start3A_911 = arith.constant 0 : i32
      %dma_start3A_912 = tpu.memref_slice %arg5[%dma_start3A_911] : memref<28816xi32, #tpu.memory_space<vmem>> -> memref<28800xi32, #tpu.memory_space<vmem>>
      %dma_start3A_913 = tpu.memref_slice %arg3[%mul3A_4] : memref<921600xi32, #tpu.memory_space<hbm>> -> memref<28800xi32, #tpu.memory_space<hbm>>
      %dma_start3A_914 = arith.constant 0 : i32
      %dma_start3A_915 = tpu.memref_slice %arg5[%dma_start3A_914] : memref<28816xi32, #tpu.memory_space<vmem>> -> memref<28800xi32, #tpu.memory_space<vmem>>
      %dma_start3A_916 = tpu.memref_slice %arg3[%mul3A_4] : memref<921600xi32, #tpu.memory_space<hbm>> -> memref<28800xi32, #tpu.memory_space<hbm>>
      tpu.enqueue_dma source(%dma_start3A_916 : memref<28800xi32, #tpu.memory_space<hbm>>) target(%dma_start3A_915 : memref<28800xi32, #tpu.memory_space<vmem>>) target_semaphore(%run_scoped3A : memref<!tpu.dma_semaphore, #tpu.memory_space<semaphore_mem>>)
      %dma_wait3A_917 = arith.constant 0 : i32
      %dma_wait3A_918 = tpu.memref_slice %arg5[%dma_wait3A_917] : memref<28816xi32, #tpu.memory_space<vmem>> -> memref<28800xi32, #tpu.memory_space<vmem>>
      %dma_wait3A_919 = tpu.memref_slice %arg3[%mul3A_4] : memref<921600xi32, #tpu.memory_space<hbm>> -> memref<28800xi32, #tpu.memory_space<hbm>>
      %dma_wait3A_920 = arith.constant 0 : i32
      %dma_wait3A_921 = tpu.memref_slice %arg5[%dma_wait3A_920] : memref<28816xi32, #tpu.memory_space<vmem>> -> memref<28800xi32, #tpu.memory_space<vmem>>
      %dma_wait3A_922 = tpu.memref_slice %arg3[%mul3A_4] : memref<921600xi32, #tpu.memory_space<hbm>> -> memref<28800xi32, #tpu.memory_space<hbm>>
      tpu.wait_dma2 semaphore(%run_scoped3A : memref<!tpu.dma_semaphore, #tpu.memory_space<semaphore_mem>>) src(%dma_wait3A_922 : memref<28800xi32, #tpu.memory_space<hbm>>) dst(%dma_wait3A_921 : memref<28800xi32, #tpu.memory_space<vmem>>)
      tpu.yield
    }) : () -> ()
    %iota3A = tpu.iota {dimensions = array<i32: 0>} : vector<16xi32>
    %scan3A = arith.constant 0 : i32
    %scan3A_5 = arith.constant 0 : i32
    %scan3A_6 = arith.constant 240 : i32
    %scan3A_7 = arith.addi %scan3A_5, %scan3A_6 : i32
    %scan3A_8 = arith.constant 1 : i32
    %scan3A_9 = scf.for %scan3A_911 = %scan3A_5 to %scan3A_7 step %scan3A_8 iter_args(%scan3A_912 = %scan3A) -> (i32)  : i32 {
      %add3A_913 = arith.constant 0 : i32
      %add3A_914 = arith.addi %scan3A_912, %add3A_913 : i32
      %ge3A = arith.constant 30 : i32
      %ge3A_915 = arith.cmpi sge, %add3A_914, %ge3A : i32
      %sub3A = arith.constant 30 : i32
      %sub3A_916 = arith.subi %add3A_914, %sub3A : i32
      %select_n3A = arith.select %ge3A_915, %sub3A_916, %add3A_914 : i32
      %mul3A_917 = arith.constant 120 : i32
      %mul3A_918 = arith.muli %scan3A_911, %mul3A_917 : i32
      %add3A_919 = arith.constant 0 : i32
      %add3A_920 = arith.addi %mul3A_918, %add3A_919 : i32
      %mul3A_921 = arith.constant 30 : i32
      %mul3A_922 = arith.muli %select_n3A, %mul3A_921 : i32
      %add3A_923 = vector.broadcast %mul3A_922 : i32 to vector<16xi32>
      %add3A_924 = arith.addi %add3A_923, %iota3A : vector<16xi32>
      %get3A = arith.index_cast %add3A_920 : i32 to index
      %get3A_925 = tpu.vector_load %arg5[%get3A] {strides = array<i32>} : memref<28816xi32, #tpu.memory_space<vmem>>, vector<16xi32>,
      %get3A_926 = vector.shape_cast %get3A_925 : vector<16xi32> to vector<16xi32>
      %mul3A_927 = arith.constant 900 : i32
      %mul3A_928 = vector.broadcast %mul3A_927 : i32 to vector<16xi32>
      %mul3A_929 = arith.muli %get3A_926, %mul3A_928 : vector<16xi32>
      %add3A_930 = arith.addi %mul3A_929, %add3A_924 : vector<16xi32>
      %swap3A = arith.index_cast %scan3A_911 : i32 to index
      %swap3A_931 = arith.constant 0 : index
      %swap3A_932 = tpu.vector_load %arg6[%swap3A, %swap3A_931] {strides = array<i32>} : memref<240x128xi32, #tpu.memory_space<vmem>>, vector<1x16xi32>,
      %swap3A_933 = vector.shape_cast %swap3A_932 : vector<1x16xi32> to vector<16xi32>
      %swap3A_934 = vector.shape_cast %add3A_930 : vector<16xi32> to vector<1x16xi32>
      tpu.vector_store %arg6[%swap3A, %swap3A_931], %swap3A_934 {strides = array<i32>} : memref<240x128xi32, #tpu.memory_space<vmem>>, vector<1x16xi32>,
      %add3A_935 = arith.constant 16 : i32
      %add3A_936 = arith.addi %add3A_920, %add3A_935 : i32
      %get3A_937 = arith.index_cast %add3A_936 : i32 to index
      %get3A_938 = tpu.vector_load %arg5[%get3A_937] {strides = array<i32>} : memref<28816xi32, #tpu.memory_space<vmem>>, vector<16xi32>,
      %get3A_939 = vector.shape_cast %get3A_938 : vector<16xi32> to vector<16xi32>
      %mul3A_940 = arith.constant 900 : i32
      %mul3A_941 = vector.broadcast %mul3A_940 : i32 to vector<16xi32>
      %mul3A_942 = arith.muli %get3A_939, %mul3A_941 : vector<16xi32>
      %add3A_943 = arith.addi %mul3A_942, %add3A_924 : vector<16xi32>
      %add3A_944 = arith.constant 16 : i32
      %add3A_945 = vector.broadcast %add3A_944 : i32 to vector<16xi32>
      %add3A_946 = arith.addi %add3A_943, %add3A_945 : vector<16xi32>
      %swap3A_947 = arith.index_cast %scan3A_911 : i32 to index
      %swap3A_948 = arith.constant 16 : index
      %swap3A_949 = tpu.vector_load %arg6[%swap3A_947, %swap3A_948] {strides = array<i32>} : memref<240x128xi32, #tpu.memory_space<vmem>>, vector<1x16xi32>,
      %swap3A_950 = vector.shape_cast %swap3A_949 : vector<1x16xi32> to vector<16xi32>
      %swap3A_951 = vector.shape_cast %add3A_946 : vector<16xi32> to vector<1x16xi32>
      tpu.vector_store %arg6[%swap3A_947, %swap3A_948], %swap3A_951 {strides = array<i32>} : memref<240x128xi32, #tpu.memory_space<vmem>>, vector<1x16xi32>,
      %add3A_952 = arith.constant 1 : i32
      %add3A_953 = arith.addi %scan3A_912, %add3A_952 : i32
      %ge3A_954 = arith.constant 30 : i32
      %ge3A_955 = arith.cmpi sge, %add3A_953, %ge3A_954 : i32
      %sub3A_956 = arith.constant 30 : i32
      %sub3A_957 = arith.subi %add3A_953, %sub3A_956 : i32
      %select_n3A_958 = arith.select %ge3A_955, %sub3A_957, %add3A_953 : i32
      %mul3A_959 = arith.constant 120 : i32
      %mul3A_960 = arith.muli %scan3A_911, %mul3A_959 : i32
      %add3A_961 = arith.constant 30 : i32
      %add3A_962 = arith.addi %mul3A_960, %add3A_961 : i32
      %mul3A_963 = arith.constant 30 : i32
      %mul3A_964 = arith.muli %select_n3A_958, %mul3A_963 : i32
      %add3A_965 = vector.broadcast %mul3A_964 : i32 to vector<16xi32>
      %add3A_966 = arith.addi %add3A_965, %iota3A : vector<16xi32>
      %get3A_967 = arith.index_cast %add3A_962 : i32 to index
      %get3A_968 = tpu.vector_load %arg5[%get3A_967] {strides = array<i32>} : memref<28816xi32, #tpu.memory_space<vmem>>, vector<16xi32>,
      %get3A_969 = vector.shape_cast %get3A_968 : vector<16xi32> to vector<16xi32>
      %mul3A_970 = arith.constant 900 : i32
      %mul3A_971 = vector.broadcast %mul3A_970 : i32 to vector<16xi32>
      %mul3A_972 = arith.muli %get3A_969, %mul3A_971 : vector<16xi32>
      %add3A_973 = arith.addi %mul3A_972, %add3A_966 : vector<16xi32>
      %swap3A_974 = arith.index_cast %scan3A_911 : i32 to index
      %swap3A_975 = arith.constant 32 : index
      %swap3A_976 = tpu.vector_load %arg6[%swap3A_974, %swap3A_975] {strides = array<i32>} : memref<240x128xi32, #tpu.memory_space<vmem>>, vector<1x16xi32>,
      %swap3A_977 = vector.shape_cast %swap3A_976 : vector<1x16xi32> to vector<16xi32>
      %swap3A_978 = vector.shape_cast %add3A_973 : vector<16xi32> to vector<1x16xi32>
      tpu.vector_store %arg6[%swap3A_974, %swap3A_975], %swap3A_978 {strides = array<i32>} : memref<240x128xi32, #tpu.memory_space<vmem>>, vector<1x16xi32>,
      %add3A_979 = arith.constant 16 : i32
      %add3A_980 = arith.addi %add3A_962, %add3A_979 : i32
      %get3A_981 = arith.index_cast %add3A_980 : i32 to index
      %get3A_982 = tpu.vector_load %arg5[%get3A_981] {strides = array<i32>} : memref<28816xi32, #tpu.memory_space<vmem>>, vector<16xi32>,
      %get3A_983 = vector.shape_cast %get3A_982 : vector<16xi32> to vector<16xi32>
      %mul3A_984 = arith.constant 900 : i32
      %mul3A_985 = vector.broadcast %mul3A_984 : i32 to vector<16xi32>
      %mul3A_986 = arith.muli %get3A_983, %mul3A_985 : vector<16xi32>
      %add3A_987 = arith.addi %mul3A_986, %add3A_966 : vector<16xi32>
      %add3A_988 = arith.constant 16 : i32
      %add3A_989 = vector.broadcast %add3A_988 : i32 to vector<16xi32>
      %add3A_990 = arith.addi %add3A_987, %add3A_989 : vector<16xi32>
      %swap3A_991 = arith.index_cast %scan3A_911 : i32 to index
      %swap3A_992 = arith.constant 48 : index
      %swap3A_993 = tpu.vector_load %arg6[%swap3A_991, %swap3A_992] {strides = array<i32>} : memref<240x128xi32, #tpu.memory_space<vmem>>, vector<1x16xi32>,
      %swap3A_994 = vector.shape_cast %swap3A_993 : vector<1x16xi32> to vector<16xi32>
      %swap3A_995 = vector.shape_cast %add3A_990 : vector<16xi32> to vector<1x16xi32>
      tpu.vector_store %arg6[%swap3A_991, %swap3A_992], %swap3A_995 {strides = array<i32>} : memref<240x128xi32, #tpu.memory_space<vmem>>, vector<1x16xi32>,
      %add3A_996 = arith.constant 2 : i32
      %add3A_997 = arith.addi %scan3A_912, %add3A_996 : i32
      %ge3A_998 = arith.constant 30 : i32
      %ge3A_999 = arith.cmpi sge, %add3A_997, %ge3A_998 : i32
      %sub3A_1000 = arith.constant 30 : i32
      %sub3A_1001 = arith.subi %add3A_997, %sub3A_1000 : i32
      %select_n3A_1002 = arith.select %ge3A_999, %sub3A_1001, %add3A_997 : i32
      %mul3A_1003 = arith.constant 120 : i32
      %mul3A_1004 = arith.muli %scan3A_911, %mul3A_1003 : i32
      %add3A_1005 = arith.constant 60 : i32
      %add3A_1006 = arith.addi %mul3A_1004, %add3A_1005 : i32
      %mul3A_1007 = arith.constant 30 : i32
      %mul3A_1008 = arith.muli %select_n3A_1002, %mul3A_1007 : i32
      %add3A_1009 = vector.broadcast %mul3A_1008 : i32 to vector<16xi32>
      %add3A_1010 = arith.addi %add3A_1009, %iota3A : vector<16xi32>
      %get3A_1011 = arith.index_cast %add3A_1006 : i32 to index
      %get3A_1012 = tpu.vector_load %arg5[%get3A_1011] {strides = array<i32>} : memref<28816xi32, #tpu.memory_space<vmem>>, vector<16xi32>,
      %get3A_1013 = vector.shape_cast %get3A_1012 : vector<16xi32> to vector<16xi32>
      %mul3A_1014 = arith.constant 900 : i32
      %mul3A_1015 = vector.broadcast %mul3A_1014 : i32 to vector<16xi32>
      %mul3A_1016 = arith.muli %get3A_1013, %mul3A_1015 : vector<16xi32>
      %add3A_1017 = arith.addi %mul3A_1016, %add3A_1010 : vector<16xi32>
      %swap3A_1018 = arith.index_cast %scan3A_911 : i32 to index
      %swap3A_1019 = arith.constant 64 : index
      %swap3A_1020 = tpu.vector_load %arg6[%swap3A_1018, %swap3A_1019] {strides = array<i32>} : memref<240x128xi32, #tpu.memory_space<vmem>>, vector<1x16xi32>,
      %swap3A_1021 = vector.shape_cast %swap3A_1020 : vector<1x16xi32> to vector<16xi32>
      %swap3A_1022 = vector.shape_cast %add3A_1017 : vector<16xi32> to vector<1x16xi32>
      tpu.vector_store %arg6[%swap3A_1018, %swap3A_1019], %swap3A_1022 {strides = array<i32>} : memref<240x128xi32, #tpu.memory_space<vmem>>, vector<1x16xi32>,
      %add3A_1023 = arith.constant 16 : i32
      %add3A_1024 = arith.addi %add3A_1006, %add3A_1023 : i32
      %get3A_1025 = arith.index_cast %add3A_1024 : i32 to index
      %get3A_1026 = tpu.vector_load %arg5[%get3A_1025] {strides = array<i32>} : memref<28816xi32, #tpu.memory_space<vmem>>, vector<16xi32>,
      %get3A_1027 = vector.shape_cast %get3A_1026 : vector<16xi32> to vector<16xi32>
      %mul3A_1028 = arith.constant 900 : i32
      %mul3A_1029 = vector.broadcast %mul3A_1028 : i32 to vector<16xi32>
      %mul3A_1030 = arith.muli %get3A_1027, %mul3A_1029 : vector<16xi32>
      %add3A_1031 = arith.addi %mul3A_1030, %add3A_1010 : vector<16xi32>
      %add3A_1032 = arith.constant 16 : i32
      %add3A_1033 = vector.broadcast %add3A_1032 : i32 to vector<16xi32>
      %add3A_1034 = arith.addi %add3A_1031, %add3A_1033 : vector<16xi32>
      %swap3A_1035 = arith.index_cast %scan3A_911 : i32 to index
      %swap3A_1036 = arith.constant 80 : index
      %swap3A_1037 = tpu.vector_load %arg6[%swap3A_1035, %swap3A_1036] {strides = array<i32>} : memref<240x128xi32, #tpu.memory_space<vmem>>, vector<1x16xi32>,
      %swap3A_1038 = vector.shape_cast %swap3A_1037 : vector<1x16xi32> to vector<16xi32>
      %swap3A_1039 = vector.shape_cast %add3A_1034 : vector<16xi32> to vector<1x16xi32>
      tpu.vector_store %arg6[%swap3A_1035, %swap3A_1036], %swap3A_1039 {strides = array<i32>} : memref<240x128xi32, #tpu.memory_space<vmem>>, vector<1x16xi32>,
      %add3A_1040 = arith.constant 3 : i32
      %add3A_1041 = arith.addi %scan3A_912, %add3A_1040 : i32
      %ge3A_1042 = arith.constant 30 : i32
      %ge3A_1043 = arith.cmpi sge, %add3A_1041, %ge3A_1042 : i32
      %sub3A_1044 = arith.constant 30 : i32
      %sub3A_1045 = arith.subi %add3A_1041, %sub3A_1044 : i32
      %select_n3A_1046 = arith.select %ge3A_1043, %sub3A_1045, %add3A_1041 : i32
      %mul3A_1047 = arith.constant 120 : i32
      %mul3A_1048 = arith.muli %scan3A_911, %mul3A_1047 : i32
      %add3A_1049 = arith.constant 90 : i32
      %add3A_1050 = arith.addi %mul3A_1048, %add3A_1049 : i32
      %mul3A_1051 = arith.constant 30 : i32
      %mul3A_1052 = arith.muli %select_n3A_1046, %mul3A_1051 : i32
      %add3A_1053 = vector.broadcast %mul3A_1052 : i32 to vector<16xi32>
      %add3A_1054 = arith.addi %add3A_1053, %iota3A : vector<16xi32>
      %get3A_1055 = arith.index_cast %add3A_1050 : i32 to index
      %get3A_1056 = tpu.vector_load %arg5[%get3A_1055] {strides = array<i32>} : memref<28816xi32, #tpu.memory_space<vmem>>, vector<16xi32>,
      %get3A_1057 = vector.shape_cast %get3A_1056 : vector<16xi32> to vector<16xi32>
      %mul3A_1058 = arith.constant 900 : i32
      %mul3A_1059 = vector.broadcast %mul3A_1058 : i32 to vector<16xi32>
      %mul3A_1060 = arith.muli %get3A_1057, %mul3A_1059 : vector<16xi32>
      %add3A_1061 = arith.addi %mul3A_1060, %add3A_1054 : vector<16xi32>
      %swap3A_1062 = arith.index_cast %scan3A_911 : i32 to index
      %swap3A_1063 = arith.constant 96 : index
      %swap3A_1064 = tpu.vector_load %arg6[%swap3A_1062, %swap3A_1063] {strides = array<i32>} : memref<240x128xi32, #tpu.memory_space<vmem>>, vector<1x16xi32>,
      %swap3A_1065 = vector.shape_cast %swap3A_1064 : vector<1x16xi32> to vector<16xi32>
      %swap3A_1066 = vector.shape_cast %add3A_1061 : vector<16xi32> to vector<1x16xi32>
      tpu.vector_store %arg6[%swap3A_1062, %swap3A_1063], %swap3A_1066 {strides = array<i32>} : memref<240x128xi32, #tpu.memory_space<vmem>>, vector<1x16xi32>,
      %add3A_1067 = arith.constant 16 : i32
      %add3A_1068 = arith.addi %add3A_1050, %add3A_1067 : i32
      %get3A_1069 = arith.index_cast %add3A_1068 : i32 to index
      %get3A_1070 = tpu.vector_load %arg5[%get3A_1069] {strides = array<i32>} : memref<28816xi32, #tpu.memory_space<vmem>>, vector<16xi32>,
      %get3A_1071 = vector.shape_cast %get3A_1070 : vector<16xi32> to vector<16xi32>
      %mul3A_1072 = arith.constant 900 : i32
      %mul3A_1073 = vector.broadcast %mul3A_1072 : i32 to vector<16xi32>
      %mul3A_1074 = arith.muli %get3A_1071, %mul3A_1073 : vector<16xi32>
      %add3A_1075 = arith.addi %mul3A_1074, %add3A_1054 : vector<16xi32>
      %add3A_1076 = arith.constant 16 : i32
      %add3A_1077 = vector.broadcast %add3A_1076 : i32 to vector<16xi32>
      %add3A_1078 = arith.addi %add3A_1075, %add3A_1077 : vector<16xi32>
      %swap3A_1079 = arith.index_cast %scan3A_911 : i32 to index
      %swap3A_1080 = arith.constant 112 : index
      %swap3A_1081 = tpu.vector_load %arg6[%swap3A_1079, %swap3A_1080] {strides = array<i32>} : memref<240x128xi32, #tpu.memory_space<vmem>>, vector<1x16xi32>,
      %swap3A_1082 = vector.shape_cast %swap3A_1081 : vector<1x16xi32> to vector<16xi32>
      %swap3A_1083 = vector.shape_cast %add3A_1078 : vector<16xi32> to vector<1x16xi32>
      tpu.vector_store %arg6[%swap3A_1079, %swap3A_1080], %swap3A_1083 {strides = array<i32>} : memref<240x128xi32, #tpu.memory_space<vmem>>, vector<1x16xi32>,
      %add3A_1084 = arith.constant 4 : i32
      %add3A_1085 = arith.addi %scan3A_912, %add3A_1084 : i32
      %ge3A_1086 = arith.constant 30 : i32
      %ge3A_1087 = arith.cmpi sge, %add3A_1085, %ge3A_1086 : i32
      %sub3A_1088 = arith.constant 30 : i32
      %sub3A_1089 = arith.subi %add3A_1085, %sub3A_1088 : i32
      %select_n3A_1090 = arith.select %ge3A_1087, %sub3A_1089, %add3A_1085 : i32
      scf.yield %select_n3A_1090 : i32
    }
    %scan3A_10 = arith.constant 240 : i32
    %dma_start3A = arith.constant 0 : i32
    %dma_start3A_11 = arith.constant 0 : i32
    %dma_start3A_12 = arith.constant 0 : i32
    %dma_start3A_13 = arith.constant 0 : i32
    %dma_start3A_14 = arith.constant 0 : i32
    %dma_start3A_15 = tpu.memref_slice %arg7[%dma_start3A_11, %dma_start3A_12, %dma_start3A_13, %dma_start3A_14] : memref<3x4x30x128xf32, #tpu.memory_space<vmem>> -> memref<1x1x30x128xf32, #tpu.memory_space<vmem>>
    %dma_start3A_16 = tpu.memref_squeeze %dma_start3A_15 : memref<1x1x30x128xf32, #tpu.memory_space<vmem>> -> memref<30x128xf32, #tpu.memory_space<vmem>>
    %dma_start3A_17 = arith.constant 0 : i32
    %dma_start3A_18 = tpu.memref_slice %arg6[%dma_start3A, %dma_start3A_17] : memref<240x128xi32, #tpu.memory_space<vmem>> -> memref<1x30xi32, #tpu.memory_space<vmem>>
    %dma_start3A_19 = tpu.memref_squeeze %dma_start3A_18 : memref<1x30xi32, #tpu.memory_space<vmem>> -> memref<30xi32, #tpu.memory_space<vmem>>
    %dma_start3A_20 = arith.constant 0 : i32
    %dma_start3A_21 = arith.constant 0 : i32
    %dma_start3A_22 = tpu.memref_slice %arg2[%dma_start3A_20, %dma_start3A_21] : memref<9900x128xf32, #tpu.memory_space<hbm>> -> memref<9900x128xf32, #tpu.memory_space<hbm>>
    tpu.enqueue_indirect_dma source(%dma_start3A_22 : memref<9900x128xf32, #tpu.memory_space<hbm>>) target(%dma_start3A_16 : memref<30x128xf32, #tpu.memory_space<vmem>>) offsets(%dma_start3A_19 : memref<30xi32, #tpu.memory_space<vmem>>) semaphore(%arg8 : memref<!tpu.dma_semaphore, #tpu.memory_space<semaphore_mem>>)
    %dma_start3A_23 = arith.constant 0 : i32
    %dma_start3A_24 = arith.constant 0 : i32
    %dma_start3A_25 = arith.constant 1 : i32
    %dma_start3A_26 = arith.constant 0 : i32
    %dma_start3A_27 = arith.constant 0 : i32
    %dma_start3A_28 = tpu.memref_slice %arg7[%dma_start3A_24, %dma_start3A_25, %dma_start3A_26, %dma_start3A_27] : memref<3x4x30x128xf32, #tpu.memory_space<vmem>> -> memref<1x1x30x128xf32, #tpu.memory_space<vmem>>
    %dma_start3A_29 = tpu.memref_squeeze %dma_start3A_28 : memref<1x1x30x128xf32, #tpu.memory_space<vmem>> -> memref<30x128xf32, #tpu.memory_space<vmem>>
    %dma_start3A_30 = arith.constant 32 : i32
    %dma_start3A_31 = tpu.memref_slice %arg6[%dma_start3A_23, %dma_start3A_30] : memref<240x128xi32, #tpu.memory_space<vmem>> -> memref<1x30xi32, #tpu.memory_space<vmem>>
    %dma_start3A_32 = tpu.memref_squeeze %dma_start3A_31 : memref<1x30xi32, #tpu.memory_space<vmem>> -> memref<30xi32, #tpu.memory_space<vmem>>
    %dma_start3A_33 = arith.constant 0 : i32
    %dma_start3A_34 = arith.constant 0 : i32
    %dma_start3A_35 = tpu.memref_slice %arg2[%dma_start3A_33, %dma_start3A_34] : memref<9900x128xf32, #tpu.memory_space<hbm>> -> memref<9900x128xf32, #tpu.memory_space<hbm>>
    tpu.enqueue_indirect_dma source(%dma_start3A_35 : memref<9900x128xf32, #tpu.memory_space<hbm>>) target(%dma_start3A_29 : memref<30x128xf32, #tpu.memory_space<vmem>>) offsets(%dma_start3A_32 : memref<30xi32, #tpu.memory_space<vmem>>) semaphore(%arg8 : memref<!tpu.dma_semaphore, #tpu.memory_space<semaphore_mem>>)
    %dma_start3A_36 = arith.constant 0 : i32
    %dma_start3A_37 = arith.constant 0 : i32
    %dma_start3A_38 = arith.constant 2 : i32
    %dma_start3A_39 = arith.constant 0 : i32
    %dma_start3A_40 = arith.constant 0 : i32
    %dma_start3A_41 = tpu.memref_slice %arg7[%dma_start3A_37, %dma_start3A_38, %dma_start3A_39, %dma_start3A_40] : memref<3x4x30x128xf32, #tpu.memory_space<vmem>> -> memref<1x1x30x128xf32, #tpu.memory_space<vmem>>
    %dma_start3A_42 = tpu.memref_squeeze %dma_start3A_41 : memref<1x1x30x128xf32, #tpu.memory_space<vmem>> -> memref<30x128xf32, #tpu.memory_space<vmem>>
    %dma_start3A_43 = arith.constant 64 : i32
    %dma_start3A_44 = tpu.memref_slice %arg6[%dma_start3A_36, %dma_start3A_43] : memref<240x128xi32, #tpu.memory_space<vmem>> -> memref<1x30xi32, #tpu.memory_space<vmem>>
    %dma_start3A_45 = tpu.memref_squeeze %dma_start3A_44 : memref<1x30xi32, #tpu.memory_space<vmem>> -> memref<30xi32, #tpu.memory_space<vmem>>
    %dma_start3A_46 = arith.constant 0 : i32
    %dma_start3A_47 = arith.constant 0 : i32
    %dma_start3A_48 = tpu.memref_slice %arg2[%dma_start3A_46, %dma_start3A_47] : memref<9900x128xf32, #tpu.memory_space<hbm>> -> memref<9900x128xf32, #tpu.memory_space<hbm>>
    tpu.enqueue_indirect_dma source(%dma_start3A_48 : memref<9900x128xf32, #tpu.memory_space<hbm>>) target(%dma_start3A_42 : memref<30x128xf32, #tpu.memory_space<vmem>>) offsets(%dma_start3A_45 : memref<30xi32, #tpu.memory_space<vmem>>) semaphore(%arg8 : memref<!tpu.dma_semaphore, #tpu.memory_space<semaphore_mem>>)
    %dma_start3A_49 = arith.constant 0 : i32
    %dma_start3A_50 = arith.constant 0 : i32
    %dma_start3A_51 = arith.constant 3 : i32
    %dma_start3A_52 = arith.constant 0 : i32
    %dma_start3A_53 = arith.constant 0 : i32
    %dma_start3A_54 = tpu.memref_slice %arg7[%dma_start3A_50, %dma_start3A_51, %dma_start3A_52, %dma_start3A_53] : memref<3x4x30x128xf32, #tpu.memory_space<vmem>> -> memref<1x1x30x128xf32, #tpu.memory_space<vmem>>
    %dma_start3A_55 = tpu.memref_squeeze %dma_start3A_54 : memref<1x1x30x128xf32, #tpu.memory_space<vmem>> -> memref<30x128xf32, #tpu.memory_space<vmem>>
    %dma_start3A_56 = arith.constant 96 : i32
    %dma_start3A_57 = tpu.memref_slice %arg6[%dma_start3A_49, %dma_start3A_56] : memref<240x128xi32, #tpu.memory_space<vmem>> -> memref<1x30xi32, #tpu.memory_space<vmem>>
    %dma_start3A_58 = tpu.memref_squeeze %dma_start3A_57 : memref<1x30xi32, #tpu.memory_space<vmem>> -> memref<30xi32, #tpu.memory_space<vmem>>
    %dma_start3A_59 = arith.constant 0 : i32
    %dma_start3A_60 = arith.constant 0 : i32
    %dma_start3A_61 = tpu.memref_slice %arg2[%dma_start3A_59, %dma_start3A_60] : memref<9900x128xf32, #tpu.memory_space<hbm>> -> memref<9900x128xf32, #tpu.memory_space<hbm>>
    tpu.enqueue_indirect_dma source(%dma_start3A_61 : memref<9900x128xf32, #tpu.memory_space<hbm>>) target(%dma_start3A_55 : memref<30x128xf32, #tpu.memory_space<vmem>>) offsets(%dma_start3A_58 : memref<30xi32, #tpu.memory_space<vmem>>) semaphore(%arg8 : memref<!tpu.dma_semaphore, #tpu.memory_space<semaphore_mem>>)
    %dma_wait3A = arith.constant 0 : i32
    %dma_wait3A_62 = arith.constant 0 : i32
    %dma_wait3A_63 = arith.constant 0 : i32
    %dma_wait3A_64 = arith.constant 0 : i32
    %dma_wait3A_65 = arith.constant 0 : i32
    %dma_wait3A_66 = tpu.memref_slice %arg7[%dma_wait3A_62, %dma_wait3A_63, %dma_wait3A_64, %dma_wait3A_65] : memref<3x4x30x128xf32, #tpu.memory_space<vmem>> -> memref<1x1x30x128xf32, #tpu.memory_space<vmem>>
    %dma_wait3A_67 = tpu.memref_squeeze %dma_wait3A_66 : memref<1x1x30x128xf32, #tpu.memory_space<vmem>> -> memref<30x128xf32, #tpu.memory_space<vmem>>
    %dma_wait3A_68 = arith.constant 0 : i32
    %dma_wait3A_69 = tpu.memref_slice %arg6[%dma_wait3A, %dma_wait3A_68] : memref<240x128xi32, #tpu.memory_space<vmem>> -> memref<1x30xi32, #tpu.memory_space<vmem>>
    %dma_wait3A_70 = tpu.memref_squeeze %dma_wait3A_69 : memref<1x30xi32, #tpu.memory_space<vmem>> -> memref<30xi32, #tpu.memory_space<vmem>>
    %dma_wait3A_71 = arith.constant 0 : i32
    %dma_wait3A_72 = arith.constant 0 : i32
    %dma_wait3A_73 = tpu.memref_slice %arg2[%dma_wait3A_71, %dma_wait3A_72] : memref<9900x128xf32, #tpu.memory_space<hbm>> -> memref<9900x128xf32, #tpu.memory_space<hbm>>
    tpu.wait_indirect_dma semaphore(%arg8 : memref<!tpu.dma_semaphore, #tpu.memory_space<semaphore_mem>>) src(%dma_wait3A_73 : memref<9900x128xf32, #tpu.memory_space<hbm>>) dst(%dma_wait3A_67 : memref<30x128xf32, #tpu.memory_space<vmem>>)
    %dma_wait3A_74 = arith.constant 0 : i32
    %dma_wait3A_75 = arith.constant 0 : i32
    %dma_wait3A_76 = arith.constant 1 : i32
    %dma_wait3A_77 = arith.constant 0 : i32
    %dma_wait3A_78 = arith.constant 0 : i32
    %dma_wait3A_79 = tpu.memref_slice %arg7[%dma_wait3A_75, %dma_wait3A_76, %dma_wait3A_77, %dma_wait3A_78] : memref<3x4x30x128xf32, #tpu.memory_space<vmem>> -> memref<1x1x30x128xf32, #tpu.memory_space<vmem>>
    %dma_wait3A_80 = tpu.memref_squeeze %dma_wait3A_79 : memref<1x1x30x128xf32, #tpu.memory_space<vmem>> -> memref<30x128xf32, #tpu.memory_space<vmem>>
    %dma_wait3A_81 = arith.constant 32 : i32
    %dma_wait3A_82 = tpu.memref_slice %arg6[%dma_wait3A_74, %dma_wait3A_81] : memref<240x128xi32, #tpu.memory_space<vmem>> -> memref<1x30xi32, #tpu.memory_space<vmem>>
    %dma_wait3A_83 = tpu.memref_squeeze %dma_wait3A_82 : memref<1x30xi32, #tpu.memory_space<vmem>> -> memref<30xi32, #tpu.memory_space<vmem>>
    %dma_wait3A_84 = arith.constant 0 : i32
    %dma_wait3A_85 = arith.constant 0 : i32
    %dma_wait3A_86 = tpu.memref_slice %arg2[%dma_wait3A_84, %dma_wait3A_85] : memref<9900x128xf32, #tpu.memory_space<hbm>> -> memref<9900x128xf32, #tpu.memory_space<hbm>>
    tpu.wait_indirect_dma semaphore(%arg8 : memref<!tpu.dma_semaphore, #tpu.memory_space<semaphore_mem>>) src(%dma_wait3A_86 : memref<9900x128xf32, #tpu.memory_space<hbm>>) dst(%dma_wait3A_80 : memref<30x128xf32, #tpu.memory_space<vmem>>)
    %dma_wait3A_87 = arith.constant 0 : i32
    %dma_wait3A_88 = arith.constant 0 : i32
    %dma_wait3A_89 = arith.constant 2 : i32
    %dma_wait3A_90 = arith.constant 0 : i32
    %dma_wait3A_91 = arith.constant 0 : i32
    %dma_wait3A_92 = tpu.memref_slice %arg7[%dma_wait3A_88, %dma_wait3A_89, %dma_wait3A_90, %dma_wait3A_91] : memref<3x4x30x128xf32, #tpu.memory_space<vmem>> -> memref<1x1x30x128xf32, #tpu.memory_space<vmem>>
    %dma_wait3A_93 = tpu.memref_squeeze %dma_wait3A_92 : memref<1x1x30x128xf32, #tpu.memory_space<vmem>> -> memref<30x128xf32, #tpu.memory_space<vmem>>
    %dma_wait3A_94 = arith.constant 64 : i32
    %dma_wait3A_95 = tpu.memref_slice %arg6[%dma_wait3A_87, %dma_wait3A_94] : memref<240x128xi32, #tpu.memory_space<vmem>> -> memref<1x30xi32, #tpu.memory_space<vmem>>
    %dma_wait3A_96 = tpu.memref_squeeze %dma_wait3A_95 : memref<1x30xi32, #tpu.memory_space<vmem>> -> memref<30xi32, #tpu.memory_space<vmem>>
    %dma_wait3A_97 = arith.constant 0 : i32
    %dma_wait3A_98 = arith.constant 0 : i32
    %dma_wait3A_99 = tpu.memref_slice %arg2[%dma_wait3A_97, %dma_wait3A_98] : memref<9900x128xf32, #tpu.memory_space<hbm>> -> memref<9900x128xf32, #tpu.memory_space<hbm>>
    tpu.wait_indirect_dma semaphore(%arg8 : memref<!tpu.dma_semaphore, #tpu.memory_space<semaphore_mem>>) src(%dma_wait3A_99 : memref<9900x128xf32, #tpu.memory_space<hbm>>) dst(%dma_wait3A_93 : memref<30x128xf32, #tpu.memory_space<vmem>>)
    %dma_wait3A_100 = arith.constant 0 : i32
    %dma_wait3A_101 = arith.constant 0 : i32
    %dma_wait3A_102 = arith.constant 3 : i32
    %dma_wait3A_103 = arith.constant 0 : i32
    %dma_wait3A_104 = arith.constant 0 : i32
    %dma_wait3A_105 = tpu.memref_slice %arg7[%dma_wait3A_101, %dma_wait3A_102, %dma_wait3A_103, %dma_wait3A_104] : memref<3x4x30x128xf32, #tpu.memory_space<vmem>> -> memref<1x1x30x128xf32, #tpu.memory_space<vmem>>
    %dma_wait3A_106 = tpu.memref_squeeze %dma_wait3A_105 : memref<1x1x30x128xf32, #tpu.memory_space<vmem>> -> memref<30x128xf32, #tpu.memory_space<vmem>>
    %dma_wait3A_107 = arith.constant 96 : i32
    %dma_wait3A_108 = tpu.memref_slice %arg6[%dma_wait3A_100, %dma_wait3A_107] : memref<240x128xi32, #tpu.memory_space<vmem>> -> memref<1x30xi32, #tpu.memory_space<vmem>>
    %dma_wait3A_109 = tpu.memref_squeeze %dma_wait3A_108 : memref<1x30xi32, #tpu.memory_space<vmem>> -> memref<30xi32, #tpu.memory_space<vmem>>
    %dma_wait3A_110 = arith.constant 0 : i32
    %dma_wait3A_111 = arith.constant 0 : i32
    %dma_wait3A_112 = tpu.memref_slice %arg2[%dma_wait3A_110, %dma_wait3A_111] : memref<9900x128xf32, #tpu.memory_space<hbm>> -> memref<9900x128xf32, #tpu.memory_space<hbm>>
    tpu.wait_indirect_dma semaphore(%arg8 : memref<!tpu.dma_semaphore, #tpu.memory_space<semaphore_mem>>) src(%dma_wait3A_112 : memref<9900x128xf32, #tpu.memory_space<hbm>>) dst(%dma_wait3A_106 : memref<30x128xf32, #tpu.memory_space<vmem>>)
    %add3A_113 = arith.constant 0 : i32
    %add3A_114 = arith.addi %mul3A_2, %add3A_113 : i32
    %dma_start3A_115 = arith.constant 0 : i32
    %dma_start3A_116 = arith.constant 0 : i32
    %dma_start3A_117 = arith.constant 0 : i32
    %dma_start3A_118 = arith.constant 0 : i32
    %dma_start3A_119 = tpu.memref_slice %arg7[%dma_start3A_115, %dma_start3A_116, %dma_start3A_117, %dma_start3A_118] : memref<3x4x30x128xf32, #tpu.memory_space<vmem>> -> memref<1x4x30x128xf32, #tpu.memory_space<vmem>>
    %dma_start3A_120 = tpu.memref_squeeze %dma_start3A_119 : memref<1x4x30x128xf32, #tpu.memory_space<vmem>> -> memref<4x30x128xf32, #tpu.memory_space<vmem>>
    %dma_start3A_121 = arith.constant 0 : i32
    %dma_start3A_122 = arith.constant 0 : i32
    %dma_start3A_123 = arith.constant 0 : i32
    %dma_start3A_124 = tpu.memref_slice %arg4[%add3A_114, %dma_start3A_121, %dma_start3A_122, %dma_start3A_123] : memref<1024x30x30x128xf32, #tpu.memory_space<hbm>> -> memref<1x4x30x128xf32, #tpu.memory_space<hbm>>
    %dma_start3A_125 = tpu.memref_squeeze %dma_start3A_124 : memref<1x4x30x128xf32, #tpu.memory_space<hbm>> -> memref<4x30x128xf32, #tpu.memory_space<hbm>>
    %dma_start3A_126 = arith.constant 0 : i32
    %dma_start3A_127 = arith.constant 0 : i32
    %dma_start3A_128 = arith.constant 0 : i32
    %dma_start3A_129 = tpu.memref_slice %arg4[%add3A_114, %dma_start3A_126, %dma_start3A_127, %dma_start3A_128] : memref<1024x30x30x128xf32, #tpu.memory_space<hbm>> -> memref<1x4x30x128xf32, #tpu.memory_space<hbm>>
    %dma_start3A_130 = tpu.memref_squeeze %dma_start3A_129 : memref<1x4x30x128xf32, #tpu.memory_space<hbm>> -> memref<4x30x128xf32, #tpu.memory_space<hbm>>
    %dma_start3A_131 = arith.constant 0 : i32
    %dma_start3A_132 = arith.constant 0 : i32
    %dma_start3A_133 = arith.constant 0 : i32
    %dma_start3A_134 = tpu.memref_slice %arg7[%dma_start3A_115, %dma_start3A_131, %dma_start3A_132, %dma_start3A_133] : memref<3x4x30x128xf32, #tpu.memory_space<vmem>> -> memref<1x4x30x128xf32, #tpu.memory_space<vmem>>
    %dma_start3A_135 = tpu.memref_squeeze %dma_start3A_134 : memref<1x4x30x128xf32, #tpu.memory_space<vmem>> -> memref<4x30x128xf32, #tpu.memory_space<vmem>>
    tpu.enqueue_dma source(%dma_start3A_135 : memref<4x30x128xf32, #tpu.memory_space<vmem>>) target(%dma_start3A_130 : memref<4x30x128xf32, #tpu.memory_space<hbm>>) target_semaphore(%arg11 : memref<!tpu.dma_semaphore, #tpu.memory_space<semaphore_mem>>)
    %dma_start3A_136 = arith.constant 1 : i32
    %dma_start3A_137 = arith.constant 1 : i32
    %dma_start3A_138 = arith.constant 0 : i32
    %dma_start3A_139 = arith.constant 0 : i32
    %dma_start3A_140 = arith.constant 0 : i32
    %dma_start3A_141 = tpu.memref_slice %arg7[%dma_start3A_137, %dma_start3A_138, %dma_start3A_139, %dma_start3A_140] : memref<3x4x30x128xf32, #tpu.memory_space<vmem>> -> memref<1x1x30x128xf32, #tpu.memory_space<vmem>>
    %dma_start3A_142 = tpu.memref_squeeze %dma_start3A_141 : memref<1x1x30x128xf32, #tpu.memory_space<vmem>> -> memref<30x128xf32, #tpu.memory_space<vmem>>
    %dma_start3A_143 = arith.constant 0 : i32
    %dma_start3A_144 = tpu.memref_slice %arg6[%dma_start3A_136, %dma_start3A_143] : memref<240x128xi32, #tpu.memory_space<vmem>> -> memref<1x30xi32, #tpu.memory_space<vmem>>
    %dma_start3A_145 = tpu.memref_squeeze %dma_start3A_144 : memref<1x30xi32, #tpu.memory_space<vmem>> -> memref<30xi32, #tpu.memory_space<vmem>>
    %dma_start3A_146 = arith.constant 0 : i32
    %dma_start3A_147 = arith.constant 0 : i32
    %dma_start3A_148 = tpu.memref_slice %arg2[%dma_start3A_146, %dma_start3A_147] : memref<9900x128xf32, #tpu.memory_space<hbm>> -> memref<9900x128xf32, #tpu.memory_space<hbm>>
    tpu.enqueue_indirect_dma source(%dma_start3A_148 : memref<9900x128xf32, #tpu.memory_space<hbm>>) target(%dma_start3A_142 : memref<30x128xf32, #tpu.memory_space<vmem>>) offsets(%dma_start3A_145 : memref<30xi32, #tpu.memory_space<vmem>>) semaphore(%arg9 : memref<!tpu.dma_semaphore, #tpu.memory_space<semaphore_mem>>)
    %dma_start3A_149 = arith.constant 1 : i32
    %dma_start3A_150 = arith.constant 1 : i32
    %dma_start3A_151 = arith.constant 1 : i32
    %dma_start3A_152 = arith.constant 0 : i32
    %dma_start3A_153 = arith.constant 0 : i32
    %dma_start3A_154 = tpu.memref_slice %arg7[%dma_start3A_150, %dma_start3A_151, %dma_start3A_152, %dma_start3A_153] : memref<3x4x30x128xf32, #tpu.memory_space<vmem>> -> memref<1x1x30x128xf32, #tpu.memory_space<vmem>>
    %dma_start3A_155 = tpu.memref_squeeze %dma_start3A_154 : memref<1x1x30x128xf32, #tpu.memory_space<vmem>> -> memref<30x128xf32, #tpu.memory_space<vmem>>
    %dma_start3A_156 = arith.constant 32 : i32
    %dma_start3A_157 = tpu.memref_slice %arg6[%dma_start3A_149, %dma_start3A_156] : memref<240x128xi32, #tpu.memory_space<vmem>> -> memref<1x30xi32, #tpu.memory_space<vmem>>
    %dma_start3A_158 = tpu.memref_squeeze %dma_start3A_157 : memref<1x30xi32, #tpu.memory_space<vmem>> -> memref<30xi32, #tpu.memory_space<vmem>>
    %dma_start3A_159 = arith.constant 0 : i32
    %dma_start3A_160 = arith.constant 0 : i32
    %dma_start3A_161 = tpu.memref_slice %arg2[%dma_start3A_159, %dma_start3A_160] : memref<9900x128xf32, #tpu.memory_space<hbm>> -> memref<9900x128xf32, #tpu.memory_space<hbm>>
    tpu.enqueue_indirect_dma source(%dma_start3A_161 : memref<9900x128xf32, #tpu.memory_space<hbm>>) target(%dma_start3A_155 : memref<30x128xf32, #tpu.memory_space<vmem>>) offsets(%dma_start3A_158 : memref<30xi32, #tpu.memory_space<vmem>>) semaphore(%arg9 : memref<!tpu.dma_semaphore, #tpu.memory_space<semaphore_mem>>)
    %dma_start3A_162 = arith.constant 1 : i32
    %dma_start3A_163 = arith.constant 1 : i32
    %dma_start3A_164 = arith.constant 2 : i32
    %dma_start3A_165 = arith.constant 0 : i32
    %dma_start3A_166 = arith.constant 0 : i32
    %dma_start3A_167 = tpu.memref_slice %arg7[%dma_start3A_163, %dma_start3A_164, %dma_start3A_165, %dma_start3A_166] : memref<3x4x30x128xf32, #tpu.memory_space<vmem>> -> memref<1x1x30x128xf32, #tpu.memory_space<vmem>>
    %dma_start3A_168 = tpu.memref_squeeze %dma_start3A_167 : memref<1x1x30x128xf32, #tpu.memory_space<vmem>> -> memref<30x128xf32, #tpu.memory_space<vmem>>
    %dma_start3A_169 = arith.constant 64 : i32
    %dma_start3A_170 = tpu.memref_slice %arg6[%dma_start3A_162, %dma_start3A_169] : memref<240x128xi32, #tpu.memory_space<vmem>> -> memref<1x30xi32, #tpu.memory_space<vmem>>
    %dma_start3A_171 = tpu.memref_squeeze %dma_start3A_170 : memref<1x30xi32, #tpu.memory_space<vmem>> -> memref<30xi32, #tpu.memory_space<vmem>>
    %dma_start3A_172 = arith.constant 0 : i32
    %dma_start3A_173 = arith.constant 0 : i32
    %dma_start3A_174 = tpu.memref_slice %arg2[%dma_start3A_172, %dma_start3A_173] : memref<9900x128xf32, #tpu.memory_space<hbm>> -> memref<9900x128xf32, #tpu.memory_space<hbm>>
    tpu.enqueue_indirect_dma source(%dma_start3A_174 : memref<9900x128xf32, #tpu.memory_space<hbm>>) target(%dma_start3A_168 : memref<30x128xf32, #tpu.memory_space<vmem>>) offsets(%dma_start3A_171 : memref<30xi32, #tpu.memory_space<vmem>>) semaphore(%arg9 : memref<!tpu.dma_semaphore, #tpu.memory_space<semaphore_mem>>)
    %dma_start3A_175 = arith.constant 1 : i32
    %dma_start3A_176 = arith.constant 1 : i32
    %dma_start3A_177 = arith.constant 3 : i32
    %dma_start3A_178 = arith.constant 0 : i32
    %dma_start3A_179 = arith.constant 0 : i32
    %dma_start3A_180 = tpu.memref_slice %arg7[%dma_start3A_176, %dma_start3A_177, %dma_start3A_178, %dma_start3A_179] : memref<3x4x30x128xf32, #tpu.memory_space<vmem>> -> memref<1x1x30x128xf32, #tpu.memory_space<vmem>>
    %dma_start3A_181 = tpu.memref_squeeze %dma_start3A_180 : memref<1x1x30x128xf32, #tpu.memory_space<vmem>> -> memref<30x128xf32, #tpu.memory_space<vmem>>
    %dma_start3A_182 = arith.constant 96 : i32
    %dma_start3A_183 = tpu.memref_slice %arg6[%dma_start3A_175, %dma_start3A_182] : memref<240x128xi32, #tpu.memory_space<vmem>> -> memref<1x30xi32, #tpu.memory_space<vmem>>
    %dma_start3A_184 = tpu.memref_squeeze %dma_start3A_183 : memref<1x30xi32, #tpu.memory_space<vmem>> -> memref<30xi32, #tpu.memory_space<vmem>>
    %dma_start3A_185 = arith.constant 0 : i32
    %dma_start3A_186 = arith.constant 0 : i32
    %dma_start3A_187 = tpu.memref_slice %arg2[%dma_start3A_185, %dma_start3A_186] : memref<9900x128xf32, #tpu.memory_space<hbm>> -> memref<9900x128xf32, #tpu.memory_space<hbm>>
    tpu.enqueue_indirect_dma source(%dma_start3A_187 : memref<9900x128xf32, #tpu.memory_space<hbm>>) target(%dma_start3A_181 : memref<30x128xf32, #tpu.memory_space<vmem>>) offsets(%dma_start3A_184 : memref<30xi32, #tpu.memory_space<vmem>>) semaphore(%arg9 : memref<!tpu.dma_semaphore, #tpu.memory_space<semaphore_mem>>)
    %dma_wait3A_188 = arith.constant 1 : i32
    %dma_wait3A_189 = arith.constant 1 : i32
    %dma_wait3A_190 = arith.constant 0 : i32
    %dma_wait3A_191 = arith.constant 0 : i32
    %dma_wait3A_192 = arith.constant 0 : i32
    %dma_wait3A_193 = tpu.memref_slice %arg7[%dma_wait3A_189, %dma_wait3A_190, %dma_wait3A_191, %dma_wait3A_192] : memref<3x4x30x128xf32, #tpu.memory_space<vmem>> -> memref<1x1x30x128xf32, #tpu.memory_space<vmem>>
    %dma_wait3A_194 = tpu.memref_squeeze %dma_wait3A_193 : memref<1x1x30x128xf32, #tpu.memory_space<vmem>> -> memref<30x128xf32, #tpu.memory_space<vmem>>
    %dma_wait3A_195 = arith.constant 0 : i32
    %dma_wait3A_196 = tpu.memref_slice %arg6[%dma_wait3A_188, %dma_wait3A_195] : memref<240x128xi32, #tpu.memory_space<vmem>> -> memref<1x30xi32, #tpu.memory_space<vmem>>
    %dma_wait3A_197 = tpu.memref_squeeze %dma_wait3A_196 : memref<1x30xi32, #tpu.memory_space<vmem>> -> memref<30xi32, #tpu.memory_space<vmem>>
    %dma_wait3A_198 = arith.constant 0 : i32
    %dma_wait3A_199 = arith.constant 0 : i32
    %dma_wait3A_200 = tpu.memref_slice %arg2[%dma_wait3A_198, %dma_wait3A_199] : memref<9900x128xf32, #tpu.memory_space<hbm>> -> memref<9900x128xf32, #tpu.memory_space<hbm>>
    tpu.wait_indirect_dma semaphore(%arg9 : memref<!tpu.dma_semaphore, #tpu.memory_space<semaphore_mem>>) src(%dma_wait3A_200 : memref<9900x128xf32, #tpu.memory_space<hbm>>) dst(%dma_wait3A_194 : memref<30x128xf32, #tpu.memory_space<vmem>>)
    %dma_wait3A_201 = arith.constant 1 : i32
    %dma_wait3A_202 = arith.constant 1 : i32
    %dma_wait3A_203 = arith.constant 1 : i32
    %dma_wait3A_204 = arith.constant 0 : i32
    %dma_wait3A_205 = arith.constant 0 : i32
    %dma_wait3A_206 = tpu.memref_slice %arg7[%dma_wait3A_202, %dma_wait3A_203, %dma_wait3A_204, %dma_wait3A_205] : memref<3x4x30x128xf32, #tpu.memory_space<vmem>> -> memref<1x1x30x128xf32, #tpu.memory_space<vmem>>
    %dma_wait3A_207 = tpu.memref_squeeze %dma_wait3A_206 : memref<1x1x30x128xf32, #tpu.memory_space<vmem>> -> memref<30x128xf32, #tpu.memory_space<vmem>>
    %dma_wait3A_208 = arith.constant 32 : i32
    %dma_wait3A_209 = tpu.memref_slice %arg6[%dma_wait3A_201, %dma_wait3A_208] : memref<240x128xi32, #tpu.memory_space<vmem>> -> memref<1x30xi32, #tpu.memory_space<vmem>>
    %dma_wait3A_210 = tpu.memref_squeeze %dma_wait3A_209 : memref<1x30xi32, #tpu.memory_space<vmem>> -> memref<30xi32, #tpu.memory_space<vmem>>
    %dma_wait3A_211 = arith.constant 0 : i32
    %dma_wait3A_212 = arith.constant 0 : i32
    %dma_wait3A_213 = tpu.memref_slice %arg2[%dma_wait3A_211, %dma_wait3A_212] : memref<9900x128xf32, #tpu.memory_space<hbm>> -> memref<9900x128xf32, #tpu.memory_space<hbm>>
    tpu.wait_indirect_dma semaphore(%arg9 : memref<!tpu.dma_semaphore, #tpu.memory_space<semaphore_mem>>) src(%dma_wait3A_213 : memref<9900x128xf32, #tpu.memory_space<hbm>>) dst(%dma_wait3A_207 : memref<30x128xf32, #tpu.memory_space<vmem>>)
    %dma_wait3A_214 = arith.constant 1 : i32
    %dma_wait3A_215 = arith.constant 1 : i32
    %dma_wait3A_216 = arith.constant 2 : i32
    %dma_wait3A_217 = arith.constant 0 : i32
    %dma_wait3A_218 = arith.constant 0 : i32
    %dma_wait3A_219 = tpu.memref_slice %arg7[%dma_wait3A_215, %dma_wait3A_216, %dma_wait3A_217, %dma_wait3A_218] : memref<3x4x30x128xf32, #tpu.memory_space<vmem>> -> memref<1x1x30x128xf32, #tpu.memory_space<vmem>>
    %dma_wait3A_220 = tpu.memref_squeeze %dma_wait3A_219 : memref<1x1x30x128xf32, #tpu.memory_space<vmem>> -> memref<30x128xf32, #tpu.memory_space<vmem>>
    %dma_wait3A_221 = arith.constant 64 : i32
    %dma_wait3A_222 = tpu.memref_slice %arg6[%dma_wait3A_214, %dma_wait3A_221] : memref<240x128xi32, #tpu.memory_space<vmem>> -> memref<1x30xi32, #tpu.memory_space<vmem>>
    %dma_wait3A_223 = tpu.memref_squeeze %dma_wait3A_222 : memref<1x30xi32, #tpu.memory_space<vmem>> -> memref<30xi32, #tpu.memory_space<vmem>>
    %dma_wait3A_224 = arith.constant 0 : i32
    %dma_wait3A_225 = arith.constant 0 : i32
    %dma_wait3A_226 = tpu.memref_slice %arg2[%dma_wait3A_224, %dma_wait3A_225] : memref<9900x128xf32, #tpu.memory_space<hbm>> -> memref<9900x128xf32, #tpu.memory_space<hbm>>
    tpu.wait_indirect_dma semaphore(%arg9 : memref<!tpu.dma_semaphore, #tpu.memory_space<semaphore_mem>>) src(%dma_wait3A_226 : memref<9900x128xf32, #tpu.memory_space<hbm>>) dst(%dma_wait3A_220 : memref<30x128xf32, #tpu.memory_space<vmem>>)
    %dma_wait3A_227 = arith.constant 1 : i32
    %dma_wait3A_228 = arith.constant 1 : i32
    %dma_wait3A_229 = arith.constant 3 : i32
    %dma_wait3A_230 = arith.constant 0 : i32
    %dma_wait3A_231 = arith.constant 0 : i32
    %dma_wait3A_232 = tpu.memref_slice %arg7[%dma_wait3A_228, %dma_wait3A_229, %dma_wait3A_230, %dma_wait3A_231] : memref<3x4x30x128xf32, #tpu.memory_space<vmem>> -> memref<1x1x30x128xf32, #tpu.memory_space<vmem>>
    %dma_wait3A_233 = tpu.memref_squeeze %dma_wait3A_232 : memref<1x1x30x128xf32, #tpu.memory_space<vmem>> -> memref<30x128xf32, #tpu.memory_space<vmem>>
    %dma_wait3A_234 = arith.constant 96 : i32
    %dma_wait3A_235 = tpu.memref_slice %arg6[%dma_wait3A_227, %dma_wait3A_234] : memref<240x128xi32, #tpu.memory_space<vmem>> -> memref<1x30xi32, #tpu.memory_space<vmem>>
    %dma_wait3A_236 = tpu.memref_squeeze %dma_wait3A_235 : memref<1x30xi32, #tpu.memory_space<vmem>> -> memref<30xi32, #tpu.memory_space<vmem>>
    %dma_wait3A_237 = arith.constant 0 : i32
    %dma_wait3A_238 = arith.constant 0 : i32
    %dma_wait3A_239 = tpu.memref_slice %arg2[%dma_wait3A_237, %dma_wait3A_238] : memref<9900x128xf32, #tpu.memory_space<hbm>> -> memref<9900x128xf32, #tpu.memory_space<hbm>>
    tpu.wait_indirect_dma semaphore(%arg9 : memref<!tpu.dma_semaphore, #tpu.memory_space<semaphore_mem>>) src(%dma_wait3A_239 : memref<9900x128xf32, #tpu.memory_space<hbm>>) dst(%dma_wait3A_233 : memref<30x128xf32, #tpu.memory_space<vmem>>)
    %add3A_240 = arith.constant 0 : i32
    %add3A_241 = arith.addi %mul3A_2, %add3A_240 : i32
    %dma_start3A_242 = arith.constant 1 : i32
    %dma_start3A_243 = arith.constant 0 : i32
    %dma_start3A_244 = arith.constant 0 : i32
    %dma_start3A_245 = arith.constant 0 : i32
    %dma_start3A_246 = tpu.memref_slice %arg7[%dma_start3A_242, %dma_start3A_243, %dma_start3A_244, %dma_start3A_245] : memref<3x4x30x128xf32, #tpu.memory_space<vmem>> -> memref<1x4x30x128xf32, #tpu.memory_space<vmem>>
    %dma_start3A_247 = tpu.memref_squeeze %dma_start3A_246 : memref<1x4x30x128xf32, #tpu.memory_space<vmem>> -> memref<4x30x128xf32, #tpu.memory_space<vmem>>
    %dma_start3A_248 = arith.constant 4 : i32
    %dma_start3A_249 = arith.constant 0 : i32
    %dma_start3A_250 = arith.constant 0 : i32
    %dma_start3A_251 = tpu.memref_slice %arg4[%add3A_241, %dma_start3A_248, %dma_start3A_249, %dma_start3A_250] : memref<1024x30x30x128xf32, #tpu.memory_space<hbm>> -> memref<1x4x30x128xf32, #tpu.memory_space<hbm>>
    %dma_start3A_252 = tpu.memref_squeeze %dma_start3A_251 : memref<1x4x30x128xf32, #tpu.memory_space<hbm>> -> memref<4x30x128xf32, #tpu.memory_space<hbm>>
    %dma_start3A_253 = arith.constant 4 : i32
    %dma_start3A_254 = arith.constant 0 : i32
    %dma_start3A_255 = arith.constant 0 : i32
    %dma_start3A_256 = tpu.memref_slice %arg4[%add3A_241, %dma_start3A_253, %dma_start3A_254, %dma_start3A_255] : memref<1024x30x30x128xf32, #tpu.memory_space<hbm>> -> memref<1x4x30x128xf32, #tpu.memory_space<hbm>>
    %dma_start3A_257 = tpu.memref_squeeze %dma_start3A_256 : memref<1x4x30x128xf32, #tpu.memory_space<hbm>> -> memref<4x30x128xf32, #tpu.memory_space<hbm>>
    %dma_start3A_258 = arith.constant 0 : i32
    %dma_start3A_259 = arith.constant 0 : i32
    %dma_start3A_260 = arith.constant 0 : i32
    %dma_start3A_261 = tpu.memref_slice %arg7[%dma_start3A_242, %dma_start3A_258, %dma_start3A_259, %dma_start3A_260] : memref<3x4x30x128xf32, #tpu.memory_space<vmem>> -> memref<1x4x30x128xf32, #tpu.memory_space<vmem>>
    %dma_start3A_262 = tpu.memref_squeeze %dma_start3A_261 : memref<1x4x30x128xf32, #tpu.memory_space<vmem>> -> memref<4x30x128xf32, #tpu.memory_space<vmem>>
    tpu.enqueue_dma source(%dma_start3A_262 : memref<4x30x128xf32, #tpu.memory_space<vmem>>) target(%dma_start3A_257 : memref<4x30x128xf32, #tpu.memory_space<hbm>>) target_semaphore(%arg12 : memref<!tpu.dma_semaphore, #tpu.memory_space<semaphore_mem>>)
    %dma_start3A_263 = arith.constant 2 : i32
    %dma_start3A_264 = arith.constant 2 : i32
    %dma_start3A_265 = arith.constant 0 : i32
    %dma_start3A_266 = arith.constant 0 : i32
    %dma_start3A_267 = arith.constant 0 : i32
    %dma_start3A_268 = tpu.memref_slice %arg7[%dma_start3A_264, %dma_start3A_265, %dma_start3A_266, %dma_start3A_267] : memref<3x4x30x128xf32, #tpu.memory_space<vmem>> -> memref<1x1x30x128xf32, #tpu.memory_space<vmem>>
    %dma_start3A_269 = tpu.memref_squeeze %dma_start3A_268 : memref<1x1x30x128xf32, #tpu.memory_space<vmem>> -> memref<30x128xf32, #tpu.memory_space<vmem>>
    %dma_start3A_270 = arith.constant 0 : i32
    %dma_start3A_271 = tpu.memref_slice %arg6[%dma_start3A_263, %dma_start3A_270] : memref<240x128xi32, #tpu.memory_space<vmem>> -> memref<1x30xi32, #tpu.memory_space<vmem>>
    %dma_start3A_272 = tpu.memref_squeeze %dma_start3A_271 : memref<1x30xi32, #tpu.memory_space<vmem>> -> memref<30xi32, #tpu.memory_space<vmem>>
    %dma_start3A_273 = arith.constant 0 : i32
    %dma_start3A_274 = arith.constant 0 : i32
    %dma_start3A_275 = tpu.memref_slice %arg2[%dma_start3A_273, %dma_start3A_274] : memref<9900x128xf32, #tpu.memory_space<hbm>> -> memref<9900x128xf32, #tpu.memory_space<hbm>>
    tpu.enqueue_indirect_dma source(%dma_start3A_275 : memref<9900x128xf32, #tpu.memory_space<hbm>>) target(%dma_start3A_269 : memref<30x128xf32, #tpu.memory_space<vmem>>) offsets(%dma_start3A_272 : memref<30xi32, #tpu.memory_space<vmem>>) semaphore(%arg10 : memref<!tpu.dma_semaphore, #tpu.memory_space<semaphore_mem>>)
    %dma_start3A_276 = arith.constant 2 : i32
    %dma_start3A_277 = arith.constant 2 : i32
    %dma_start3A_278 = arith.constant 1 : i32
    %dma_start3A_279 = arith.constant 0 : i32
    %dma_start3A_280 = arith.constant 0 : i32
    %dma_start3A_281 = tpu.memref_slice %arg7[%dma_start3A_277, %dma_start3A_278, %dma_start3A_279, %dma_start3A_280] : memref<3x4x30x128xf32, #tpu.memory_space<vmem>> -> memref<1x1x30x128xf32, #tpu.memory_space<vmem>>
    %dma_start3A_282 = tpu.memref_squeeze %dma_start3A_281 : memref<1x1x30x128xf32, #tpu.memory_space<vmem>> -> memref<30x128xf32, #tpu.memory_space<vmem>>
    %dma_start3A_283 = arith.constant 32 : i32
    %dma_start3A_284 = tpu.memref_slice %arg6[%dma_start3A_276, %dma_start3A_283] : memref<240x128xi32, #tpu.memory_space<vmem>> -> memref<1x30xi32, #tpu.memory_space<vmem>>
    %dma_start3A_285 = tpu.memref_squeeze %dma_start3A_284 : memref<1x30xi32, #tpu.memory_space<vmem>> -> memref<30xi32, #tpu.memory_space<vmem>>
    %dma_start3A_286 = arith.constant 0 : i32
    %dma_start3A_287 = arith.constant 0 : i32
    %dma_start3A_288 = tpu.memref_slice %arg2[%dma_start3A_286, %dma_start3A_287] : memref<9900x128xf32, #tpu.memory_space<hbm>> -> memref<9900x128xf32, #tpu.memory_space<hbm>>
    tpu.enqueue_indirect_dma source(%dma_start3A_288 : memref<9900x128xf32, #tpu.memory_space<hbm>>) target(%dma_start3A_282 : memref<30x128xf32, #tpu.memory_space<vmem>>) offsets(%dma_start3A_285 : memref<30xi32, #tpu.memory_space<vmem>>) semaphore(%arg10 : memref<!tpu.dma_semaphore, #tpu.memory_space<semaphore_mem>>)
    %dma_start3A_289 = arith.constant 2 : i32
    %dma_start3A_290 = arith.constant 2 : i32
    %dma_start3A_291 = arith.constant 2 : i32
    %dma_start3A_292 = arith.constant 0 : i32
    %dma_start3A_293 = arith.constant 0 : i32
    %dma_start3A_294 = tpu.memref_slice %arg7[%dma_start3A_290, %dma_start3A_291, %dma_start3A_292, %dma_start3A_293] : memref<3x4x30x128xf32, #tpu.memory_space<vmem>> -> memref<1x1x30x128xf32, #tpu.memory_space<vmem>>
    %dma_start3A_295 = tpu.memref_squeeze %dma_start3A_294 : memref<1x1x30x128xf32, #tpu.memory_space<vmem>> -> memref<30x128xf32, #tpu.memory_space<vmem>>
    %dma_start3A_296 = arith.constant 64 : i32
    %dma_start3A_297 = tpu.memref_slice %arg6[%dma_start3A_289, %dma_start3A_296] : memref<240x128xi32, #tpu.memory_space<vmem>> -> memref<1x30xi32, #tpu.memory_space<vmem>>
    %dma_start3A_298 = tpu.memref_squeeze %dma_start3A_297 : memref<1x30xi32, #tpu.memory_space<vmem>> -> memref<30xi32, #tpu.memory_space<vmem>>
    %dma_start3A_299 = arith.constant 0 : i32
    %dma_start3A_300 = arith.constant 0 : i32
    %dma_start3A_301 = tpu.memref_slice %arg2[%dma_start3A_299, %dma_start3A_300] : memref<9900x128xf32, #tpu.memory_space<hbm>> -> memref<9900x128xf32, #tpu.memory_space<hbm>>
    tpu.enqueue_indirect_dma source(%dma_start3A_301 : memref<9900x128xf32, #tpu.memory_space<hbm>>) target(%dma_start3A_295 : memref<30x128xf32, #tpu.memory_space<vmem>>) offsets(%dma_start3A_298 : memref<30xi32, #tpu.memory_space<vmem>>) semaphore(%arg10 : memref<!tpu.dma_semaphore, #tpu.memory_space<semaphore_mem>>)
    %dma_start3A_302 = arith.constant 2 : i32
    %dma_start3A_303 = arith.constant 2 : i32
    %dma_start3A_304 = arith.constant 3 : i32
    %dma_start3A_305 = arith.constant 0 : i32
    %dma_start3A_306 = arith.constant 0 : i32
    %dma_start3A_307 = tpu.memref_slice %arg7[%dma_start3A_303, %dma_start3A_304, %dma_start3A_305, %dma_start3A_306] : memref<3x4x30x128xf32, #tpu.memory_space<vmem>> -> memref<1x1x30x128xf32, #tpu.memory_space<vmem>>
    %dma_start3A_308 = tpu.memref_squeeze %dma_start3A_307 : memref<1x1x30x128xf32, #tpu.memory_space<vmem>> -> memref<30x128xf32, #tpu.memory_space<vmem>>
    %dma_start3A_309 = arith.constant 96 : i32
    %dma_start3A_310 = tpu.memref_slice %arg6[%dma_start3A_302, %dma_start3A_309] : memref<240x128xi32, #tpu.memory_space<vmem>> -> memref<1x30xi32, #tpu.memory_space<vmem>>
    %dma_start3A_311 = tpu.memref_squeeze %dma_start3A_310 : memref<1x30xi32, #tpu.memory_space<vmem>> -> memref<30xi32, #tpu.memory_space<vmem>>
    %dma_start3A_312 = arith.constant 0 : i32
    %dma_start3A_313 = arith.constant 0 : i32
    %dma_start3A_314 = tpu.memref_slice %arg2[%dma_start3A_312, %dma_start3A_313] : memref<9900x128xf32, #tpu.memory_space<hbm>> -> memref<9900x128xf32, #tpu.memory_space<hbm>>
    tpu.enqueue_indirect_dma source(%dma_start3A_314 : memref<9900x128xf32, #tpu.memory_space<hbm>>) target(%dma_start3A_308 : memref<30x128xf32, #tpu.memory_space<vmem>>) offsets(%dma_start3A_311 : memref<30xi32, #tpu.memory_space<vmem>>) semaphore(%arg10 : memref<!tpu.dma_semaphore, #tpu.memory_space<semaphore_mem>>)
    %dma_wait3A_315 = arith.constant 2 : i32
    %dma_wait3A_316 = arith.constant 2 : i32
    %dma_wait3A_317 = arith.constant 0 : i32
    %dma_wait3A_318 = arith.constant 0 : i32
    %dma_wait3A_319 = arith.constant 0 : i32
    %dma_wait3A_320 = tpu.memref_slice %arg7[%dma_wait3A_316, %dma_wait3A_317, %dma_wait3A_318, %dma_wait3A_319] : memref<3x4x30x128xf32, #tpu.memory_space<vmem>> -> memref<1x1x30x128xf32, #tpu.memory_space<vmem>>
    %dma_wait3A_321 = tpu.memref_squeeze %dma_wait3A_320 : memref<1x1x30x128xf32, #tpu.memory_space<vmem>> -> memref<30x128xf32, #tpu.memory_space<vmem>>
    %dma_wait3A_322 = arith.constant 0 : i32
    %dma_wait3A_323 = tpu.memref_slice %arg6[%dma_wait3A_315, %dma_wait3A_322] : memref<240x128xi32, #tpu.memory_space<vmem>> -> memref<1x30xi32, #tpu.memory_space<vmem>>
    %dma_wait3A_324 = tpu.memref_squeeze %dma_wait3A_323 : memref<1x30xi32, #tpu.memory_space<vmem>> -> memref<30xi32, #tpu.memory_space<vmem>>
    %dma_wait3A_325 = arith.constant 0 : i32
    %dma_wait3A_326 = arith.constant 0 : i32
    %dma_wait3A_327 = tpu.memref_slice %arg2[%dma_wait3A_325, %dma_wait3A_326] : memref<9900x128xf32, #tpu.memory_space<hbm>> -> memref<9900x128xf32, #tpu.memory_space<hbm>>
    tpu.wait_indirect_dma semaphore(%arg10 : memref<!tpu.dma_semaphore, #tpu.memory_space<semaphore_mem>>) src(%dma_wait3A_327 : memref<9900x128xf32, #tpu.memory_space<hbm>>) dst(%dma_wait3A_321 : memref<30x128xf32, #tpu.memory_space<vmem>>)
    %dma_wait3A_328 = arith.constant 2 : i32
    %dma_wait3A_329 = arith.constant 2 : i32
    %dma_wait3A_330 = arith.constant 1 : i32
    %dma_wait3A_331 = arith.constant 0 : i32
    %dma_wait3A_332 = arith.constant 0 : i32
    %dma_wait3A_333 = tpu.memref_slice %arg7[%dma_wait3A_329, %dma_wait3A_330, %dma_wait3A_331, %dma_wait3A_332] : memref<3x4x30x128xf32, #tpu.memory_space<vmem>> -> memref<1x1x30x128xf32, #tpu.memory_space<vmem>>
    %dma_wait3A_334 = tpu.memref_squeeze %dma_wait3A_333 : memref<1x1x30x128xf32, #tpu.memory_space<vmem>> -> memref<30x128xf32, #tpu.memory_space<vmem>>
    %dma_wait3A_335 = arith.constant 32 : i32
    %dma_wait3A_336 = tpu.memref_slice %arg6[%dma_wait3A_328, %dma_wait3A_335] : memref<240x128xi32, #tpu.memory_space<vmem>> -> memref<1x30xi32, #tpu.memory_space<vmem>>
    %dma_wait3A_337 = tpu.memref_squeeze %dma_wait3A_336 : memref<1x30xi32, #tpu.memory_space<vmem>> -> memref<30xi32, #tpu.memory_space<vmem>>
    %dma_wait3A_338 = arith.constant 0 : i32
    %dma_wait3A_339 = arith.constant 0 : i32
    %dma_wait3A_340 = tpu.memref_slice %arg2[%dma_wait3A_338, %dma_wait3A_339] : memref<9900x128xf32, #tpu.memory_space<hbm>> -> memref<9900x128xf32, #tpu.memory_space<hbm>>
    tpu.wait_indirect_dma semaphore(%arg10 : memref<!tpu.dma_semaphore, #tpu.memory_space<semaphore_mem>>) src(%dma_wait3A_340 : memref<9900x128xf32, #tpu.memory_space<hbm>>) dst(%dma_wait3A_334 : memref<30x128xf32, #tpu.memory_space<vmem>>)
    %dma_wait3A_341 = arith.constant 2 : i32
    %dma_wait3A_342 = arith.constant 2 : i32
    %dma_wait3A_343 = arith.constant 2 : i32
    %dma_wait3A_344 = arith.constant 0 : i32
    %dma_wait3A_345 = arith.constant 0 : i32
    %dma_wait3A_346 = tpu.memref_slice %arg7[%dma_wait3A_342, %dma_wait3A_343, %dma_wait3A_344, %dma_wait3A_345] : memref<3x4x30x128xf32, #tpu.memory_space<vmem>> -> memref<1x1x30x128xf32, #tpu.memory_space<vmem>>
    %dma_wait3A_347 = tpu.memref_squeeze %dma_wait3A_346 : memref<1x1x30x128xf32, #tpu.memory_space<vmem>> -> memref<30x128xf32, #tpu.memory_space<vmem>>
    %dma_wait3A_348 = arith.constant 64 : i32
    %dma_wait3A_349 = tpu.memref_slice %arg6[%dma_wait3A_341, %dma_wait3A_348] : memref<240x128xi32, #tpu.memory_space<vmem>> -> memref<1x30xi32, #tpu.memory_space<vmem>>
    %dma_wait3A_350 = tpu.memref_squeeze %dma_wait3A_349 : memref<1x30xi32, #tpu.memory_space<vmem>> -> memref<30xi32, #tpu.memory_space<vmem>>
    %dma_wait3A_351 = arith.constant 0 : i32
    %dma_wait3A_352 = arith.constant 0 : i32
    %dma_wait3A_353 = tpu.memref_slice %arg2[%dma_wait3A_351, %dma_wait3A_352] : memref<9900x128xf32, #tpu.memory_space<hbm>> -> memref<9900x128xf32, #tpu.memory_space<hbm>>
    tpu.wait_indirect_dma semaphore(%arg10 : memref<!tpu.dma_semaphore, #tpu.memory_space<semaphore_mem>>) src(%dma_wait3A_353 : memref<9900x128xf32, #tpu.memory_space<hbm>>) dst(%dma_wait3A_347 : memref<30x128xf32, #tpu.memory_space<vmem>>)
    %dma_wait3A_354 = arith.constant 2 : i32
    %dma_wait3A_355 = arith.constant 2 : i32
    %dma_wait3A_356 = arith.constant 3 : i32
    %dma_wait3A_357 = arith.constant 0 : i32
    %dma_wait3A_358 = arith.constant 0 : i32
    %dma_wait3A_359 = tpu.memref_slice %arg7[%dma_wait3A_355, %dma_wait3A_356, %dma_wait3A_357, %dma_wait3A_358] : memref<3x4x30x128xf32, #tpu.memory_space<vmem>> -> memref<1x1x30x128xf32, #tpu.memory_space<vmem>>
    %dma_wait3A_360 = tpu.memref_squeeze %dma_wait3A_359 : memref<1x1x30x128xf32, #tpu.memory_space<vmem>> -> memref<30x128xf32, #tpu.memory_space<vmem>>
    %dma_wait3A_361 = arith.constant 96 : i32
    %dma_wait3A_362 = tpu.memref_slice %arg6[%dma_wait3A_354, %dma_wait3A_361] : memref<240x128xi32, #tpu.memory_space<vmem>> -> memref<1x30xi32, #tpu.memory_space<vmem>>
    %dma_wait3A_363 = tpu.memref_squeeze %dma_wait3A_362 : memref<1x30xi32, #tpu.memory_space<vmem>> -> memref<30xi32, #tpu.memory_space<vmem>>
    %dma_wait3A_364 = arith.constant 0 : i32
    %dma_wait3A_365 = arith.constant 0 : i32
    %dma_wait3A_366 = tpu.memref_slice %arg2[%dma_wait3A_364, %dma_wait3A_365] : memref<9900x128xf32, #tpu.memory_space<hbm>> -> memref<9900x128xf32, #tpu.memory_space<hbm>>
    tpu.wait_indirect_dma semaphore(%arg10 : memref<!tpu.dma_semaphore, #tpu.memory_space<semaphore_mem>>) src(%dma_wait3A_366 : memref<9900x128xf32, #tpu.memory_space<hbm>>) dst(%dma_wait3A_360 : memref<30x128xf32, #tpu.memory_space<vmem>>)
    %add3A_367 = arith.constant 0 : i32
    %add3A_368 = arith.addi %mul3A_2, %add3A_367 : i32
    %dma_start3A_369 = arith.constant 2 : i32
    %dma_start3A_370 = arith.constant 0 : i32
    %dma_start3A_371 = arith.constant 0 : i32
    %dma_start3A_372 = arith.constant 0 : i32
    %dma_start3A_373 = tpu.memref_slice %arg7[%dma_start3A_369, %dma_start3A_370, %dma_start3A_371, %dma_start3A_372] : memref<3x4x30x128xf32, #tpu.memory_space<vmem>> -> memref<1x4x30x128xf32, #tpu.memory_space<vmem>>
    %dma_start3A_374 = tpu.memref_squeeze %dma_start3A_373 : memref<1x4x30x128xf32, #tpu.memory_space<vmem>> -> memref<4x30x128xf32, #tpu.memory_space<vmem>>
    %dma_start3A_375 = arith.constant 8 : i32
    %dma_start3A_376 = arith.constant 0 : i32
    %dma_start3A_377 = arith.constant 0 : i32
    %dma_start3A_378 = tpu.memref_slice %arg4[%add3A_368, %dma_start3A_375, %dma_start3A_376, %dma_start3A_377] : memref<1024x30x30x128xf32, #tpu.memory_space<hbm>> -> memref<1x4x30x128xf32, #tpu.memory_space<hbm>>
    %dma_start3A_379 = tpu.memref_squeeze %dma_start3A_378 : memref<1x4x30x128xf32, #tpu.memory_space<hbm>> -> memref<4x30x128xf32, #tpu.memory_space<hbm>>
    %dma_start3A_380 = arith.constant 8 : i32
    %dma_start3A_381 = arith.constant 0 : i32
    %dma_start3A_382 = arith.constant 0 : i32
    %dma_start3A_383 = tpu.memref_slice %arg4[%add3A_368, %dma_start3A_380, %dma_start3A_381, %dma_start3A_382] : memref<1024x30x30x128xf32, #tpu.memory_space<hbm>> -> memref<1x4x30x128xf32, #tpu.memory_space<hbm>>
    %dma_start3A_384 = tpu.memref_squeeze %dma_start3A_383 : memref<1x4x30x128xf32, #tpu.memory_space<hbm>> -> memref<4x30x128xf32, #tpu.memory_space<hbm>>
    %dma_start3A_385 = arith.constant 0 : i32
    %dma_start3A_386 = arith.constant 0 : i32
    %dma_start3A_387 = arith.constant 0 : i32
    %dma_start3A_388 = tpu.memref_slice %arg7[%dma_start3A_369, %dma_start3A_385, %dma_start3A_386, %dma_start3A_387] : memref<3x4x30x128xf32, #tpu.memory_space<vmem>> -> memref<1x4x30x128xf32, #tpu.memory_space<vmem>>
    %dma_start3A_389 = tpu.memref_squeeze %dma_start3A_388 : memref<1x4x30x128xf32, #tpu.memory_space<vmem>> -> memref<4x30x128xf32, #tpu.memory_space<vmem>>
    tpu.enqueue_dma source(%dma_start3A_389 : memref<4x30x128xf32, #tpu.memory_space<vmem>>) target(%dma_start3A_384 : memref<4x30x128xf32, #tpu.memory_space<hbm>>) target_semaphore(%arg13 : memref<!tpu.dma_semaphore, #tpu.memory_space<semaphore_mem>>)
    %dma_wait3A_390 = arith.constant 0 : i32
    %dma_wait3A_391 = arith.constant 0 : i32
    %dma_wait3A_392 = arith.constant 0 : i32
    %dma_wait3A_393 = arith.constant 0 : i32
    %dma_wait3A_394 = arith.constant 0 : i32
    %dma_wait3A_395 = tpu.memref_slice %arg7[%dma_wait3A_390, %dma_wait3A_392, %dma_wait3A_393, %dma_wait3A_394] : memref<3x4x30x128xf32, #tpu.memory_space<vmem>> -> memref<1x4x30x128xf32, #tpu.memory_space<vmem>>
    %dma_wait3A_396 = tpu.memref_squeeze %dma_wait3A_395 : memref<1x4x30x128xf32, #tpu.memory_space<vmem>> -> memref<4x30x128xf32, #tpu.memory_space<vmem>>
    %dma_wait3A_397 = arith.constant 0 : i32
    %dma_wait3A_398 = arith.constant 0 : i32
    %dma_wait3A_399 = arith.constant 0 : i32
    %dma_wait3A_400 = tpu.memref_slice %arg4[%dma_wait3A_391, %dma_wait3A_397, %dma_wait3A_398, %dma_wait3A_399] : memref<1024x30x30x128xf32, #tpu.memory_space<hbm>> -> memref<1x4x30x128xf32, #tpu.memory_space<hbm>>
    %dma_wait3A_401 = tpu.memref_squeeze %dma_wait3A_400 : memref<1x4x30x128xf32, #tpu.memory_space<hbm>> -> memref<4x30x128xf32, #tpu.memory_space<hbm>>
    %dma_wait3A_402 = arith.constant 0 : i32
    %dma_wait3A_403 = arith.constant 0 : i32
    %dma_wait3A_404 = arith.constant 0 : i32
    %dma_wait3A_405 = tpu.memref_slice %arg4[%dma_wait3A_391, %dma_wait3A_402, %dma_wait3A_403, %dma_wait3A_404] : memref<1024x30x30x128xf32, #tpu.memory_space<hbm>> -> memref<1x4x30x128xf32, #tpu.memory_space<hbm>>
    %dma_wait3A_406 = tpu.memref_squeeze %dma_wait3A_405 : memref<1x4x30x128xf32, #tpu.memory_space<hbm>> -> memref<4x30x128xf32, #tpu.memory_space<hbm>>
    %dma_wait3A_407 = arith.constant 0 : i32
    %dma_wait3A_408 = arith.constant 0 : i32
    %dma_wait3A_409 = arith.constant 0 : i32
    %dma_wait3A_410 = tpu.memref_slice %arg7[%dma_wait3A_390, %dma_wait3A_407, %dma_wait3A_408, %dma_wait3A_409] : memref<3x4x30x128xf32, #tpu.memory_space<vmem>> -> memref<1x4x30x128xf32, #tpu.memory_space<vmem>>
    %dma_wait3A_411 = tpu.memref_squeeze %dma_wait3A_410 : memref<1x4x30x128xf32, #tpu.memory_space<vmem>> -> memref<4x30x128xf32, #tpu.memory_space<vmem>>
    tpu.wait_dma2 semaphore(%arg11 : memref<!tpu.dma_semaphore, #tpu.memory_space<semaphore_mem>>) src(%dma_wait3A_411 : memref<4x30x128xf32, #tpu.memory_space<vmem>>) dst(%dma_wait3A_406 : memref<4x30x128xf32, #tpu.memory_space<hbm>>)
    %dma_start3A_412 = arith.constant 3 : i32
    %dma_start3A_413 = arith.constant 0 : i32
    %dma_start3A_414 = arith.constant 0 : i32
    %dma_start3A_415 = arith.constant 0 : i32
    %dma_start3A_416 = arith.constant 0 : i32
    %dma_start3A_417 = tpu.memref_slice %arg7[%dma_start3A_413, %dma_start3A_414, %dma_start3A_415, %dma_start3A_416] : memref<3x4x30x128xf32, #tpu.memory_space<vmem>> -> memref<1x1x30x128xf32, #tpu.memory_space<vmem>>
    %dma_start3A_418 = tpu.memref_squeeze %dma_start3A_417 : memref<1x1x30x128xf32, #tpu.memory_space<vmem>> -> memref<30x128xf32, #tpu.memory_space<vmem>>
    %dma_start3A_419 = arith.constant 0 : i32
    %dma_start3A_420 = tpu.memref_slice %arg6[%dma_start3A_412, %dma_start3A_419] : memref<240x128xi32, #tpu.memory_space<vmem>> -> memref<1x30xi32, #tpu.memory_space<vmem>>
    %dma_start3A_421 = tpu.memref_squeeze %dma_start3A_420 : memref<1x30xi32, #tpu.memory_space<vmem>> -> memref<30xi32, #tpu.memory_space<vmem>>
    %dma_start3A_422 = arith.constant 0 : i32
    %dma_start3A_423 = arith.constant 0 : i32
    %dma_start3A_424 = tpu.memref_slice %arg2[%dma_start3A_422, %dma_start3A_423] : memref<9900x128xf32, #tpu.memory_space<hbm>> -> memref<9900x128xf32, #tpu.memory_space<hbm>>
    tpu.enqueue_indirect_dma source(%dma_start3A_424 : memref<9900x128xf32, #tpu.memory_space<hbm>>) target(%dma_start3A_418 : memref<30x128xf32, #tpu.memory_space<vmem>>) offsets(%dma_start3A_421 : memref<30xi32, #tpu.memory_space<vmem>>) semaphore(%arg8 : memref<!tpu.dma_semaphore, #tpu.memory_space<semaphore_mem>>)
    %dma_start3A_425 = arith.constant 3 : i32
    %dma_start3A_426 = arith.constant 0 : i32
    %dma_start3A_427 = arith.constant 1 : i32
    %dma_start3A_428 = arith.constant 0 : i32
    %dma_start3A_429 = arith.constant 0 : i32
    %dma_start3A_430 = tpu.memref_slice %arg7[%dma_start3A_426, %dma_start3A_427, %dma_start3A_428, %dma_start3A_429] : memref<3x4x30x128xf32, #tpu.memory_space<vmem>> -> memref<1x1x30x128xf32, #tpu.memory_space<vmem>>
    %dma_start3A_431 = tpu.memref_squeeze %dma_start3A_430 : memref<1x1x30x128xf32, #tpu.memory_space<vmem>> -> memref<30x128xf32, #tpu.memory_space<vmem>>
    %dma_start3A_432 = arith.constant 32 : i32
    %dma_start3A_433 = tpu.memref_slice %arg6[%dma_start3A_425, %dma_start3A_432] : memref<240x128xi32, #tpu.memory_space<vmem>> -> memref<1x30xi32, #tpu.memory_space<vmem>>
    %dma_start3A_434 = tpu.memref_squeeze %dma_start3A_433 : memref<1x30xi32, #tpu.memory_space<vmem>> -> memref<30xi32, #tpu.memory_space<vmem>>
    %dma_start3A_435 = arith.constant 0 : i32
    %dma_start3A_436 = arith.constant 0 : i32
    %dma_start3A_437 = tpu.memref_slice %arg2[%dma_start3A_435, %dma_start3A_436] : memref<9900x128xf32, #tpu.memory_space<hbm>> -> memref<9900x128xf32, #tpu.memory_space<hbm>>
    tpu.enqueue_indirect_dma source(%dma_start3A_437 : memref<9900x128xf32, #tpu.memory_space<hbm>>) target(%dma_start3A_431 : memref<30x128xf32, #tpu.memory_space<vmem>>) offsets(%dma_start3A_434 : memref<30xi32, #tpu.memory_space<vmem>>) semaphore(%arg8 : memref<!tpu.dma_semaphore, #tpu.memory_space<semaphore_mem>>)
    %dma_start3A_438 = arith.constant 3 : i32
    %dma_start3A_439 = arith.constant 0 : i32
    %dma_start3A_440 = arith.constant 2 : i32
    %dma_start3A_441 = arith.constant 0 : i32
    %dma_start3A_442 = arith.constant 0 : i32
    %dma_start3A_443 = tpu.memref_slice %arg7[%dma_start3A_439, %dma_start3A_440, %dma_start3A_441, %dma_start3A_442] : memref<3x4x30x128xf32, #tpu.memory_space<vmem>> -> memref<1x1x30x128xf32, #tpu.memory_space<vmem>>
    %dma_start3A_444 = tpu.memref_squeeze %dma_start3A_443 : memref<1x1x30x128xf32, #tpu.memory_space<vmem>> -> memref<30x128xf32, #tpu.memory_space<vmem>>
    %dma_start3A_445 = arith.constant 64 : i32
    %dma_start3A_446 = tpu.memref_slice %arg6[%dma_start3A_438, %dma_start3A_445] : memref<240x128xi32, #tpu.memory_space<vmem>> -> memref<1x30xi32, #tpu.memory_space<vmem>>
    %dma_start3A_447 = tpu.memref_squeeze %dma_start3A_446 : memref<1x30xi32, #tpu.memory_space<vmem>> -> memref<30xi32, #tpu.memory_space<vmem>>
    %dma_start3A_448 = arith.constant 0 : i32
    %dma_start3A_449 = arith.constant 0 : i32
    %dma_start3A_450 = tpu.memref_slice %arg2[%dma_start3A_448, %dma_start3A_449] : memref<9900x128xf32, #tpu.memory_space<hbm>> -> memref<9900x128xf32, #tpu.memory_space<hbm>>
    tpu.enqueue_indirect_dma source(%dma_start3A_450 : memref<9900x128xf32, #tpu.memory_space<hbm>>) target(%dma_start3A_444 : memref<30x128xf32, #tpu.memory_space<vmem>>) offsets(%dma_start3A_447 : memref<30xi32, #tpu.memory_space<vmem>>) semaphore(%arg8 : memref<!tpu.dma_semaphore, #tpu.memory_space<semaphore_mem>>)
    %dma_start3A_451 = arith.constant 3 : i32
    %dma_start3A_452 = arith.constant 0 : i32
    %dma_start3A_453 = arith.constant 3 : i32
    %dma_start3A_454 = arith.constant 0 : i32
    %dma_start3A_455 = arith.constant 0 : i32
    %dma_start3A_456 = tpu.memref_slice %arg7[%dma_start3A_452, %dma_start3A_453, %dma_start3A_454, %dma_start3A_455] : memref<3x4x30x128xf32, #tpu.memory_space<vmem>> -> memref<1x1x30x128xf32, #tpu.memory_space<vmem>>
    %dma_start3A_457 = tpu.memref_squeeze %dma_start3A_456 : memref<1x1x30x128xf32, #tpu.memory_space<vmem>> -> memref<30x128xf32, #tpu.memory_space<vmem>>
    %dma_start3A_458 = arith.constant 96 : i32
    %dma_start3A_459 = tpu.memref_slice %arg6[%dma_start3A_451, %dma_start3A_458] : memref<240x128xi32, #tpu.memory_space<vmem>> -> memref<1x30xi32, #tpu.memory_space<vmem>>
    %dma_start3A_460 = tpu.memref_squeeze %dma_start3A_459 : memref<1x30xi32, #tpu.memory_space<vmem>> -> memref<30xi32, #tpu.memory_space<vmem>>
    %dma_start3A_461 = arith.constant 0 : i32
    %dma_start3A_462 = arith.constant 0 : i32
    %dma_start3A_463 = tpu.memref_slice %arg2[%dma_start3A_461, %dma_start3A_462] : memref<9900x128xf32, #tpu.memory_space<hbm>> -> memref<9900x128xf32, #tpu.memory_space<hbm>>
    tpu.enqueue_indirect_dma source(%dma_start3A_463 : memref<9900x128xf32, #tpu.memory_space<hbm>>) target(%dma_start3A_457 : memref<30x128xf32, #tpu.memory_space<vmem>>) offsets(%dma_start3A_460 : memref<30xi32, #tpu.memory_space<vmem>>) semaphore(%arg8 : memref<!tpu.dma_semaphore, #tpu.memory_space<semaphore_mem>>)
    %scan3A_464 = arith.constant 0 : i32
    %scan3A_465 = arith.constant 12 : i32
    %scan3A_466 = arith.constant 1 : i32
    %scan3A_467 = arith.constant 78 : i32
    %scan3A_468 = arith.addi %scan3A_466, %scan3A_467 : i32
    %scan3A_469 = arith.constant 1 : i32
    %scan3A_470:2 = scf.for %scan3A_911 = %scan3A_466 to %scan3A_468 step %scan3A_469 iter_args(%scan3A_912 = %scan3A_464, %scan3A_913 = %scan3A_465) -> (i32, i32)  : i32 {
      %mul3A_914 = arith.constant 3 : i32
      %mul3A_915 = arith.muli %scan3A_911, %mul3A_914 : i32
      %add3A_916 = arith.constant 0 : i32
      %add3A_917 = arith.addi %mul3A_915, %add3A_916 : i32
      %dma_wait3A_918 = arith.constant 0 : i32
      %dma_wait3A_919 = arith.constant 0 : i32
      %dma_wait3A_920 = arith.constant 0 : i32
      %dma_wait3A_921 = arith.constant 0 : i32
      %dma_wait3A_922 = tpu.memref_slice %arg7[%dma_wait3A_918, %dma_wait3A_919, %dma_wait3A_920, %dma_wait3A_921] : memref<3x4x30x128xf32, #tpu.memory_space<vmem>> -> memref<1x1x30x128xf32, #tpu.memory_space<vmem>>
      %dma_wait3A_923 = tpu.memref_squeeze %dma_wait3A_922 : memref<1x1x30x128xf32, #tpu.memory_space<vmem>> -> memref<30x128xf32, #tpu.memory_space<vmem>>
      %dma_wait3A_924 = arith.constant 0 : i32
      %dma_wait3A_925 = tpu.memref_slice %arg6[%add3A_917, %dma_wait3A_924] : memref<240x128xi32, #tpu.memory_space<vmem>> -> memref<1x30xi32, #tpu.memory_space<vmem>>
      %dma_wait3A_926 = tpu.memref_squeeze %dma_wait3A_925 : memref<1x30xi32, #tpu.memory_space<vmem>> -> memref<30xi32, #tpu.memory_space<vmem>>
      %dma_wait3A_927 = arith.constant 0 : i32
      %dma_wait3A_928 = arith.constant 0 : i32
      %dma_wait3A_929 = tpu.memref_slice %arg2[%dma_wait3A_927, %dma_wait3A_928] : memref<9900x128xf32, #tpu.memory_space<hbm>> -> memref<9900x128xf32, #tpu.memory_space<hbm>>
      tpu.wait_indirect_dma semaphore(%arg8 : memref<!tpu.dma_semaphore, #tpu.memory_space<semaphore_mem>>) src(%dma_wait3A_929 : memref<9900x128xf32, #tpu.memory_space<hbm>>) dst(%dma_wait3A_923 : memref<30x128xf32, #tpu.memory_space<vmem>>)
      %dma_wait3A_930 = arith.constant 0 : i32
      %dma_wait3A_931 = arith.constant 1 : i32
      %dma_wait3A_932 = arith.constant 0 : i32
      %dma_wait3A_933 = arith.constant 0 : i32
      %dma_wait3A_934 = tpu.memref_slice %arg7[%dma_wait3A_930, %dma_wait3A_931, %dma_wait3A_932, %dma_wait3A_933] : memref<3x4x30x128xf32, #tpu.memory_space<vmem>> -> memref<1x1x30x128xf32, #tpu.memory_space<vmem>>
      %dma_wait3A_935 = tpu.memref_squeeze %dma_wait3A_934 : memref<1x1x30x128xf32, #tpu.memory_space<vmem>> -> memref<30x128xf32, #tpu.memory_space<vmem>>
      %dma_wait3A_936 = arith.constant 32 : i32
      %dma_wait3A_937 = tpu.memref_slice %arg6[%add3A_917, %dma_wait3A_936] : memref<240x128xi32, #tpu.memory_space<vmem>> -> memref<1x30xi32, #tpu.memory_space<vmem>>
      %dma_wait3A_938 = tpu.memref_squeeze %dma_wait3A_937 : memref<1x30xi32, #tpu.memory_space<vmem>> -> memref<30xi32, #tpu.memory_space<vmem>>
      %dma_wait3A_939 = arith.constant 0 : i32
      %dma_wait3A_940 = arith.constant 0 : i32
      %dma_wait3A_941 = tpu.memref_slice %arg2[%dma_wait3A_939, %dma_wait3A_940] : memref<9900x128xf32, #tpu.memory_space<hbm>> -> memref<9900x128xf32, #tpu.memory_space<hbm>>
      tpu.wait_indirect_dma semaphore(%arg8 : memref<!tpu.dma_semaphore, #tpu.memory_space<semaphore_mem>>) src(%dma_wait3A_941 : memref<9900x128xf32, #tpu.memory_space<hbm>>) dst(%dma_wait3A_935 : memref<30x128xf32, #tpu.memory_space<vmem>>)
      %dma_wait3A_942 = arith.constant 0 : i32
      %dma_wait3A_943 = arith.constant 2 : i32
      %dma_wait3A_944 = arith.constant 0 : i32
      %dma_wait3A_945 = arith.constant 0 : i32
      %dma_wait3A_946 = tpu.memref_slice %arg7[%dma_wait3A_942, %dma_wait3A_943, %dma_wait3A_944, %dma_wait3A_945] : memref<3x4x30x128xf32, #tpu.memory_space<vmem>> -> memref<1x1x30x128xf32, #tpu.memory_space<vmem>>
      %dma_wait3A_947 = tpu.memref_squeeze %dma_wait3A_946 : memref<1x1x30x128xf32, #tpu.memory_space<vmem>> -> memref<30x128xf32, #tpu.memory_space<vmem>>
      %dma_wait3A_948 = arith.constant 64 : i32
      %dma_wait3A_949 = tpu.memref_slice %arg6[%add3A_917, %dma_wait3A_948] : memref<240x128xi32, #tpu.memory_space<vmem>> -> memref<1x30xi32, #tpu.memory_space<vmem>>
      %dma_wait3A_950 = tpu.memref_squeeze %dma_wait3A_949 : memref<1x30xi32, #tpu.memory_space<vmem>> -> memref<30xi32, #tpu.memory_space<vmem>>
      %dma_wait3A_951 = arith.constant 0 : i32
      %dma_wait3A_952 = arith.constant 0 : i32
      %dma_wait3A_953 = tpu.memref_slice %arg2[%dma_wait3A_951, %dma_wait3A_952] : memref<9900x128xf32, #tpu.memory_space<hbm>> -> memref<9900x128xf32, #tpu.memory_space<hbm>>
      tpu.wait_indirect_dma semaphore(%arg8 : memref<!tpu.dma_semaphore, #tpu.memory_space<semaphore_mem>>) src(%dma_wait3A_953 : memref<9900x128xf32, #tpu.memory_space<hbm>>) dst(%dma_wait3A_947 : memref<30x128xf32, #tpu.memory_space<vmem>>)
      %dma_wait3A_954 = arith.constant 0 : i32
      %dma_wait3A_955 = arith.constant 3 : i32
      %dma_wait3A_956 = arith.constant 0 : i32
      %dma_wait3A_957 = arith.constant 0 : i32
      %dma_wait3A_958 = tpu.memref_slice %arg7[%dma_wait3A_954, %dma_wait3A_955, %dma_wait3A_956, %dma_wait3A_957] : memref<3x4x30x128xf32, #tpu.memory_space<vmem>> -> memref<1x1x30x128xf32, #tpu.memory_space<vmem>>
      %dma_wait3A_959 = tpu.memref_squeeze %dma_wait3A_958 : memref<1x1x30x128xf32, #tpu.memory_space<vmem>> -> memref<30x128xf32, #tpu.memory_space<vmem>>
      %dma_wait3A_960 = arith.constant 96 : i32
      %dma_wait3A_961 = tpu.memref_slice %arg6[%add3A_917, %dma_wait3A_960] : memref<240x128xi32, #tpu.memory_space<vmem>> -> memref<1x30xi32, #tpu.memory_space<vmem>>
      %dma_wait3A_962 = tpu.memref_squeeze %dma_wait3A_961 : memref<1x30xi32, #tpu.memory_space<vmem>> -> memref<30xi32, #tpu.memory_space<vmem>>
      %dma_wait3A_963 = arith.constant 0 : i32
      %dma_wait3A_964 = arith.constant 0 : i32
      %dma_wait3A_965 = tpu.memref_slice %arg2[%dma_wait3A_963, %dma_wait3A_964] : memref<9900x128xf32, #tpu.memory_space<hbm>> -> memref<9900x128xf32, #tpu.memory_space<hbm>>
      tpu.wait_indirect_dma semaphore(%arg8 : memref<!tpu.dma_semaphore, #tpu.memory_space<semaphore_mem>>) src(%dma_wait3A_965 : memref<9900x128xf32, #tpu.memory_space<hbm>>) dst(%dma_wait3A_959 : memref<30x128xf32, #tpu.memory_space<vmem>>)
      %add3A_966 = arith.addi %mul3A_2, %scan3A_912 : i32
      %ne3A = arith.constant 28 : i32
      %ne3A_967 = arith.cmpi ne, %scan3A_913, %ne3A : i32
      %convert_element_type3A = arith.extui %ne3A_967 : i1 to i32
      %cond3A = arith.constant 0 : i32
      %cond3A_968 = arith.cmpi ne, %convert_element_type3A, %cond3A : i32
      scf.if %cond3A_968 {
        %dma_start3A_1339 = arith.constant 0 : i32
        %dma_start3A_1340 = arith.constant 0 : i32
        %dma_start3A_1341 = arith.constant 0 : i32
        %dma_start3A_1342 = arith.constant 0 : i32
        %dma_start3A_1343 = tpu.memref_slice %arg7[%dma_start3A_1339, %dma_start3A_1340, %dma_start3A_1341, %dma_start3A_1342] : memref<3x4x30x128xf32, #tpu.memory_space<vmem>> -> memref<1x4x30x128xf32, #tpu.memory_space<vmem>>
        %dma_start3A_1344 = tpu.memref_squeeze %dma_start3A_1343 : memref<1x4x30x128xf32, #tpu.memory_space<vmem>> -> memref<4x30x128xf32, #tpu.memory_space<vmem>>
        %dma_start3A_1345 = arith.constant 0 : i32
        %dma_start3A_1346 = arith.constant 0 : i32
        %dma_start3A_1347 = tpu.memref_slice %arg4[%add3A_966, %scan3A_913, %dma_start3A_1345, %dma_start3A_1346] : memref<1024x30x30x128xf32, #tpu.memory_space<hbm>> -> memref<1x4x30x128xf32, #tpu.memory_space<hbm>>
        %dma_start3A_1348 = tpu.memref_squeeze %dma_start3A_1347 : memref<1x4x30x128xf32, #tpu.memory_space<hbm>> -> memref<4x30x128xf32, #tpu.memory_space<hbm>>
        %dma_start3A_1349 = arith.constant 0 : i32
        %dma_start3A_1350 = arith.constant 0 : i32
        %dma_start3A_1351 = tpu.memref_slice %arg4[%add3A_966, %scan3A_913, %dma_start3A_1349, %dma_start3A_1350] : memref<1024x30x30x128xf32, #tpu.memory_space<hbm>> -> memref<1x4x30x128xf32, #tpu.memory_space<hbm>>
        %dma_start3A_1352 = tpu.memref_squeeze %dma_start3A_1351 : memref<1x4x30x128xf32, #tpu.memory_space<hbm>> -> memref<4x30x128xf32, #tpu.memory_space<hbm>>
        %dma_start3A_1353 = arith.constant 0 : i32
        %dma_start3A_1354 = arith.constant 0 : i32
        %dma_start3A_1355 = arith.constant 0 : i32
        %dma_start3A_1356 = tpu.memref_slice %arg7[%dma_start3A_1339, %dma_start3A_1353, %dma_start3A_1354, %dma_start3A_1355] : memref<3x4x30x128xf32, #tpu.memory_space<vmem>> -> memref<1x4x30x128xf32, #tpu.memory_space<vmem>>
        %dma_start3A_1357 = tpu.memref_squeeze %dma_start3A_1356 : memref<1x4x30x128xf32, #tpu.memory_space<vmem>> -> memref<4x30x128xf32, #tpu.memory_space<vmem>>
        tpu.enqueue_dma source(%dma_start3A_1357 : memref<4x30x128xf32, #tpu.memory_space<vmem>>) target(%dma_start3A_1352 : memref<4x30x128xf32, #tpu.memory_space<hbm>>) target_semaphore(%arg11 : memref<!tpu.dma_semaphore, #tpu.memory_space<semaphore_mem>>)
      } else {
      }
      %eq3A = arith.constant 28 : i32
      %eq3A_969 = arith.cmpi eq, %scan3A_913, %eq3A : i32
      %convert_element_type3A_970 = arith.extui %eq3A_969 : i1 to i32
      %cond3A_971 = arith.constant 0 : i32
      %cond3A_972 = arith.cmpi ne, %convert_element_type3A_970, %cond3A_971 : i32
      scf.if %cond3A_972 {
        %dma_start3A_1339 = arith.constant 0 : i32
        %dma_start3A_1340 = arith.constant 0 : i32
        %dma_start3A_1341 = arith.constant 0 : i32
        %dma_start3A_1342 = arith.constant 0 : i32
        %dma_start3A_1343 = tpu.memref_slice %arg7[%dma_start3A_1339, %dma_start3A_1340, %dma_start3A_1341, %dma_start3A_1342] : memref<3x4x30x128xf32, #tpu.memory_space<vmem>> -> memref<1x2x30x128xf32, #tpu.memory_space<vmem>>
        %dma_start3A_1344 = tpu.memref_squeeze %dma_start3A_1343 : memref<1x2x30x128xf32, #tpu.memory_space<vmem>> -> memref<2x30x128xf32, #tpu.memory_space<vmem>>
        %dma_start3A_1345 = arith.constant 28 : i32
        %dma_start3A_1346 = arith.constant 0 : i32
        %dma_start3A_1347 = arith.constant 0 : i32
        %dma_start3A_1348 = tpu.memref_slice %arg4[%add3A_966, %dma_start3A_1345, %dma_start3A_1346, %dma_start3A_1347] : memref<1024x30x30x128xf32, #tpu.memory_space<hbm>> -> memref<1x2x30x128xf32, #tpu.memory_space<hbm>>
        %dma_start3A_1349 = tpu.memref_squeeze %dma_start3A_1348 : memref<1x2x30x128xf32, #tpu.memory_space<hbm>> -> memref<2x30x128xf32, #tpu.memory_space<hbm>>
        %dma_start3A_1350 = arith.constant 28 : i32
        %dma_start3A_1351 = arith.constant 0 : i32
        %dma_start3A_1352 = arith.constant 0 : i32
        %dma_start3A_1353 = tpu.memref_slice %arg4[%add3A_966, %dma_start3A_1350, %dma_start3A_1351, %dma_start3A_1352] : memref<1024x30x30x128xf32, #tpu.memory_space<hbm>> -> memref<1x2x30x128xf32, #tpu.memory_space<hbm>>
        %dma_start3A_1354 = tpu.memref_squeeze %dma_start3A_1353 : memref<1x2x30x128xf32, #tpu.memory_space<hbm>> -> memref<2x30x128xf32, #tpu.memory_space<hbm>>
        %dma_start3A_1355 = arith.constant 0 : i32
        %dma_start3A_1356 = arith.constant 0 : i32
        %dma_start3A_1357 = arith.constant 0 : i32
        %dma_start3A_1358 = tpu.memref_slice %arg7[%dma_start3A_1339, %dma_start3A_1355, %dma_start3A_1356, %dma_start3A_1357] : memref<3x4x30x128xf32, #tpu.memory_space<vmem>> -> memref<1x2x30x128xf32, #tpu.memory_space<vmem>>
        %dma_start3A_1359 = tpu.memref_squeeze %dma_start3A_1358 : memref<1x2x30x128xf32, #tpu.memory_space<vmem>> -> memref<2x30x128xf32, #tpu.memory_space<vmem>>
        tpu.enqueue_dma source(%dma_start3A_1359 : memref<2x30x128xf32, #tpu.memory_space<vmem>>) target(%dma_start3A_1354 : memref<2x30x128xf32, #tpu.memory_space<hbm>>) target_semaphore(%arg11 : memref<!tpu.dma_semaphore, #tpu.memory_space<semaphore_mem>>)
        %add3A_1360 = arith.constant 1 : i32
        %add3A_1361 = arith.addi %add3A_966, %add3A_1360 : i32
        %dma_start3A_1362 = arith.constant 0 : i32
        %dma_start3A_1363 = arith.constant 2 : i32
        %dma_start3A_1364 = arith.constant 0 : i32
        %dma_start3A_1365 = arith.constant 0 : i32
        %dma_start3A_1366 = tpu.memref_slice %arg7[%dma_start3A_1362, %dma_start3A_1363, %dma_start3A_1364, %dma_start3A_1365] : memref<3x4x30x128xf32, #tpu.memory_space<vmem>> -> memref<1x2x30x128xf32, #tpu.memory_space<vmem>>
        %dma_start3A_1367 = tpu.memref_squeeze %dma_start3A_1366 : memref<1x2x30x128xf32, #tpu.memory_space<vmem>> -> memref<2x30x128xf32, #tpu.memory_space<vmem>>
        %dma_start3A_1368 = arith.constant 0 : i32
        %dma_start3A_1369 = arith.constant 0 : i32
        %dma_start3A_1370 = arith.constant 0 : i32
        %dma_start3A_1371 = tpu.memref_slice %arg4[%add3A_1361, %dma_start3A_1368, %dma_start3A_1369, %dma_start3A_1370] : memref<1024x30x30x128xf32, #tpu.memory_space<hbm>> -> memref<1x2x30x128xf32, #tpu.memory_space<hbm>>
        %dma_start3A_1372 = tpu.memref_squeeze %dma_start3A_1371 : memref<1x2x30x128xf32, #tpu.memory_space<hbm>> -> memref<2x30x128xf32, #tpu.memory_space<hbm>>
        %dma_start3A_1373 = arith.constant 0 : i32
        %dma_start3A_1374 = arith.constant 0 : i32
        %dma_start3A_1375 = arith.constant 0 : i32
        %dma_start3A_1376 = tpu.memref_slice %arg4[%add3A_1361, %dma_start3A_1373, %dma_start3A_1374, %dma_start3A_1375] : memref<1024x30x30x128xf32, #tpu.memory_space<hbm>> -> memref<1x2x30x128xf32, #tpu.memory_space<hbm>>
        %dma_start3A_1377 = tpu.memref_squeeze %dma_start3A_1376 : memref<1x2x30x128xf32, #tpu.memory_space<hbm>> -> memref<2x30x128xf32, #tpu.memory_space<hbm>>
        %dma_start3A_1378 = arith.constant 2 : i32
        %dma_start3A_1379 = arith.constant 0 : i32
        %dma_start3A_1380 = arith.constant 0 : i32
        %dma_start3A_1381 = tpu.memref_slice %arg7[%dma_start3A_1362, %dma_start3A_1378, %dma_start3A_1379, %dma_start3A_1380] : memref<3x4x30x128xf32, #tpu.memory_space<vmem>> -> memref<1x2x30x128xf32, #tpu.memory_space<vmem>>
        %dma_start3A_1382 = tpu.memref_squeeze %dma_start3A_1381 : memref<1x2x30x128xf32, #tpu.memory_space<vmem>> -> memref<2x30x128xf32, #tpu.memory_space<vmem>>
        tpu.enqueue_dma source(%dma_start3A_1382 : memref<2x30x128xf32, #tpu.memory_space<vmem>>) target(%dma_start3A_1377 : memref<2x30x128xf32, #tpu.memory_space<hbm>>) target_semaphore(%arg11 : memref<!tpu.dma_semaphore, #tpu.memory_space<semaphore_mem>>)
      } else {
      }
      %dma_wait3A_973 = arith.constant 1 : i32
      %dma_wait3A_974 = arith.constant 0 : i32
      %dma_wait3A_975 = arith.constant 0 : i32
      %dma_wait3A_976 = arith.constant 0 : i32
      %dma_wait3A_977 = arith.constant 0 : i32
      %dma_wait3A_978 = tpu.memref_slice %arg7[%dma_wait3A_973, %dma_wait3A_975, %dma_wait3A_976, %dma_wait3A_977] : memref<3x4x30x128xf32, #tpu.memory_space<vmem>> -> memref<1x4x30x128xf32, #tpu.memory_space<vmem>>
      %dma_wait3A_979 = tpu.memref_squeeze %dma_wait3A_978 : memref<1x4x30x128xf32, #tpu.memory_space<vmem>> -> memref<4x30x128xf32, #tpu.memory_space<vmem>>
      %dma_wait3A_980 = arith.constant 0 : i32
      %dma_wait3A_981 = arith.constant 0 : i32
      %dma_wait3A_982 = arith.constant 0 : i32
      %dma_wait3A_983 = tpu.memref_slice %arg4[%dma_wait3A_974, %dma_wait3A_980, %dma_wait3A_981, %dma_wait3A_982] : memref<1024x30x30x128xf32, #tpu.memory_space<hbm>> -> memref<1x4x30x128xf32, #tpu.memory_space<hbm>>
      %dma_wait3A_984 = tpu.memref_squeeze %dma_wait3A_983 : memref<1x4x30x128xf32, #tpu.memory_space<hbm>> -> memref<4x30x128xf32, #tpu.memory_space<hbm>>
      %dma_wait3A_985 = arith.constant 0 : i32
      %dma_wait3A_986 = arith.constant 0 : i32
      %dma_wait3A_987 = arith.constant 0 : i32
      %dma_wait3A_988 = tpu.memref_slice %arg4[%dma_wait3A_974, %dma_wait3A_985, %dma_wait3A_986, %dma_wait3A_987] : memref<1024x30x30x128xf32, #tpu.memory_space<hbm>> -> memref<1x4x30x128xf32, #tpu.memory_space<hbm>>
      %dma_wait3A_989 = tpu.memref_squeeze %dma_wait3A_988 : memref<1x4x30x128xf32, #tpu.memory_space<hbm>> -> memref<4x30x128xf32, #tpu.memory_space<hbm>>
      %dma_wait3A_990 = arith.constant 0 : i32
      %dma_wait3A_991 = arith.constant 0 : i32
      %dma_wait3A_992 = arith.constant 0 : i32
      %dma_wait3A_993 = tpu.memref_slice %arg7[%dma_wait3A_973, %dma_wait3A_990, %dma_wait3A_991, %dma_wait3A_992] : memref<3x4x30x128xf32, #tpu.memory_space<vmem>> -> memref<1x4x30x128xf32, #tpu.memory_space<vmem>>
      %dma_wait3A_994 = tpu.memref_squeeze %dma_wait3A_993 : memref<1x4x30x128xf32, #tpu.memory_space<vmem>> -> memref<4x30x128xf32, #tpu.memory_space<vmem>>
      tpu.wait_dma2 semaphore(%arg12 : memref<!tpu.dma_semaphore, #tpu.memory_space<semaphore_mem>>) src(%dma_wait3A_994 : memref<4x30x128xf32, #tpu.memory_space<vmem>>) dst(%dma_wait3A_989 : memref<4x30x128xf32, #tpu.memory_space<hbm>>)
      %add3A_995 = arith.constant 1 : i32
      %add3A_996 = arith.addi %add3A_917, %add3A_995 : i32
      %dma_start3A_997 = arith.constant 1 : i32
      %dma_start3A_998 = arith.constant 0 : i32
      %dma_start3A_999 = arith.constant 0 : i32
      %dma_start3A_1000 = arith.constant 0 : i32
      %dma_start3A_1001 = tpu.memref_slice %arg7[%dma_start3A_997, %dma_start3A_998, %dma_start3A_999, %dma_start3A_1000] : memref<3x4x30x128xf32, #tpu.memory_space<vmem>> -> memref<1x1x30x128xf32, #tpu.memory_space<vmem>>
      %dma_start3A_1002 = tpu.memref_squeeze %dma_start3A_1001 : memref<1x1x30x128xf32, #tpu.memory_space<vmem>> -> memref<30x128xf32, #tpu.memory_space<vmem>>
      %dma_start3A_1003 = arith.constant 0 : i32
      %dma_start3A_1004 = tpu.memref_slice %arg6[%add3A_996, %dma_start3A_1003] : memref<240x128xi32, #tpu.memory_space<vmem>> -> memref<1x30xi32, #tpu.memory_space<vmem>>
      %dma_start3A_1005 = tpu.memref_squeeze %dma_start3A_1004 : memref<1x30xi32, #tpu.memory_space<vmem>> -> memref<30xi32, #tpu.memory_space<vmem>>
      %dma_start3A_1006 = arith.constant 0 : i32
      %dma_start3A_1007 = arith.constant 0 : i32
      %dma_start3A_1008 = tpu.memref_slice %arg2[%dma_start3A_1006, %dma_start3A_1007] : memref<9900x128xf32, #tpu.memory_space<hbm>> -> memref<9900x128xf32, #tpu.memory_space<hbm>>
      tpu.enqueue_indirect_dma source(%dma_start3A_1008 : memref<9900x128xf32, #tpu.memory_space<hbm>>) target(%dma_start3A_1002 : memref<30x128xf32, #tpu.memory_space<vmem>>) offsets(%dma_start3A_1005 : memref<30xi32, #tpu.memory_space<vmem>>) semaphore(%arg9 : memref<!tpu.dma_semaphore, #tpu.memory_space<semaphore_mem>>)
      %dma_start3A_1009 = arith.constant 1 : i32
      %dma_start3A_1010 = arith.constant 1 : i32
      %dma_start3A_1011 = arith.constant 0 : i32
      %dma_start3A_1012 = arith.constant 0 : i32
      %dma_start3A_1013 = tpu.memref_slice %arg7[%dma_start3A_1009, %dma_start3A_1010, %dma_start3A_1011, %dma_start3A_1012] : memref<3x4x30x128xf32, #tpu.memory_space<vmem>> -> memref<1x1x30x128xf32, #tpu.memory_space<vmem>>
      %dma_start3A_1014 = tpu.memref_squeeze %dma_start3A_1013 : memref<1x1x30x128xf32, #tpu.memory_space<vmem>> -> memref<30x128xf32, #tpu.memory_space<vmem>>
      %dma_start3A_1015 = arith.constant 32 : i32
      %dma_start3A_1016 = tpu.memref_slice %arg6[%add3A_996, %dma_start3A_1015] : memref<240x128xi32, #tpu.memory_space<vmem>> -> memref<1x30xi32, #tpu.memory_space<vmem>>
      %dma_start3A_1017 = tpu.memref_squeeze %dma_start3A_1016 : memref<1x30xi32, #tpu.memory_space<vmem>> -> memref<30xi32, #tpu.memory_space<vmem>>
      %dma_start3A_1018 = arith.constant 0 : i32
      %dma_start3A_1019 = arith.constant 0 : i32
      %dma_start3A_1020 = tpu.memref_slice %arg2[%dma_start3A_1018, %dma_start3A_1019] : memref<9900x128xf32, #tpu.memory_space<hbm>> -> memref<9900x128xf32, #tpu.memory_space<hbm>>
      tpu.enqueue_indirect_dma source(%dma_start3A_1020 : memref<9900x128xf32, #tpu.memory_space<hbm>>) target(%dma_start3A_1014 : memref<30x128xf32, #tpu.memory_space<vmem>>) offsets(%dma_start3A_1017 : memref<30xi32, #tpu.memory_space<vmem>>) semaphore(%arg9 : memref<!tpu.dma_semaphore, #tpu.memory_space<semaphore_mem>>)
      %dma_start3A_1021 = arith.constant 1 : i32
      %dma_start3A_1022 = arith.constant 2 : i32
      %dma_start3A_1023 = arith.constant 0 : i32
      %dma_start3A_1024 = arith.constant 0 : i32
      %dma_start3A_1025 = tpu.memref_slice %arg7[%dma_start3A_1021, %dma_start3A_1022, %dma_start3A_1023, %dma_start3A_1024] : memref<3x4x30x128xf32, #tpu.memory_space<vmem>> -> memref<1x1x30x128xf32, #tpu.memory_space<vmem>>
      %dma_start3A_1026 = tpu.memref_squeeze %dma_start3A_1025 : memref<1x1x30x128xf32, #tpu.memory_space<vmem>> -> memref<30x128xf32, #tpu.memory_space<vmem>>
      %dma_start3A_1027 = arith.constant 64 : i32
      %dma_start3A_1028 = tpu.memref_slice %arg6[%add3A_996, %dma_start3A_1027] : memref<240x128xi32, #tpu.memory_space<vmem>> -> memref<1x30xi32, #tpu.memory_space<vmem>>
      %dma_start3A_1029 = tpu.memref_squeeze %dma_start3A_1028 : memref<1x30xi32, #tpu.memory_space<vmem>> -> memref<30xi32, #tpu.memory_space<vmem>>
      %dma_start3A_1030 = arith.constant 0 : i32
      %dma_start3A_1031 = arith.constant 0 : i32
      %dma_start3A_1032 = tpu.memref_slice %arg2[%dma_start3A_1030, %dma_start3A_1031] : memref<9900x128xf32, #tpu.memory_space<hbm>> -> memref<9900x128xf32, #tpu.memory_space<hbm>>
      tpu.enqueue_indirect_dma source(%dma_start3A_1032 : memref<9900x128xf32, #tpu.memory_space<hbm>>) target(%dma_start3A_1026 : memref<30x128xf32, #tpu.memory_space<vmem>>) offsets(%dma_start3A_1029 : memref<30xi32, #tpu.memory_space<vmem>>) semaphore(%arg9 : memref<!tpu.dma_semaphore, #tpu.memory_space<semaphore_mem>>)
      %dma_start3A_1033 = arith.constant 1 : i32
      %dma_start3A_1034 = arith.constant 3 : i32
      %dma_start3A_1035 = arith.constant 0 : i32
      %dma_start3A_1036 = arith.constant 0 : i32
      %dma_start3A_1037 = tpu.memref_slice %arg7[%dma_start3A_1033, %dma_start3A_1034, %dma_start3A_1035, %dma_start3A_1036] : memref<3x4x30x128xf32, #tpu.memory_space<vmem>> -> memref<1x1x30x128xf32, #tpu.memory_space<vmem>>
      %dma_start3A_1038 = tpu.memref_squeeze %dma_start3A_1037 : memref<1x1x30x128xf32, #tpu.memory_space<vmem>> -> memref<30x128xf32, #tpu.memory_space<vmem>>
      %dma_start3A_1039 = arith.constant 96 : i32
      %dma_start3A_1040 = tpu.memref_slice %arg6[%add3A_996, %dma_start3A_1039] : memref<240x128xi32, #tpu.memory_space<vmem>> -> memref<1x30xi32, #tpu.memory_space<vmem>>
      %dma_start3A_1041 = tpu.memref_squeeze %dma_start3A_1040 : memref<1x30xi32, #tpu.memory_space<vmem>> -> memref<30xi32, #tpu.memory_space<vmem>>
      %dma_start3A_1042 = arith.constant 0 : i32
      %dma_start3A_1043 = arith.constant 0 : i32
      %dma_start3A_1044 = tpu.memref_slice %arg2[%dma_start3A_1042, %dma_start3A_1043] : memref<9900x128xf32, #tpu.memory_space<hbm>> -> memref<9900x128xf32, #tpu.memory_space<hbm>>
      tpu.enqueue_indirect_dma source(%dma_start3A_1044 : memref<9900x128xf32, #tpu.memory_space<hbm>>) target(%dma_start3A_1038 : memref<30x128xf32, #tpu.memory_space<vmem>>) offsets(%dma_start3A_1041 : memref<30xi32, #tpu.memory_space<vmem>>) semaphore(%arg9 : memref<!tpu.dma_semaphore, #tpu.memory_space<semaphore_mem>>)
      %add3A_1045 = arith.constant 4 : i32
      %add3A_1046 = arith.addi %scan3A_913, %add3A_1045 : i32
      %ge3A = arith.constant 30 : i32
      %ge3A_1047 = arith.cmpi sge, %add3A_1046, %ge3A : i32
      %sub3A = arith.constant 30 : i32
      %sub3A_1048 = arith.subi %add3A_1046, %sub3A : i32
      %select_n3A = arith.select %ge3A_1047, %sub3A_1048, %add3A_1046 : i32
      %convert_element_type3A_1049 = arith.extui %ge3A_1047 : i1 to i32
      %add3A_1050 = arith.addi %scan3A_912, %convert_element_type3A_1049 : i32
      %mul3A_1051 = arith.constant 3 : i32
      %mul3A_1052 = arith.muli %scan3A_911, %mul3A_1051 : i32
      %add3A_1053 = arith.constant 1 : i32
      %add3A_1054 = arith.addi %mul3A_1052, %add3A_1053 : i32
      %dma_wait3A_1055 = arith.constant 1 : i32
      %dma_wait3A_1056 = arith.constant 0 : i32
      %dma_wait3A_1057 = arith.constant 0 : i32
      %dma_wait3A_1058 = arith.constant 0 : i32
      %dma_wait3A_1059 = tpu.memref_slice %arg7[%dma_wait3A_1055, %dma_wait3A_1056, %dma_wait3A_1057, %dma_wait3A_1058] : memref<3x4x30x128xf32, #tpu.memory_space<vmem>> -> memref<1x1x30x128xf32, #tpu.memory_space<vmem>>
      %dma_wait3A_1060 = tpu.memref_squeeze %dma_wait3A_1059 : memref<1x1x30x128xf32, #tpu.memory_space<vmem>> -> memref<30x128xf32, #tpu.memory_space<vmem>>
      %dma_wait3A_1061 = arith.constant 0 : i32
      %dma_wait3A_1062 = tpu.memref_slice %arg6[%add3A_1054, %dma_wait3A_1061] : memref<240x128xi32, #tpu.memory_space<vmem>> -> memref<1x30xi32, #tpu.memory_space<vmem>>
      %dma_wait3A_1063 = tpu.memref_squeeze %dma_wait3A_1062 : memref<1x30xi32, #tpu.memory_space<vmem>> -> memref<30xi32, #tpu.memory_space<vmem>>
      %dma_wait3A_1064 = arith.constant 0 : i32
      %dma_wait3A_1065 = arith.constant 0 : i32
      %dma_wait3A_1066 = tpu.memref_slice %arg2[%dma_wait3A_1064, %dma_wait3A_1065] : memref<9900x128xf32, #tpu.memory_space<hbm>> -> memref<9900x128xf32, #tpu.memory_space<hbm>>
      tpu.wait_indirect_dma semaphore(%arg9 : memref<!tpu.dma_semaphore, #tpu.memory_space<semaphore_mem>>) src(%dma_wait3A_1066 : memref<9900x128xf32, #tpu.memory_space<hbm>>) dst(%dma_wait3A_1060 : memref<30x128xf32, #tpu.memory_space<vmem>>)
      %dma_wait3A_1067 = arith.constant 1 : i32
      %dma_wait3A_1068 = arith.constant 1 : i32
      %dma_wait3A_1069 = arith.constant 0 : i32
      %dma_wait3A_1070 = arith.constant 0 : i32
      %dma_wait3A_1071 = tpu.memref_slice %arg7[%dma_wait3A_1067, %dma_wait3A_1068, %dma_wait3A_1069, %dma_wait3A_1070] : memref<3x4x30x128xf32, #tpu.memory_space<vmem>> -> memref<1x1x30x128xf32, #tpu.memory_space<vmem>>
      %dma_wait3A_1072 = tpu.memref_squeeze %dma_wait3A_1071 : memref<1x1x30x128xf32, #tpu.memory_space<vmem>> -> memref<30x128xf32, #tpu.memory_space<vmem>>
      %dma_wait3A_1073 = arith.constant 32 : i32
      %dma_wait3A_1074 = tpu.memref_slice %arg6[%add3A_1054, %dma_wait3A_1073] : memref<240x128xi32, #tpu.memory_space<vmem>> -> memref<1x30xi32, #tpu.memory_space<vmem>>
      %dma_wait3A_1075 = tpu.memref_squeeze %dma_wait3A_1074 : memref<1x30xi32, #tpu.memory_space<vmem>> -> memref<30xi32, #tpu.memory_space<vmem>>
      %dma_wait3A_1076 = arith.constant 0 : i32
      %dma_wait3A_1077 = arith.constant 0 : i32
      %dma_wait3A_1078 = tpu.memref_slice %arg2[%dma_wait3A_1076, %dma_wait3A_1077] : memref<9900x128xf32, #tpu.memory_space<hbm>> -> memref<9900x128xf32, #tpu.memory_space<hbm>>
      tpu.wait_indirect_dma semaphore(%arg9 : memref<!tpu.dma_semaphore, #tpu.memory_space<semaphore_mem>>) src(%dma_wait3A_1078 : memref<9900x128xf32, #tpu.memory_space<hbm>>) dst(%dma_wait3A_1072 : memref<30x128xf32, #tpu.memory_space<vmem>>)
      %dma_wait3A_1079 = arith.constant 1 : i32
      %dma_wait3A_1080 = arith.constant 2 : i32
      %dma_wait3A_1081 = arith.constant 0 : i32
      %dma_wait3A_1082 = arith.constant 0 : i32
      %dma_wait3A_1083 = tpu.memref_slice %arg7[%dma_wait3A_1079, %dma_wait3A_1080, %dma_wait3A_1081, %dma_wait3A_1082] : memref<3x4x30x128xf32, #tpu.memory_space<vmem>> -> memref<1x1x30x128xf32, #tpu.memory_space<vmem>>
      %dma_wait3A_1084 = tpu.memref_squeeze %dma_wait3A_1083 : memref<1x1x30x128xf32, #tpu.memory_space<vmem>> -> memref<30x128xf32, #tpu.memory_space<vmem>>
      %dma_wait3A_1085 = arith.constant 64 : i32
      %dma_wait3A_1086 = tpu.memref_slice %arg6[%add3A_1054, %dma_wait3A_1085] : memref<240x128xi32, #tpu.memory_space<vmem>> -> memref<1x30xi32, #tpu.memory_space<vmem>>
      %dma_wait3A_1087 = tpu.memref_squeeze %dma_wait3A_1086 : memref<1x30xi32, #tpu.memory_space<vmem>> -> memref<30xi32, #tpu.memory_space<vmem>>
      %dma_wait3A_1088 = arith.constant 0 : i32
      %dma_wait3A_1089 = arith.constant 0 : i32
      %dma_wait3A_1090 = tpu.memref_slice %arg2[%dma_wait3A_1088, %dma_wait3A_1089] : memref<9900x128xf32, #tpu.memory_space<hbm>> -> memref<9900x128xf32, #tpu.memory_space<hbm>>
      tpu.wait_indirect_dma semaphore(%arg9 : memref<!tpu.dma_semaphore, #tpu.memory_space<semaphore_mem>>) src(%dma_wait3A_1090 : memref<9900x128xf32, #tpu.memory_space<hbm>>) dst(%dma_wait3A_1084 : memref<30x128xf32, #tpu.memory_space<vmem>>)
      %dma_wait3A_1091 = arith.constant 1 : i32
      %dma_wait3A_1092 = arith.constant 3 : i32
      %dma_wait3A_1093 = arith.constant 0 : i32
      %dma_wait3A_1094 = arith.constant 0 : i32
      %dma_wait3A_1095 = tpu.memref_slice %arg7[%dma_wait3A_1091, %dma_wait3A_1092, %dma_wait3A_1093, %dma_wait3A_1094] : memref<3x4x30x128xf32, #tpu.memory_space<vmem>> -> memref<1x1x30x128xf32, #tpu.memory_space<vmem>>
      %dma_wait3A_1096 = tpu.memref_squeeze %dma_wait3A_1095 : memref<1x1x30x128xf32, #tpu.memory_space<vmem>> -> memref<30x128xf32, #tpu.memory_space<vmem>>
      %dma_wait3A_1097 = arith.constant 96 : i32
      %dma_wait3A_1098 = tpu.memref_slice %arg6[%add3A_1054, %dma_wait3A_1097] : memref<240x128xi32, #tpu.memory_space<vmem>> -> memref<1x30xi32, #tpu.memory_space<vmem>>
      %dma_wait3A_1099 = tpu.memref_squeeze %dma_wait3A_1098 : memref<1x30xi32, #tpu.memory_space<vmem>> -> memref<30xi32, #tpu.memory_space<vmem>>
      %dma_wait3A_1100 = arith.constant 0 : i32
      %dma_wait3A_1101 = arith.constant 0 : i32
      %dma_wait3A_1102 = tpu.memref_slice %arg2[%dma_wait3A_1100, %dma_wait3A_1101] : memref<9900x128xf32, #tpu.memory_space<hbm>> -> memref<9900x128xf32, #tpu.memory_space<hbm>>
      tpu.wait_indirect_dma semaphore(%arg9 : memref<!tpu.dma_semaphore, #tpu.memory_space<semaphore_mem>>) src(%dma_wait3A_1102 : memref<9900x128xf32, #tpu.memory_space<hbm>>) dst(%dma_wait3A_1096 : memref<30x128xf32, #tpu.memory_space<vmem>>)
      %add3A_1103 = arith.addi %mul3A_2, %add3A_1050 : i32
      %ne3A_1104 = arith.constant 28 : i32
      %ne3A_1105 = arith.cmpi ne, %select_n3A, %ne3A_1104 : i32
      %convert_element_type3A_1106 = arith.extui %ne3A_1105 : i1 to i32
      %cond3A_1107 = arith.constant 0 : i32
      %cond3A_1108 = arith.cmpi ne, %convert_element_type3A_1106, %cond3A_1107 : i32
      scf.if %cond3A_1108 {
        %dma_start3A_1339 = arith.constant 1 : i32
        %dma_start3A_1340 = arith.constant 0 : i32
        %dma_start3A_1341 = arith.constant 0 : i32
        %dma_start3A_1342 = arith.constant 0 : i32
        %dma_start3A_1343 = tpu.memref_slice %arg7[%dma_start3A_1339, %dma_start3A_1340, %dma_start3A_1341, %dma_start3A_1342] : memref<3x4x30x128xf32, #tpu.memory_space<vmem>> -> memref<1x4x30x128xf32, #tpu.memory_space<vmem>>
        %dma_start3A_1344 = tpu.memref_squeeze %dma_start3A_1343 : memref<1x4x30x128xf32, #tpu.memory_space<vmem>> -> memref<4x30x128xf32, #tpu.memory_space<vmem>>
        %dma_start3A_1345 = arith.constant 0 : i32
        %dma_start3A_1346 = arith.constant 0 : i32
        %dma_start3A_1347 = tpu.memref_slice %arg4[%add3A_1103, %select_n3A, %dma_start3A_1345, %dma_start3A_1346] : memref<1024x30x30x128xf32, #tpu.memory_space<hbm>> -> memref<1x4x30x128xf32, #tpu.memory_space<hbm>>
        %dma_start3A_1348 = tpu.memref_squeeze %dma_start3A_1347 : memref<1x4x30x128xf32, #tpu.memory_space<hbm>> -> memref<4x30x128xf32, #tpu.memory_space<hbm>>
        %dma_start3A_1349 = arith.constant 0 : i32
        %dma_start3A_1350 = arith.constant 0 : i32
        %dma_start3A_1351 = tpu.memref_slice %arg4[%add3A_1103, %select_n3A, %dma_start3A_1349, %dma_start3A_1350] : memref<1024x30x30x128xf32, #tpu.memory_space<hbm>> -> memref<1x4x30x128xf32, #tpu.memory_space<hbm>>
        %dma_start3A_1352 = tpu.memref_squeeze %dma_start3A_1351 : memref<1x4x30x128xf32, #tpu.memory_space<hbm>> -> memref<4x30x128xf32, #tpu.memory_space<hbm>>
        %dma_start3A_1353 = arith.constant 0 : i32
        %dma_start3A_1354 = arith.constant 0 : i32
        %dma_start3A_1355 = arith.constant 0 : i32
        %dma_start3A_1356 = tpu.memref_slice %arg7[%dma_start3A_1339, %dma_start3A_1353, %dma_start3A_1354, %dma_start3A_1355] : memref<3x4x30x128xf32, #tpu.memory_space<vmem>> -> memref<1x4x30x128xf32, #tpu.memory_space<vmem>>
        %dma_start3A_1357 = tpu.memref_squeeze %dma_start3A_1356 : memref<1x4x30x128xf32, #tpu.memory_space<vmem>> -> memref<4x30x128xf32, #tpu.memory_space<vmem>>
        tpu.enqueue_dma source(%dma_start3A_1357 : memref<4x30x128xf32, #tpu.memory_space<vmem>>) target(%dma_start3A_1352 : memref<4x30x128xf32, #tpu.memory_space<hbm>>) target_semaphore(%arg12 : memref<!tpu.dma_semaphore, #tpu.memory_space<semaphore_mem>>)
      } else {
      }
      %eq3A_1109 = arith.constant 28 : i32
      %eq3A_1110 = arith.cmpi eq, %select_n3A, %eq3A_1109 : i32
      %convert_element_type3A_1111 = arith.extui %eq3A_1110 : i1 to i32
      %cond3A_1112 = arith.constant 0 : i32
      %cond3A_1113 = arith.cmpi ne, %convert_element_type3A_1111, %cond3A_1112 : i32
      scf.if %cond3A_1113 {
        %dma_start3A_1339 = arith.constant 1 : i32
        %dma_start3A_1340 = arith.constant 0 : i32
        %dma_start3A_1341 = arith.constant 0 : i32
        %dma_start3A_1342 = arith.constant 0 : i32
        %dma_start3A_1343 = tpu.memref_slice %arg7[%dma_start3A_1339, %dma_start3A_1340, %dma_start3A_1341, %dma_start3A_1342] : memref<3x4x30x128xf32, #tpu.memory_space<vmem>> -> memref<1x2x30x128xf32, #tpu.memory_space<vmem>>
        %dma_start3A_1344 = tpu.memref_squeeze %dma_start3A_1343 : memref<1x2x30x128xf32, #tpu.memory_space<vmem>> -> memref<2x30x128xf32, #tpu.memory_space<vmem>>
        %dma_start3A_1345 = arith.constant 28 : i32
        %dma_start3A_1346 = arith.constant 0 : i32
        %dma_start3A_1347 = arith.constant 0 : i32
        %dma_start3A_1348 = tpu.memref_slice %arg4[%add3A_1103, %dma_start3A_1345, %dma_start3A_1346, %dma_start3A_1347] : memref<1024x30x30x128xf32, #tpu.memory_space<hbm>> -> memref<1x2x30x128xf32, #tpu.memory_space<hbm>>
        %dma_start3A_1349 = tpu.memref_squeeze %dma_start3A_1348 : memref<1x2x30x128xf32, #tpu.memory_space<hbm>> -> memref<2x30x128xf32, #tpu.memory_space<hbm>>
        %dma_start3A_1350 = arith.constant 28 : i32
        %dma_start3A_1351 = arith.constant 0 : i32
        %dma_start3A_1352 = arith.constant 0 : i32
        %dma_start3A_1353 = tpu.memref_slice %arg4[%add3A_1103, %dma_start3A_1350, %dma_start3A_1351, %dma_start3A_1352] : memref<1024x30x30x128xf32, #tpu.memory_space<hbm>> -> memref<1x2x30x128xf32, #tpu.memory_space<hbm>>
        %dma_start3A_1354 = tpu.memref_squeeze %dma_start3A_1353 : memref<1x2x30x128xf32, #tpu.memory_space<hbm>> -> memref<2x30x128xf32, #tpu.memory_space<hbm>>
        %dma_start3A_1355 = arith.constant 0 : i32
        %dma_start3A_1356 = arith.constant 0 : i32
        %dma_start3A_1357 = arith.constant 0 : i32
        %dma_start3A_1358 = tpu.memref_slice %arg7[%dma_start3A_1339, %dma_start3A_1355, %dma_start3A_1356, %dma_start3A_1357] : memref<3x4x30x128xf32, #tpu.memory_space<vmem>> -> memref<1x2x30x128xf32, #tpu.memory_space<vmem>>
        %dma_start3A_1359 = tpu.memref_squeeze %dma_start3A_1358 : memref<1x2x30x128xf32, #tpu.memory_space<vmem>> -> memref<2x30x128xf32, #tpu.memory_space<vmem>>
        tpu.enqueue_dma source(%dma_start3A_1359 : memref<2x30x128xf32, #tpu.memory_space<vmem>>) target(%dma_start3A_1354 : memref<2x30x128xf32, #tpu.memory_space<hbm>>) target_semaphore(%arg12 : memref<!tpu.dma_semaphore, #tpu.memory_space<semaphore_mem>>)
        %add3A_1360 = arith.constant 1 : i32
        %add3A_1361 = arith.addi %add3A_1103, %add3A_1360 : i32
        %dma_start3A_1362 = arith.constant 1 : i32
        %dma_start3A_1363 = arith.constant 2 : i32
        %dma_start3A_1364 = arith.constant 0 : i32
        %dma_start3A_1365 = arith.constant 0 : i32
        %dma_start3A_1366 = tpu.memref_slice %arg7[%dma_start3A_1362, %dma_start3A_1363, %dma_start3A_1364, %dma_start3A_1365] : memref<3x4x30x128xf32, #tpu.memory_space<vmem>> -> memref<1x2x30x128xf32, #tpu.memory_space<vmem>>
        %dma_start3A_1367 = tpu.memref_squeeze %dma_start3A_1366 : memref<1x2x30x128xf32, #tpu.memory_space<vmem>> -> memref<2x30x128xf32, #tpu.memory_space<vmem>>
        %dma_start3A_1368 = arith.constant 0 : i32
        %dma_start3A_1369 = arith.constant 0 : i32
        %dma_start3A_1370 = arith.constant 0 : i32
        %dma_start3A_1371 = tpu.memref_slice %arg4[%add3A_1361, %dma_start3A_1368, %dma_start3A_1369, %dma_start3A_1370] : memref<1024x30x30x128xf32, #tpu.memory_space<hbm>> -> memref<1x2x30x128xf32, #tpu.memory_space<hbm>>
        %dma_start3A_1372 = tpu.memref_squeeze %dma_start3A_1371 : memref<1x2x30x128xf32, #tpu.memory_space<hbm>> -> memref<2x30x128xf32, #tpu.memory_space<hbm>>
        %dma_start3A_1373 = arith.constant 0 : i32
        %dma_start3A_1374 = arith.constant 0 : i32
        %dma_start3A_1375 = arith.constant 0 : i32
        %dma_start3A_1376 = tpu.memref_slice %arg4[%add3A_1361, %dma_start3A_1373, %dma_start3A_1374, %dma_start3A_1375] : memref<1024x30x30x128xf32, #tpu.memory_space<hbm>> -> memref<1x2x30x128xf32, #tpu.memory_space<hbm>>
        %dma_start3A_1377 = tpu.memref_squeeze %dma_start3A_1376 : memref<1x2x30x128xf32, #tpu.memory_space<hbm>> -> memref<2x30x128xf32, #tpu.memory_space<hbm>>
        %dma_start3A_1378 = arith.constant 2 : i32
        %dma_start3A_1379 = arith.constant 0 : i32
        %dma_start3A_1380 = arith.constant 0 : i32
        %dma_start3A_1381 = tpu.memref_slice %arg7[%dma_start3A_1362, %dma_start3A_1378, %dma_start3A_1379, %dma_start3A_1380] : memref<3x4x30x128xf32, #tpu.memory_space<vmem>> -> memref<1x2x30x128xf32, #tpu.memory_space<vmem>>
        %dma_start3A_1382 = tpu.memref_squeeze %dma_start3A_1381 : memref<1x2x30x128xf32, #tpu.memory_space<vmem>> -> memref<2x30x128xf32, #tpu.memory_space<vmem>>
        tpu.enqueue_dma source(%dma_start3A_1382 : memref<2x30x128xf32, #tpu.memory_space<vmem>>) target(%dma_start3A_1377 : memref<2x30x128xf32, #tpu.memory_space<hbm>>) target_semaphore(%arg12 : memref<!tpu.dma_semaphore, #tpu.memory_space<semaphore_mem>>)
      } else {
      }
      %dma_wait3A_1114 = arith.constant 2 : i32
      %dma_wait3A_1115 = arith.constant 0 : i32
      %dma_wait3A_1116 = arith.constant 0 : i32
      %dma_wait3A_1117 = arith.constant 0 : i32
      %dma_wait3A_1118 = arith.constant 0 : i32
      %dma_wait3A_1119 = tpu.memref_slice %arg7[%dma_wait3A_1114, %dma_wait3A_1116, %dma_wait3A_1117, %dma_wait3A_1118] : memref<3x4x30x128xf32, #tpu.memory_space<vmem>> -> memref<1x4x30x128xf32, #tpu.memory_space<vmem>>
      %dma_wait3A_1120 = tpu.memref_squeeze %dma_wait3A_1119 : memref<1x4x30x128xf32, #tpu.memory_space<vmem>> -> memref<4x30x128xf32, #tpu.memory_space<vmem>>
      %dma_wait3A_1121 = arith.constant 0 : i32
      %dma_wait3A_1122 = arith.constant 0 : i32
      %dma_wait3A_1123 = arith.constant 0 : i32
      %dma_wait3A_1124 = tpu.memref_slice %arg4[%dma_wait3A_1115, %dma_wait3A_1121, %dma_wait3A_1122, %dma_wait3A_1123] : memref<1024x30x30x128xf32, #tpu.memory_space<hbm>> -> memref<1x4x30x128xf32, #tpu.memory_space<hbm>>
      %dma_wait3A_1125 = tpu.memref_squeeze %dma_wait3A_1124 : memref<1x4x30x128xf32, #tpu.memory_space<hbm>> -> memref<4x30x128xf32, #tpu.memory_space<hbm>>
      %dma_wait3A_1126 = arith.constant 0 : i32
      %dma_wait3A_1127 = arith.constant 0 : i32
      %dma_wait3A_1128 = arith.constant 0 : i32
      %dma_wait3A_1129 = tpu.memref_slice %arg4[%dma_wait3A_1115, %dma_wait3A_1126, %dma_wait3A_1127, %dma_wait3A_1128] : memref<1024x30x30x128xf32, #tpu.memory_space<hbm>> -> memref<1x4x30x128xf32, #tpu.memory_space<hbm>>
      %dma_wait3A_1130 = tpu.memref_squeeze %dma_wait3A_1129 : memref<1x4x30x128xf32, #tpu.memory_space<hbm>> -> memref<4x30x128xf32, #tpu.memory_space<hbm>>
      %dma_wait3A_1131 = arith.constant 0 : i32
      %dma_wait3A_1132 = arith.constant 0 : i32
      %dma_wait3A_1133 = arith.constant 0 : i32
      %dma_wait3A_1134 = tpu.memref_slice %arg7[%dma_wait3A_1114, %dma_wait3A_1131, %dma_wait3A_1132, %dma_wait3A_1133] : memref<3x4x30x128xf32, #tpu.memory_space<vmem>> -> memref<1x4x30x128xf32, #tpu.memory_space<vmem>>
      %dma_wait3A_1135 = tpu.memref_squeeze %dma_wait3A_1134 : memref<1x4x30x128xf32, #tpu.memory_space<vmem>> -> memref<4x30x128xf32, #tpu.memory_space<vmem>>
      tpu.wait_dma2 semaphore(%arg13 : memref<!tpu.dma_semaphore, #tpu.memory_space<semaphore_mem>>) src(%dma_wait3A_1135 : memref<4x30x128xf32, #tpu.memory_space<vmem>>) dst(%dma_wait3A_1130 : memref<4x30x128xf32, #tpu.memory_space<hbm>>)
      %add3A_1136 = arith.constant 1 : i32
      %add3A_1137 = arith.addi %add3A_1054, %add3A_1136 : i32
      %dma_start3A_1138 = arith.constant 2 : i32
      %dma_start3A_1139 = arith.constant 0 : i32
      %dma_start3A_1140 = arith.constant 0 : i32
      %dma_start3A_1141 = arith.constant 0 : i32
      %dma_start3A_1142 = tpu.memref_slice %arg7[%dma_start3A_1138, %dma_start3A_1139, %dma_start3A_1140, %dma_start3A_1141] : memref<3x4x30x128xf32, #tpu.memory_space<vmem>> -> memref<1x1x30x128xf32, #tpu.memory_space<vmem>>
      %dma_start3A_1143 = tpu.memref_squeeze %dma_start3A_1142 : memref<1x1x30x128xf32, #tpu.memory_space<vmem>> -> memref<30x128xf32, #tpu.memory_space<vmem>>
      %dma_start3A_1144 = arith.constant 0 : i32
      %dma_start3A_1145 = tpu.memref_slice %arg6[%add3A_1137, %dma_start3A_1144] : memref<240x128xi32, #tpu.memory_space<vmem>> -> memref<1x30xi32, #tpu.memory_space<vmem>>
      %dma_start3A_1146 = tpu.memref_squeeze %dma_start3A_1145 : memref<1x30xi32, #tpu.memory_space<vmem>> -> memref<30xi32, #tpu.memory_space<vmem>>
      %dma_start3A_1147 = arith.constant 0 : i32
      %dma_start3A_1148 = arith.constant 0 : i32
      %dma_start3A_1149 = tpu.memref_slice %arg2[%dma_start3A_1147, %dma_start3A_1148] : memref<9900x128xf32, #tpu.memory_space<hbm>> -> memref<9900x128xf32, #tpu.memory_space<hbm>>
      tpu.enqueue_indirect_dma source(%dma_start3A_1149 : memref<9900x128xf32, #tpu.memory_space<hbm>>) target(%dma_start3A_1143 : memref<30x128xf32, #tpu.memory_space<vmem>>) offsets(%dma_start3A_1146 : memref<30xi32, #tpu.memory_space<vmem>>) semaphore(%arg10 : memref<!tpu.dma_semaphore, #tpu.memory_space<semaphore_mem>>)
      %dma_start3A_1150 = arith.constant 2 : i32
      %dma_start3A_1151 = arith.constant 1 : i32
      %dma_start3A_1152 = arith.constant 0 : i32
      %dma_start3A_1153 = arith.constant 0 : i32
      %dma_start3A_1154 = tpu.memref_slice %arg7[%dma_start3A_1150, %dma_start3A_1151, %dma_start3A_1152, %dma_start3A_1153] : memref<3x4x30x128xf32, #tpu.memory_space<vmem>> -> memref<1x1x30x128xf32, #tpu.memory_space<vmem>>
      %dma_start3A_1155 = tpu.memref_squeeze %dma_start3A_1154 : memref<1x1x30x128xf32, #tpu.memory_space<vmem>> -> memref<30x128xf32, #tpu.memory_space<vmem>>
      %dma_start3A_1156 = arith.constant 32 : i32
      %dma_start3A_1157 = tpu.memref_slice %arg6[%add3A_1137, %dma_start3A_1156] : memref<240x128xi32, #tpu.memory_space<vmem>> -> memref<1x30xi32, #tpu.memory_space<vmem>>
      %dma_start3A_1158 = tpu.memref_squeeze %dma_start3A_1157 : memref<1x30xi32, #tpu.memory_space<vmem>> -> memref<30xi32, #tpu.memory_space<vmem>>
      %dma_start3A_1159 = arith.constant 0 : i32
      %dma_start3A_1160 = arith.constant 0 : i32
      %dma_start3A_1161 = tpu.memref_slice %arg2[%dma_start3A_1159, %dma_start3A_1160] : memref<9900x128xf32, #tpu.memory_space<hbm>> -> memref<9900x128xf32, #tpu.memory_space<hbm>>
      tpu.enqueue_indirect_dma source(%dma_start3A_1161 : memref<9900x128xf32, #tpu.memory_space<hbm>>) target(%dma_start3A_1155 : memref<30x128xf32, #tpu.memory_space<vmem>>) offsets(%dma_start3A_1158 : memref<30xi32, #tpu.memory_space<vmem>>) semaphore(%arg10 : memref<!tpu.dma_semaphore, #tpu.memory_space<semaphore_mem>>)
      %dma_start3A_1162 = arith.constant 2 : i32
      %dma_start3A_1163 = arith.constant 2 : i32
      %dma_start3A_1164 = arith.constant 0 : i32
      %dma_start3A_1165 = arith.constant 0 : i32
      %dma_start3A_1166 = tpu.memref_slice %arg7[%dma_start3A_1162, %dma_start3A_1163, %dma_start3A_1164, %dma_start3A_1165] : memref<3x4x30x128xf32, #tpu.memory_space<vmem>> -> memref<1x1x30x128xf32, #tpu.memory_space<vmem>>
      %dma_start3A_1167 = tpu.memref_squeeze %dma_start3A_1166 : memref<1x1x30x128xf32, #tpu.memory_space<vmem>> -> memref<30x128xf32, #tpu.memory_space<vmem>>
      %dma_start3A_1168 = arith.constant 64 : i32
      %dma_start3A_1169 = tpu.memref_slice %arg6[%add3A_1137, %dma_start3A_1168] : memref<240x128xi32, #tpu.memory_space<vmem>> -> memref<1x30xi32, #tpu.memory_space<vmem>>
      %dma_start3A_1170 = tpu.memref_squeeze %dma_start3A_1169 : memref<1x30xi32, #tpu.memory_space<vmem>> -> memref<30xi32, #tpu.memory_space<vmem>>
      %dma_start3A_1171 = arith.constant 0 : i32
      %dma_start3A_1172 = arith.constant 0 : i32
      %dma_start3A_1173 = tpu.memref_slice %arg2[%dma_start3A_1171, %dma_start3A_1172] : memref<9900x128xf32, #tpu.memory_space<hbm>> -> memref<9900x128xf32, #tpu.memory_space<hbm>>
      tpu.enqueue_indirect_dma source(%dma_start3A_1173 : memref<9900x128xf32, #tpu.memory_space<hbm>>) target(%dma_start3A_1167 : memref<30x128xf32, #tpu.memory_space<vmem>>) offsets(%dma_start3A_1170 : memref<30xi32, #tpu.memory_space<vmem>>) semaphore(%arg10 : memref<!tpu.dma_semaphore, #tpu.memory_space<semaphore_mem>>)
      %dma_start3A_1174 = arith.constant 2 : i32
      %dma_start3A_1175 = arith.constant 3 : i32
      %dma_start3A_1176 = arith.constant 0 : i32
      %dma_start3A_1177 = arith.constant 0 : i32
      %dma_start3A_1178 = tpu.memref_slice %arg7[%dma_start3A_1174, %dma_start3A_1175, %dma_start3A_1176, %dma_start3A_1177] : memref<3x4x30x128xf32, #tpu.memory_space<vmem>> -> memref<1x1x30x128xf32, #tpu.memory_space<vmem>>
      %dma_start3A_1179 = tpu.memref_squeeze %dma_start3A_1178 : memref<1x1x30x128xf32, #tpu.memory_space<vmem>> -> memref<30x128xf32, #tpu.memory_space<vmem>>
      %dma_start3A_1180 = arith.constant 96 : i32
      %dma_start3A_1181 = tpu.memref_slice %arg6[%add3A_1137, %dma_start3A_1180] : memref<240x128xi32, #tpu.memory_space<vmem>> -> memref<1x30xi32, #tpu.memory_space<vmem>>
      %dma_start3A_1182 = tpu.memref_squeeze %dma_start3A_1181 : memref<1x30xi32, #tpu.memory_space<vmem>> -> memref<30xi32, #tpu.memory_space<vmem>>
      %dma_start3A_1183 = arith.constant 0 : i32
      %dma_start3A_1184 = arith.constant 0 : i32
      %dma_start3A_1185 = tpu.memref_slice %arg2[%dma_start3A_1183, %dma_start3A_1184] : memref<9900x128xf32, #tpu.memory_space<hbm>> -> memref<9900x128xf32, #tpu.memory_space<hbm>>
      tpu.enqueue_indirect_dma source(%dma_start3A_1185 : memref<9900x128xf32, #tpu.memory_space<hbm>>) target(%dma_start3A_1179 : memref<30x128xf32, #tpu.memory_space<vmem>>) offsets(%dma_start3A_1182 : memref<30xi32, #tpu.memory_space<vmem>>) semaphore(%arg10 : memref<!tpu.dma_semaphore, #tpu.memory_space<semaphore_mem>>)
      %add3A_1186 = arith.constant 4 : i32
      %add3A_1187 = arith.addi %select_n3A, %add3A_1186 : i32
      %ge3A_1188 = arith.constant 30 : i32
      %ge3A_1189 = arith.cmpi sge, %add3A_1187, %ge3A_1188 : i32
      %sub3A_1190 = arith.constant 30 : i32
      %sub3A_1191 = arith.subi %add3A_1187, %sub3A_1190 : i32
      %select_n3A_1192 = arith.select %ge3A_1189, %sub3A_1191, %add3A_1187 : i32
      %convert_element_type3A_1193 = arith.extui %ge3A_1189 : i1 to i32
      %add3A_1194 = arith.addi %add3A_1050, %convert_element_type3A_1193 : i32
      %mul3A_1195 = arith.constant 3 : i32
      %mul3A_1196 = arith.muli %scan3A_911, %mul3A_1195 : i32
      %add3A_1197 = arith.constant 2 : i32
      %add3A_1198 = arith.addi %mul3A_1196, %add3A_1197 : i32
      %dma_wait3A_1199 = arith.constant 2 : i32
      %dma_wait3A_1200 = arith.constant 0 : i32
      %dma_wait3A_1201 = arith.constant 0 : i32
      %dma_wait3A_1202 = arith.constant 0 : i32
      %dma_wait3A_1203 = tpu.memref_slice %arg7[%dma_wait3A_1199, %dma_wait3A_1200, %dma_wait3A_1201, %dma_wait3A_1202] : memref<3x4x30x128xf32, #tpu.memory_space<vmem>> -> memref<1x1x30x128xf32, #tpu.memory_space<vmem>>
      %dma_wait3A_1204 = tpu.memref_squeeze %dma_wait3A_1203 : memref<1x1x30x128xf32, #tpu.memory_space<vmem>> -> memref<30x128xf32, #tpu.memory_space<vmem>>
      %dma_wait3A_1205 = arith.constant 0 : i32
      %dma_wait3A_1206 = tpu.memref_slice %arg6[%add3A_1198, %dma_wait3A_1205] : memref<240x128xi32, #tpu.memory_space<vmem>> -> memref<1x30xi32, #tpu.memory_space<vmem>>
      %dma_wait3A_1207 = tpu.memref_squeeze %dma_wait3A_1206 : memref<1x30xi32, #tpu.memory_space<vmem>> -> memref<30xi32, #tpu.memory_space<vmem>>
      %dma_wait3A_1208 = arith.constant 0 : i32
      %dma_wait3A_1209 = arith.constant 0 : i32
      %dma_wait3A_1210 = tpu.memref_slice %arg2[%dma_wait3A_1208, %dma_wait3A_1209] : memref<9900x128xf32, #tpu.memory_space<hbm>> -> memref<9900x128xf32, #tpu.memory_space<hbm>>
      tpu.wait_indirect_dma semaphore(%arg10 : memref<!tpu.dma_semaphore, #tpu.memory_space<semaphore_mem>>) src(%dma_wait3A_1210 : memref<9900x128xf32, #tpu.memory_space<hbm>>) dst(%dma_wait3A_1204 : memref<30x128xf32, #tpu.memory_space<vmem>>)
      %dma_wait3A_1211 = arith.constant 2 : i32
      %dma_wait3A_1212 = arith.constant 1 : i32
      %dma_wait3A_1213 = arith.constant 0 : i32
      %dma_wait3A_1214 = arith.constant 0 : i32
      %dma_wait3A_1215 = tpu.memref_slice %arg7[%dma_wait3A_1211, %dma_wait3A_1212, %dma_wait3A_1213, %dma_wait3A_1214] : memref<3x4x30x128xf32, #tpu.memory_space<vmem>> -> memref<1x1x30x128xf32, #tpu.memory_space<vmem>>
      %dma_wait3A_1216 = tpu.memref_squeeze %dma_wait3A_1215 : memref<1x1x30x128xf32, #tpu.memory_space<vmem>> -> memref<30x128xf32, #tpu.memory_space<vmem>>
      %dma_wait3A_1217 = arith.constant 32 : i32
      %dma_wait3A_1218 = tpu.memref_slice %arg6[%add3A_1198, %dma_wait3A_1217] : memref<240x128xi32, #tpu.memory_space<vmem>> -> memref<1x30xi32, #tpu.memory_space<vmem>>
      %dma_wait3A_1219 = tpu.memref_squeeze %dma_wait3A_1218 : memref<1x30xi32, #tpu.memory_space<vmem>> -> memref<30xi32, #tpu.memory_space<vmem>>
      %dma_wait3A_1220 = arith.constant 0 : i32
      %dma_wait3A_1221 = arith.constant 0 : i32
      %dma_wait3A_1222 = tpu.memref_slice %arg2[%dma_wait3A_1220, %dma_wait3A_1221] : memref<9900x128xf32, #tpu.memory_space<hbm>> -> memref<9900x128xf32, #tpu.memory_space<hbm>>
      tpu.wait_indirect_dma semaphore(%arg10 : memref<!tpu.dma_semaphore, #tpu.memory_space<semaphore_mem>>) src(%dma_wait3A_1222 : memref<9900x128xf32, #tpu.memory_space<hbm>>) dst(%dma_wait3A_1216 : memref<30x128xf32, #tpu.memory_space<vmem>>)
      %dma_wait3A_1223 = arith.constant 2 : i32
      %dma_wait3A_1224 = arith.constant 2 : i32
      %dma_wait3A_1225 = arith.constant 0 : i32
      %dma_wait3A_1226 = arith.constant 0 : i32
      %dma_wait3A_1227 = tpu.memref_slice %arg7[%dma_wait3A_1223, %dma_wait3A_1224, %dma_wait3A_1225, %dma_wait3A_1226] : memref<3x4x30x128xf32, #tpu.memory_space<vmem>> -> memref<1x1x30x128xf32, #tpu.memory_space<vmem>>
      %dma_wait3A_1228 = tpu.memref_squeeze %dma_wait3A_1227 : memref<1x1x30x128xf32, #tpu.memory_space<vmem>> -> memref<30x128xf32, #tpu.memory_space<vmem>>
      %dma_wait3A_1229 = arith.constant 64 : i32
      %dma_wait3A_1230 = tpu.memref_slice %arg6[%add3A_1198, %dma_wait3A_1229] : memref<240x128xi32, #tpu.memory_space<vmem>> -> memref<1x30xi32, #tpu.memory_space<vmem>>
      %dma_wait3A_1231 = tpu.memref_squeeze %dma_wait3A_1230 : memref<1x30xi32, #tpu.memory_space<vmem>> -> memref<30xi32, #tpu.memory_space<vmem>>
      %dma_wait3A_1232 = arith.constant 0 : i32
      %dma_wait3A_1233 = arith.constant 0 : i32
      %dma_wait3A_1234 = tpu.memref_slice %arg2[%dma_wait3A_1232, %dma_wait3A_1233] : memref<9900x128xf32, #tpu.memory_space<hbm>> -> memref<9900x128xf32, #tpu.memory_space<hbm>>
      tpu.wait_indirect_dma semaphore(%arg10 : memref<!tpu.dma_semaphore, #tpu.memory_space<semaphore_mem>>) src(%dma_wait3A_1234 : memref<9900x128xf32, #tpu.memory_space<hbm>>) dst(%dma_wait3A_1228 : memref<30x128xf32, #tpu.memory_space<vmem>>)
      %dma_wait3A_1235 = arith.constant 2 : i32
      %dma_wait3A_1236 = arith.constant 3 : i32
      %dma_wait3A_1237 = arith.constant 0 : i32
      %dma_wait3A_1238 = arith.constant 0 : i32
      %dma_wait3A_1239 = tpu.memref_slice %arg7[%dma_wait3A_1235, %dma_wait3A_1236, %dma_wait3A_1237, %dma_wait3A_1238] : memref<3x4x30x128xf32, #tpu.memory_space<vmem>> -> memref<1x1x30x128xf32, #tpu.memory_space<vmem>>
      %dma_wait3A_1240 = tpu.memref_squeeze %dma_wait3A_1239 : memref<1x1x30x128xf32, #tpu.memory_space<vmem>> -> memref<30x128xf32, #tpu.memory_space<vmem>>
      %dma_wait3A_1241 = arith.constant 96 : i32
      %dma_wait3A_1242 = tpu.memref_slice %arg6[%add3A_1198, %dma_wait3A_1241] : memref<240x128xi32, #tpu.memory_space<vmem>> -> memref<1x30xi32, #tpu.memory_space<vmem>>
      %dma_wait3A_1243 = tpu.memref_squeeze %dma_wait3A_1242 : memref<1x30xi32, #tpu.memory_space<vmem>> -> memref<30xi32, #tpu.memory_space<vmem>>
      %dma_wait3A_1244 = arith.constant 0 : i32
      %dma_wait3A_1245 = arith.constant 0 : i32
      %dma_wait3A_1246 = tpu.memref_slice %arg2[%dma_wait3A_1244, %dma_wait3A_1245] : memref<9900x128xf32, #tpu.memory_space<hbm>> -> memref<9900x128xf32, #tpu.memory_space<hbm>>
      tpu.wait_indirect_dma semaphore(%arg10 : memref<!tpu.dma_semaphore, #tpu.memory_space<semaphore_mem>>) src(%dma_wait3A_1246 : memref<9900x128xf32, #tpu.memory_space<hbm>>) dst(%dma_wait3A_1240 : memref<30x128xf32, #tpu.memory_space<vmem>>)
      %add3A_1247 = arith.addi %mul3A_2, %add3A_1194 : i32
      %ne3A_1248 = arith.constant 28 : i32
      %ne3A_1249 = arith.cmpi ne, %select_n3A_1192, %ne3A_1248 : i32
      %convert_element_type3A_1250 = arith.extui %ne3A_1249 : i1 to i32
      %cond3A_1251 = arith.constant 0 : i32
      %cond3A_1252 = arith.cmpi ne, %convert_element_type3A_1250, %cond3A_1251 : i32
      scf.if %cond3A_1252 {
        %dma_start3A_1339 = arith.constant 2 : i32
        %dma_start3A_1340 = arith.constant 0 : i32
        %dma_start3A_1341 = arith.constant 0 : i32
        %dma_start3A_1342 = arith.constant 0 : i32
        %dma_start3A_1343 = tpu.memref_slice %arg7[%dma_start3A_1339, %dma_start3A_1340, %dma_start3A_1341, %dma_start3A_1342] : memref<3x4x30x128xf32, #tpu.memory_space<vmem>> -> memref<1x4x30x128xf32, #tpu.memory_space<vmem>>
        %dma_start3A_1344 = tpu.memref_squeeze %dma_start3A_1343 : memref<1x4x30x128xf32, #tpu.memory_space<vmem>> -> memref<4x30x128xf32, #tpu.memory_space<vmem>>
        %dma_start3A_1345 = arith.constant 0 : i32
        %dma_start3A_1346 = arith.constant 0 : i32
        %dma_start3A_1347 = tpu.memref_slice %arg4[%add3A_1247, %select_n3A_1192, %dma_start3A_1345, %dma_start3A_1346] : memref<1024x30x30x128xf32, #tpu.memory_space<hbm>> -> memref<1x4x30x128xf32, #tpu.memory_space<hbm>>
        %dma_start3A_1348 = tpu.memref_squeeze %dma_start3A_1347 : memref<1x4x30x128xf32, #tpu.memory_space<hbm>> -> memref<4x30x128xf32, #tpu.memory_space<hbm>>
        %dma_start3A_1349 = arith.constant 0 : i32
        %dma_start3A_1350 = arith.constant 0 : i32
        %dma_start3A_1351 = tpu.memref_slice %arg4[%add3A_1247, %select_n3A_1192, %dma_start3A_1349, %dma_start3A_1350] : memref<1024x30x30x128xf32, #tpu.memory_space<hbm>> -> memref<1x4x30x128xf32, #tpu.memory_space<hbm>>
        %dma_start3A_1352 = tpu.memref_squeeze %dma_start3A_1351 : memref<1x4x30x128xf32, #tpu.memory_space<hbm>> -> memref<4x30x128xf32, #tpu.memory_space<hbm>>
        %dma_start3A_1353 = arith.constant 0 : i32
        %dma_start3A_1354 = arith.constant 0 : i32
        %dma_start3A_1355 = arith.constant 0 : i32
        %dma_start3A_1356 = tpu.memref_slice %arg7[%dma_start3A_1339, %dma_start3A_1353, %dma_start3A_1354, %dma_start3A_1355] : memref<3x4x30x128xf32, #tpu.memory_space<vmem>> -> memref<1x4x30x128xf32, #tpu.memory_space<vmem>>
        %dma_start3A_1357 = tpu.memref_squeeze %dma_start3A_1356 : memref<1x4x30x128xf32, #tpu.memory_space<vmem>> -> memref<4x30x128xf32, #tpu.memory_space<vmem>>
        tpu.enqueue_dma source(%dma_start3A_1357 : memref<4x30x128xf32, #tpu.memory_space<vmem>>) target(%dma_start3A_1352 : memref<4x30x128xf32, #tpu.memory_space<hbm>>) target_semaphore(%arg13 : memref<!tpu.dma_semaphore, #tpu.memory_space<semaphore_mem>>)
      } else {
      }
      %eq3A_1253 = arith.constant 28 : i32
      %eq3A_1254 = arith.cmpi eq, %select_n3A_1192, %eq3A_1253 : i32
      %convert_element_type3A_1255 = arith.extui %eq3A_1254 : i1 to i32
      %cond3A_1256 = arith.constant 0 : i32
      %cond3A_1257 = arith.cmpi ne, %convert_element_type3A_1255, %cond3A_1256 : i32
      scf.if %cond3A_1257 {
        %dma_start3A_1339 = arith.constant 2 : i32
        %dma_start3A_1340 = arith.constant 0 : i32
        %dma_start3A_1341 = arith.constant 0 : i32
        %dma_start3A_1342 = arith.constant 0 : i32
        %dma_start3A_1343 = tpu.memref_slice %arg7[%dma_start3A_1339, %dma_start3A_1340, %dma_start3A_1341, %dma_start3A_1342] : memref<3x4x30x128xf32, #tpu.memory_space<vmem>> -> memref<1x2x30x128xf32, #tpu.memory_space<vmem>>
        %dma_start3A_1344 = tpu.memref_squeeze %dma_start3A_1343 : memref<1x2x30x128xf32, #tpu.memory_space<vmem>> -> memref<2x30x128xf32, #tpu.memory_space<vmem>>
        %dma_start3A_1345 = arith.constant 28 : i32
        %dma_start3A_1346 = arith.constant 0 : i32
        %dma_start3A_1347 = arith.constant 0 : i32
        %dma_start3A_1348 = tpu.memref_slice %arg4[%add3A_1247, %dma_start3A_1345, %dma_start3A_1346, %dma_start3A_1347] : memref<1024x30x30x128xf32, #tpu.memory_space<hbm>> -> memref<1x2x30x128xf32, #tpu.memory_space<hbm>>
        %dma_start3A_1349 = tpu.memref_squeeze %dma_start3A_1348 : memref<1x2x30x128xf32, #tpu.memory_space<hbm>> -> memref<2x30x128xf32, #tpu.memory_space<hbm>>
        %dma_start3A_1350 = arith.constant 28 : i32
        %dma_start3A_1351 = arith.constant 0 : i32
        %dma_start3A_1352 = arith.constant 0 : i32
        %dma_start3A_1353 = tpu.memref_slice %arg4[%add3A_1247, %dma_start3A_1350, %dma_start3A_1351, %dma_start3A_1352] : memref<1024x30x30x128xf32, #tpu.memory_space<hbm>> -> memref<1x2x30x128xf32, #tpu.memory_space<hbm>>
        %dma_start3A_1354 = tpu.memref_squeeze %dma_start3A_1353 : memref<1x2x30x128xf32, #tpu.memory_space<hbm>> -> memref<2x30x128xf32, #tpu.memory_space<hbm>>
        %dma_start3A_1355 = arith.constant 0 : i32
        %dma_start3A_1356 = arith.constant 0 : i32
        %dma_start3A_1357 = arith.constant 0 : i32
        %dma_start3A_1358 = tpu.memref_slice %arg7[%dma_start3A_1339, %dma_start3A_1355, %dma_start3A_1356, %dma_start3A_1357] : memref<3x4x30x128xf32, #tpu.memory_space<vmem>> -> memref<1x2x30x128xf32, #tpu.memory_space<vmem>>
        %dma_start3A_1359 = tpu.memref_squeeze %dma_start3A_1358 : memref<1x2x30x128xf32, #tpu.memory_space<vmem>> -> memref<2x30x128xf32, #tpu.memory_space<vmem>>
        tpu.enqueue_dma source(%dma_start3A_1359 : memref<2x30x128xf32, #tpu.memory_space<vmem>>) target(%dma_start3A_1354 : memref<2x30x128xf32, #tpu.memory_space<hbm>>) target_semaphore(%arg13 : memref<!tpu.dma_semaphore, #tpu.memory_space<semaphore_mem>>)
        %add3A_1360 = arith.constant 1 : i32
        %add3A_1361 = arith.addi %add3A_1247, %add3A_1360 : i32
        %dma_start3A_1362 = arith.constant 2 : i32
        %dma_start3A_1363 = arith.constant 2 : i32
        %dma_start3A_1364 = arith.constant 0 : i32
        %dma_start3A_1365 = arith.constant 0 : i32
        %dma_start3A_1366 = tpu.memref_slice %arg7[%dma_start3A_1362, %dma_start3A_1363, %dma_start3A_1364, %dma_start3A_1365] : memref<3x4x30x128xf32, #tpu.memory_space<vmem>> -> memref<1x2x30x128xf32, #tpu.memory_space<vmem>>
        %dma_start3A_1367 = tpu.memref_squeeze %dma_start3A_1366 : memref<1x2x30x128xf32, #tpu.memory_space<vmem>> -> memref<2x30x128xf32, #tpu.memory_space<vmem>>
        %dma_start3A_1368 = arith.constant 0 : i32
        %dma_start3A_1369 = arith.constant 0 : i32
        %dma_start3A_1370 = arith.constant 0 : i32
        %dma_start3A_1371 = tpu.memref_slice %arg4[%add3A_1361, %dma_start3A_1368, %dma_start3A_1369, %dma_start3A_1370] : memref<1024x30x30x128xf32, #tpu.memory_space<hbm>> -> memref<1x2x30x128xf32, #tpu.memory_space<hbm>>
        %dma_start3A_1372 = tpu.memref_squeeze %dma_start3A_1371 : memref<1x2x30x128xf32, #tpu.memory_space<hbm>> -> memref<2x30x128xf32, #tpu.memory_space<hbm>>
        %dma_start3A_1373 = arith.constant 0 : i32
        %dma_start3A_1374 = arith.constant 0 : i32
        %dma_start3A_1375 = arith.constant 0 : i32
        %dma_start3A_1376 = tpu.memref_slice %arg4[%add3A_1361, %dma_start3A_1373, %dma_start3A_1374, %dma_start3A_1375] : memref<1024x30x30x128xf32, #tpu.memory_space<hbm>> -> memref<1x2x30x128xf32, #tpu.memory_space<hbm>>
        %dma_start3A_1377 = tpu.memref_squeeze %dma_start3A_1376 : memref<1x2x30x128xf32, #tpu.memory_space<hbm>> -> memref<2x30x128xf32, #tpu.memory_space<hbm>>
        %dma_start3A_1378 = arith.constant 2 : i32
        %dma_start3A_1379 = arith.constant 0 : i32
        %dma_start3A_1380 = arith.constant 0 : i32
        %dma_start3A_1381 = tpu.memref_slice %arg7[%dma_start3A_1362, %dma_start3A_1378, %dma_start3A_1379, %dma_start3A_1380] : memref<3x4x30x128xf32, #tpu.memory_space<vmem>> -> memref<1x2x30x128xf32, #tpu.memory_space<vmem>>
        %dma_start3A_1382 = tpu.memref_squeeze %dma_start3A_1381 : memref<1x2x30x128xf32, #tpu.memory_space<vmem>> -> memref<2x30x128xf32, #tpu.memory_space<vmem>>
        tpu.enqueue_dma source(%dma_start3A_1382 : memref<2x30x128xf32, #tpu.memory_space<vmem>>) target(%dma_start3A_1377 : memref<2x30x128xf32, #tpu.memory_space<hbm>>) target_semaphore(%arg13 : memref<!tpu.dma_semaphore, #tpu.memory_space<semaphore_mem>>)
      } else {
      }
      %dma_wait3A_1258 = arith.constant 0 : i32
      %dma_wait3A_1259 = arith.constant 0 : i32
      %dma_wait3A_1260 = arith.constant 0 : i32
      %dma_wait3A_1261 = arith.constant 0 : i32
      %dma_wait3A_1262 = arith.constant 0 : i32
      %dma_wait3A_1263 = tpu.memref_slice %arg7[%dma_wait3A_1258, %dma_wait3A_1260, %dma_wait3A_1261, %dma_wait3A_1262] : memref<3x4x30x128xf32, #tpu.memory_space<vmem>> -> memref<1x4x30x128xf32, #tpu.memory_space<vmem>>
      %dma_wait3A_1264 = tpu.memref_squeeze %dma_wait3A_1263 : memref<1x4x30x128xf32, #tpu.memory_space<vmem>> -> memref<4x30x128xf32, #tpu.memory_space<vmem>>
      %dma_wait3A_1265 = arith.constant 0 : i32
      %dma_wait3A_1266 = arith.constant 0 : i32
      %dma_wait3A_1267 = arith.constant 0 : i32
      %dma_wait3A_1268 = tpu.memref_slice %arg4[%dma_wait3A_1259, %dma_wait3A_1265, %dma_wait3A_1266, %dma_wait3A_1267] : memref<1024x30x30x128xf32, #tpu.memory_space<hbm>> -> memref<1x4x30x128xf32, #tpu.memory_space<hbm>>
      %dma_wait3A_1269 = tpu.memref_squeeze %dma_wait3A_1268 : memref<1x4x30x128xf32, #tpu.memory_space<hbm>> -> memref<4x30x128xf32, #tpu.memory_space<hbm>>
      %dma_wait3A_1270 = arith.constant 0 : i32
      %dma_wait3A_1271 = arith.constant 0 : i32
      %dma_wait3A_1272 = arith.constant 0 : i32
      %dma_wait3A_1273 = tpu.memref_slice %arg4[%dma_wait3A_1259, %dma_wait3A_1270, %dma_wait3A_1271, %dma_wait3A_1272] : memref<1024x30x30x128xf32, #tpu.memory_space<hbm>> -> memref<1x4x30x128xf32, #tpu.memory_space<hbm>>
      %dma_wait3A_1274 = tpu.memref_squeeze %dma_wait3A_1273 : memref<1x4x30x128xf32, #tpu.memory_space<hbm>> -> memref<4x30x128xf32, #tpu.memory_space<hbm>>
      %dma_wait3A_1275 = arith.constant 0 : i32
      %dma_wait3A_1276 = arith.constant 0 : i32
      %dma_wait3A_1277 = arith.constant 0 : i32
      %dma_wait3A_1278 = tpu.memref_slice %arg7[%dma_wait3A_1258, %dma_wait3A_1275, %dma_wait3A_1276, %dma_wait3A_1277] : memref<3x4x30x128xf32, #tpu.memory_space<vmem>> -> memref<1x4x30x128xf32, #tpu.memory_space<vmem>>
      %dma_wait3A_1279 = tpu.memref_squeeze %dma_wait3A_1278 : memref<1x4x30x128xf32, #tpu.memory_space<vmem>> -> memref<4x30x128xf32, #tpu.memory_space<vmem>>
      tpu.wait_dma2 semaphore(%arg11 : memref<!tpu.dma_semaphore, #tpu.memory_space<semaphore_mem>>) src(%dma_wait3A_1279 : memref<4x30x128xf32, #tpu.memory_space<vmem>>) dst(%dma_wait3A_1274 : memref<4x30x128xf32, #tpu.memory_space<hbm>>)
      %add3A_1280 = arith.constant 1 : i32
      %add3A_1281 = arith.addi %add3A_1198, %add3A_1280 : i32
      %dma_start3A_1282 = arith.constant 0 : i32
      %dma_start3A_1283 = arith.constant 0 : i32
      %dma_start3A_1284 = arith.constant 0 : i32
      %dma_start3A_1285 = arith.constant 0 : i32
      %dma_start3A_1286 = tpu.memref_slice %arg7[%dma_start3A_1282, %dma_start3A_1283, %dma_start3A_1284, %dma_start3A_1285] : memref<3x4x30x128xf32, #tpu.memory_space<vmem>> -> memref<1x1x30x128xf32, #tpu.memory_space<vmem>>
      %dma_start3A_1287 = tpu.memref_squeeze %dma_start3A_1286 : memref<1x1x30x128xf32, #tpu.memory_space<vmem>> -> memref<30x128xf32, #tpu.memory_space<vmem>>
      %dma_start3A_1288 = arith.constant 0 : i32
      %dma_start3A_1289 = tpu.memref_slice %arg6[%add3A_1281, %dma_start3A_1288] : memref<240x128xi32, #tpu.memory_space<vmem>> -> memref<1x30xi32, #tpu.memory_space<vmem>>
      %dma_start3A_1290 = tpu.memref_squeeze %dma_start3A_1289 : memref<1x30xi32, #tpu.memory_space<vmem>> -> memref<30xi32, #tpu.memory_space<vmem>>
      %dma_start3A_1291 = arith.constant 0 : i32
      %dma_start3A_1292 = arith.constant 0 : i32
      %dma_start3A_1293 = tpu.memref_slice %arg2[%dma_start3A_1291, %dma_start3A_1292] : memref<9900x128xf32, #tpu.memory_space<hbm>> -> memref<9900x128xf32, #tpu.memory_space<hbm>>
      tpu.enqueue_indirect_dma source(%dma_start3A_1293 : memref<9900x128xf32, #tpu.memory_space<hbm>>) target(%dma_start3A_1287 : memref<30x128xf32, #tpu.memory_space<vmem>>) offsets(%dma_start3A_1290 : memref<30xi32, #tpu.memory_space<vmem>>) semaphore(%arg8 : memref<!tpu.dma_semaphore, #tpu.memory_space<semaphore_mem>>)
      %dma_start3A_1294 = arith.constant 0 : i32
      %dma_start3A_1295 = arith.constant 1 : i32
      %dma_start3A_1296 = arith.constant 0 : i32
      %dma_start3A_1297 = arith.constant 0 : i32
      %dma_start3A_1298 = tpu.memref_slice %arg7[%dma_start3A_1294, %dma_start3A_1295, %dma_start3A_1296, %dma_start3A_1297] : memref<3x4x30x128xf32, #tpu.memory_space<vmem>> -> memref<1x1x30x128xf32, #tpu.memory_space<vmem>>
      %dma_start3A_1299 = tpu.memref_squeeze %dma_start3A_1298 : memref<1x1x30x128xf32, #tpu.memory_space<vmem>> -> memref<30x128xf32, #tpu.memory_space<vmem>>
      %dma_start3A_1300 = arith.constant 32 : i32
      %dma_start3A_1301 = tpu.memref_slice %arg6[%add3A_1281, %dma_start3A_1300] : memref<240x128xi32, #tpu.memory_space<vmem>> -> memref<1x30xi32, #tpu.memory_space<vmem>>
      %dma_start3A_1302 = tpu.memref_squeeze %dma_start3A_1301 : memref<1x30xi32, #tpu.memory_space<vmem>> -> memref<30xi32, #tpu.memory_space<vmem>>
      %dma_start3A_1303 = arith.constant 0 : i32
      %dma_start3A_1304 = arith.constant 0 : i32
      %dma_start3A_1305 = tpu.memref_slice %arg2[%dma_start3A_1303, %dma_start3A_1304] : memref<9900x128xf32, #tpu.memory_space<hbm>> -> memref<9900x128xf32, #tpu.memory_space<hbm>>
      tpu.enqueue_indirect_dma source(%dma_start3A_1305 : memref<9900x128xf32, #tpu.memory_space<hbm>>) target(%dma_start3A_1299 : memref<30x128xf32, #tpu.memory_space<vmem>>) offsets(%dma_start3A_1302 : memref<30xi32, #tpu.memory_space<vmem>>) semaphore(%arg8 : memref<!tpu.dma_semaphore, #tpu.memory_space<semaphore_mem>>)
      %dma_start3A_1306 = arith.constant 0 : i32
      %dma_start3A_1307 = arith.constant 2 : i32
      %dma_start3A_1308 = arith.constant 0 : i32
      %dma_start3A_1309 = arith.constant 0 : i32
      %dma_start3A_1310 = tpu.memref_slice %arg7[%dma_start3A_1306, %dma_start3A_1307, %dma_start3A_1308, %dma_start3A_1309] : memref<3x4x30x128xf32, #tpu.memory_space<vmem>> -> memref<1x1x30x128xf32, #tpu.memory_space<vmem>>
      %dma_start3A_1311 = tpu.memref_squeeze %dma_start3A_1310 : memref<1x1x30x128xf32, #tpu.memory_space<vmem>> -> memref<30x128xf32, #tpu.memory_space<vmem>>
      %dma_start3A_1312 = arith.constant 64 : i32
      %dma_start3A_1313 = tpu.memref_slice %arg6[%add3A_1281, %dma_start3A_1312] : memref<240x128xi32, #tpu.memory_space<vmem>> -> memref<1x30xi32, #tpu.memory_space<vmem>>
      %dma_start3A_1314 = tpu.memref_squeeze %dma_start3A_1313 : memref<1x30xi32, #tpu.memory_space<vmem>> -> memref<30xi32, #tpu.memory_space<vmem>>
      %dma_start3A_1315 = arith.constant 0 : i32
      %dma_start3A_1316 = arith.constant 0 : i32
      %dma_start3A_1317 = tpu.memref_slice %arg2[%dma_start3A_1315, %dma_start3A_1316] : memref<9900x128xf32, #tpu.memory_space<hbm>> -> memref<9900x128xf32, #tpu.memory_space<hbm>>
      tpu.enqueue_indirect_dma source(%dma_start3A_1317 : memref<9900x128xf32, #tpu.memory_space<hbm>>) target(%dma_start3A_1311 : memref<30x128xf32, #tpu.memory_space<vmem>>) offsets(%dma_start3A_1314 : memref<30xi32, #tpu.memory_space<vmem>>) semaphore(%arg8 : memref<!tpu.dma_semaphore, #tpu.memory_space<semaphore_mem>>)
      %dma_start3A_1318 = arith.constant 0 : i32
      %dma_start3A_1319 = arith.constant 3 : i32
      %dma_start3A_1320 = arith.constant 0 : i32
      %dma_start3A_1321 = arith.constant 0 : i32
      %dma_start3A_1322 = tpu.memref_slice %arg7[%dma_start3A_1318, %dma_start3A_1319, %dma_start3A_1320, %dma_start3A_1321] : memref<3x4x30x128xf32, #tpu.memory_space<vmem>> -> memref<1x1x30x128xf32, #tpu.memory_space<vmem>>
      %dma_start3A_1323 = tpu.memref_squeeze %dma_start3A_1322 : memref<1x1x30x128xf32, #tpu.memory_space<vmem>> -> memref<30x128xf32, #tpu.memory_space<vmem>>
      %dma_start3A_1324 = arith.constant 96 : i32
      %dma_start3A_1325 = tpu.memref_slice %arg6[%add3A_1281, %dma_start3A_1324] : memref<240x128xi32, #tpu.memory_space<vmem>> -> memref<1x30xi32, #tpu.memory_space<vmem>>
      %dma_start3A_1326 = tpu.memref_squeeze %dma_start3A_1325 : memref<1x30xi32, #tpu.memory_space<vmem>> -> memref<30xi32, #tpu.memory_space<vmem>>
      %dma_start3A_1327 = arith.constant 0 : i32
      %dma_start3A_1328 = arith.constant 0 : i32
      %dma_start3A_1329 = tpu.memref_slice %arg2[%dma_start3A_1327, %dma_start3A_1328] : memref<9900x128xf32, #tpu.memory_space<hbm>> -> memref<9900x128xf32, #tpu.memory_space<hbm>>
      tpu.enqueue_indirect_dma source(%dma_start3A_1329 : memref<9900x128xf32, #tpu.memory_space<hbm>>) target(%dma_start3A_1323 : memref<30x128xf32, #tpu.memory_space<vmem>>) offsets(%dma_start3A_1326 : memref<30xi32, #tpu.memory_space<vmem>>) semaphore(%arg8 : memref<!tpu.dma_semaphore, #tpu.memory_space<semaphore_mem>>)
      %add3A_1330 = arith.constant 4 : i32
      %add3A_1331 = arith.addi %select_n3A_1192, %add3A_1330 : i32
      %ge3A_1332 = arith.constant 30 : i32
      %ge3A_1333 = arith.cmpi sge, %add3A_1331, %ge3A_1332 : i32
      %sub3A_1334 = arith.constant 30 : i32
      %sub3A_1335 = arith.subi %add3A_1331, %sub3A_1334 : i32
      %select_n3A_1336 = arith.select %ge3A_1333, %sub3A_1335, %add3A_1331 : i32
      %convert_element_type3A_1337 = arith.extui %ge3A_1333 : i1 to i32
      %add3A_1338 = arith.addi %add3A_1194, %convert_element_type3A_1337 : i32
      scf.yield %add3A_1338, %select_n3A_1336 : i32, i32
    }
    %scan3A_471 = arith.constant 78 : i32
    %dma_wait3A_472 = arith.constant 237 : i32
    %dma_wait3A_473 = arith.constant 0 : i32
    %dma_wait3A_474 = arith.constant 0 : i32
    %dma_wait3A_475 = arith.constant 0 : i32
    %dma_wait3A_476 = arith.constant 0 : i32
    %dma_wait3A_477 = tpu.memref_slice %arg7[%dma_wait3A_473, %dma_wait3A_474, %dma_wait3A_475, %dma_wait3A_476] : memref<3x4x30x128xf32, #tpu.memory_space<vmem>> -> memref<1x1x30x128xf32, #tpu.memory_space<vmem>>
    %dma_wait3A_478 = tpu.memref_squeeze %dma_wait3A_477 : memref<1x1x30x128xf32, #tpu.memory_space<vmem>> -> memref<30x128xf32, #tpu.memory_space<vmem>>
    %dma_wait3A_479 = arith.constant 0 : i32
    %dma_wait3A_480 = tpu.memref_slice %arg6[%dma_wait3A_472, %dma_wait3A_479] : memref<240x128xi32, #tpu.memory_space<vmem>> -> memref<1x30xi32, #tpu.memory_space<vmem>>
    %dma_wait3A_481 = tpu.memref_squeeze %dma_wait3A_480 : memref<1x30xi32, #tpu.memory_space<vmem>> -> memref<30xi32, #tpu.memory_space<vmem>>
    %dma_wait3A_482 = arith.constant 0 : i32
    %dma_wait3A_483 = arith.constant 0 : i32
    %dma_wait3A_484 = tpu.memref_slice %arg2[%dma_wait3A_482, %dma_wait3A_483] : memref<9900x128xf32, #tpu.memory_space<hbm>> -> memref<9900x128xf32, #tpu.memory_space<hbm>>
    tpu.wait_indirect_dma semaphore(%arg8 : memref<!tpu.dma_semaphore, #tpu.memory_space<semaphore_mem>>) src(%dma_wait3A_484 : memref<9900x128xf32, #tpu.memory_space<hbm>>) dst(%dma_wait3A_478 : memref<30x128xf32, #tpu.memory_space<vmem>>)
    %dma_wait3A_485 = arith.constant 237 : i32
    %dma_wait3A_486 = arith.constant 0 : i32
    %dma_wait3A_487 = arith.constant 1 : i32
    %dma_wait3A_488 = arith.constant 0 : i32
    %dma_wait3A_489 = arith.constant 0 : i32
    %dma_wait3A_490 = tpu.memref_slice %arg7[%dma_wait3A_486, %dma_wait3A_487, %dma_wait3A_488, %dma_wait3A_489] : memref<3x4x30x128xf32, #tpu.memory_space<vmem>> -> memref<1x1x30x128xf32, #tpu.memory_space<vmem>>
    %dma_wait3A_491 = tpu.memref_squeeze %dma_wait3A_490 : memref<1x1x30x128xf32, #tpu.memory_space<vmem>> -> memref<30x128xf32, #tpu.memory_space<vmem>>
    %dma_wait3A_492 = arith.constant 32 : i32
    %dma_wait3A_493 = tpu.memref_slice %arg6[%dma_wait3A_485, %dma_wait3A_492] : memref<240x128xi32, #tpu.memory_space<vmem>> -> memref<1x30xi32, #tpu.memory_space<vmem>>
    %dma_wait3A_494 = tpu.memref_squeeze %dma_wait3A_493 : memref<1x30xi32, #tpu.memory_space<vmem>> -> memref<30xi32, #tpu.memory_space<vmem>>
    %dma_wait3A_495 = arith.constant 0 : i32
    %dma_wait3A_496 = arith.constant 0 : i32
    %dma_wait3A_497 = tpu.memref_slice %arg2[%dma_wait3A_495, %dma_wait3A_496] : memref<9900x128xf32, #tpu.memory_space<hbm>> -> memref<9900x128xf32, #tpu.memory_space<hbm>>
    tpu.wait_indirect_dma semaphore(%arg8 : memref<!tpu.dma_semaphore, #tpu.memory_space<semaphore_mem>>) src(%dma_wait3A_497 : memref<9900x128xf32, #tpu.memory_space<hbm>>) dst(%dma_wait3A_491 : memref<30x128xf32, #tpu.memory_space<vmem>>)
    %dma_wait3A_498 = arith.constant 237 : i32
    %dma_wait3A_499 = arith.constant 0 : i32
    %dma_wait3A_500 = arith.constant 2 : i32
    %dma_wait3A_501 = arith.constant 0 : i32
    %dma_wait3A_502 = arith.constant 0 : i32
    %dma_wait3A_503 = tpu.memref_slice %arg7[%dma_wait3A_499, %dma_wait3A_500, %dma_wait3A_501, %dma_wait3A_502] : memref<3x4x30x128xf32, #tpu.memory_space<vmem>> -> memref<1x1x30x128xf32, #tpu.memory_space<vmem>>
    %dma_wait3A_504 = tpu.memref_squeeze %dma_wait3A_503 : memref<1x1x30x128xf32, #tpu.memory_space<vmem>> -> memref<30x128xf32, #tpu.memory_space<vmem>>
    %dma_wait3A_505 = arith.constant 64 : i32
    %dma_wait3A_506 = tpu.memref_slice %arg6[%dma_wait3A_498, %dma_wait3A_505] : memref<240x128xi32, #tpu.memory_space<vmem>> -> memref<1x30xi32, #tpu.memory_space<vmem>>
    %dma_wait3A_507 = tpu.memref_squeeze %dma_wait3A_506 : memref<1x30xi32, #tpu.memory_space<vmem>> -> memref<30xi32, #tpu.memory_space<vmem>>
    %dma_wait3A_508 = arith.constant 0 : i32
    %dma_wait3A_509 = arith.constant 0 : i32
    %dma_wait3A_510 = tpu.memref_slice %arg2[%dma_wait3A_508, %dma_wait3A_509] : memref<9900x128xf32, #tpu.memory_space<hbm>> -> memref<9900x128xf32, #tpu.memory_space<hbm>>
    tpu.wait_indirect_dma semaphore(%arg8 : memref<!tpu.dma_semaphore, #tpu.memory_space<semaphore_mem>>) src(%dma_wait3A_510 : memref<9900x128xf32, #tpu.memory_space<hbm>>) dst(%dma_wait3A_504 : memref<30x128xf32, #tpu.memory_space<vmem>>)
    %dma_wait3A_511 = arith.constant 237 : i32
    %dma_wait3A_512 = arith.constant 0 : i32
    %dma_wait3A_513 = arith.constant 3 : i32
    %dma_wait3A_514 = arith.constant 0 : i32
    %dma_wait3A_515 = arith.constant 0 : i32
    %dma_wait3A_516 = tpu.memref_slice %arg7[%dma_wait3A_512, %dma_wait3A_513, %dma_wait3A_514, %dma_wait3A_515] : memref<3x4x30x128xf32, #tpu.memory_space<vmem>> -> memref<1x1x30x128xf32, #tpu.memory_space<vmem>>
    %dma_wait3A_517 = tpu.memref_squeeze %dma_wait3A_516 : memref<1x1x30x128xf32, #tpu.memory_space<vmem>> -> memref<30x128xf32, #tpu.memory_space<vmem>>
    %dma_wait3A_518 = arith.constant 96 : i32
    %dma_wait3A_519 = tpu.memref_slice %arg6[%dma_wait3A_511, %dma_wait3A_518] : memref<240x128xi32, #tpu.memory_space<vmem>> -> memref<1x30xi32, #tpu.memory_space<vmem>>
    %dma_wait3A_520 = tpu.memref_squeeze %dma_wait3A_519 : memref<1x30xi32, #tpu.memory_space<vmem>> -> memref<30xi32, #tpu.memory_space<vmem>>
    %dma_wait3A_521 = arith.constant 0 : i32
    %dma_wait3A_522 = arith.constant 0 : i32
    %dma_wait3A_523 = tpu.memref_slice %arg2[%dma_wait3A_521, %dma_wait3A_522] : memref<9900x128xf32, #tpu.memory_space<hbm>> -> memref<9900x128xf32, #tpu.memory_space<hbm>>
    tpu.wait_indirect_dma semaphore(%arg8 : memref<!tpu.dma_semaphore, #tpu.memory_space<semaphore_mem>>) src(%dma_wait3A_523 : memref<9900x128xf32, #tpu.memory_space<hbm>>) dst(%dma_wait3A_517 : memref<30x128xf32, #tpu.memory_space<vmem>>)
    %add3A_524 = arith.constant 31 : i32
    %add3A_525 = arith.addi %mul3A_2, %add3A_524 : i32
    %dma_start3A_526 = arith.constant 0 : i32
    %dma_start3A_527 = arith.constant 0 : i32
    %dma_start3A_528 = arith.constant 0 : i32
    %dma_start3A_529 = arith.constant 0 : i32
    %dma_start3A_530 = tpu.memref_slice %arg7[%dma_start3A_526, %dma_start3A_527, %dma_start3A_528, %dma_start3A_529] : memref<3x4x30x128xf32, #tpu.memory_space<vmem>> -> memref<1x4x30x128xf32, #tpu.memory_space<vmem>>
    %dma_start3A_531 = tpu.memref_squeeze %dma_start3A_530 : memref<1x4x30x128xf32, #tpu.memory_space<vmem>> -> memref<4x30x128xf32, #tpu.memory_space<vmem>>
    %dma_start3A_532 = arith.constant 18 : i32
    %dma_start3A_533 = arith.constant 0 : i32
    %dma_start3A_534 = arith.constant 0 : i32
    %dma_start3A_535 = tpu.memref_slice %arg4[%add3A_525, %dma_start3A_532, %dma_start3A_533, %dma_start3A_534] : memref<1024x30x30x128xf32, #tpu.memory_space<hbm>> -> memref<1x4x30x128xf32, #tpu.memory_space<hbm>>
    %dma_start3A_536 = tpu.memref_squeeze %dma_start3A_535 : memref<1x4x30x128xf32, #tpu.memory_space<hbm>> -> memref<4x30x128xf32, #tpu.memory_space<hbm>>
    %dma_start3A_537 = arith.constant 18 : i32
    %dma_start3A_538 = arith.constant 0 : i32
    %dma_start3A_539 = arith.constant 0 : i32
    %dma_start3A_540 = tpu.memref_slice %arg4[%add3A_525, %dma_start3A_537, %dma_start3A_538, %dma_start3A_539] : memref<1024x30x30x128xf32, #tpu.memory_space<hbm>> -> memref<1x4x30x128xf32, #tpu.memory_space<hbm>>
    %dma_start3A_541 = tpu.memref_squeeze %dma_start3A_540 : memref<1x4x30x128xf32, #tpu.memory_space<hbm>> -> memref<4x30x128xf32, #tpu.memory_space<hbm>>
    %dma_start3A_542 = arith.constant 0 : i32
    %dma_start3A_543 = arith.constant 0 : i32
    %dma_start3A_544 = arith.constant 0 : i32
    %dma_start3A_545 = tpu.memref_slice %arg7[%dma_start3A_526, %dma_start3A_542, %dma_start3A_543, %dma_start3A_544] : memref<3x4x30x128xf32, #tpu.memory_space<vmem>> -> memref<1x4x30x128xf32, #tpu.memory_space<vmem>>
    %dma_start3A_546 = tpu.memref_squeeze %dma_start3A_545 : memref<1x4x30x128xf32, #tpu.memory_space<vmem>> -> memref<4x30x128xf32, #tpu.memory_space<vmem>>
    tpu.enqueue_dma source(%dma_start3A_546 : memref<4x30x128xf32, #tpu.memory_space<vmem>>) target(%dma_start3A_541 : memref<4x30x128xf32, #tpu.memory_space<hbm>>) target_semaphore(%arg11 : memref<!tpu.dma_semaphore, #tpu.memory_space<semaphore_mem>>)
    %dma_wait3A_547 = arith.constant 1 : i32
    %dma_wait3A_548 = arith.constant 0 : i32
    %dma_wait3A_549 = arith.constant 0 : i32
    %dma_wait3A_550 = arith.constant 0 : i32
    %dma_wait3A_551 = arith.constant 0 : i32
    %dma_wait3A_552 = tpu.memref_slice %arg7[%dma_wait3A_547, %dma_wait3A_549, %dma_wait3A_550, %dma_wait3A_551] : memref<3x4x30x128xf32, #tpu.memory_space<vmem>> -> memref<1x4x30x128xf32, #tpu.memory_space<vmem>>
    %dma_wait3A_553 = tpu.memref_squeeze %dma_wait3A_552 : memref<1x4x30x128xf32, #tpu.memory_space<vmem>> -> memref<4x30x128xf32, #tpu.memory_space<vmem>>
    %dma_wait3A_554 = arith.constant 0 : i32
    %dma_wait3A_555 = arith.constant 0 : i32
    %dma_wait3A_556 = arith.constant 0 : i32
    %dma_wait3A_557 = tpu.memref_slice %arg4[%dma_wait3A_548, %dma_wait3A_554, %dma_wait3A_555, %dma_wait3A_556] : memref<1024x30x30x128xf32, #tpu.memory_space<hbm>> -> memref<1x4x30x128xf32, #tpu.memory_space<hbm>>
    %dma_wait3A_558 = tpu.memref_squeeze %dma_wait3A_557 : memref<1x4x30x128xf32, #tpu.memory_space<hbm>> -> memref<4x30x128xf32, #tpu.memory_space<hbm>>
    %dma_wait3A_559 = arith.constant 0 : i32
    %dma_wait3A_560 = arith.constant 0 : i32
    %dma_wait3A_561 = arith.constant 0 : i32
    %dma_wait3A_562 = tpu.memref_slice %arg4[%dma_wait3A_548, %dma_wait3A_559, %dma_wait3A_560, %dma_wait3A_561] : memref<1024x30x30x128xf32, #tpu.memory_space<hbm>> -> memref<1x4x30x128xf32, #tpu.memory_space<hbm>>
    %dma_wait3A_563 = tpu.memref_squeeze %dma_wait3A_562 : memref<1x4x30x128xf32, #tpu.memory_space<hbm>> -> memref<4x30x128xf32, #tpu.memory_space<hbm>>
    %dma_wait3A_564 = arith.constant 0 : i32
    %dma_wait3A_565 = arith.constant 0 : i32
    %dma_wait3A_566 = arith.constant 0 : i32
    %dma_wait3A_567 = tpu.memref_slice %arg7[%dma_wait3A_547, %dma_wait3A_564, %dma_wait3A_565, %dma_wait3A_566] : memref<3x4x30x128xf32, #tpu.memory_space<vmem>> -> memref<1x4x30x128xf32, #tpu.memory_space<vmem>>
    %dma_wait3A_568 = tpu.memref_squeeze %dma_wait3A_567 : memref<1x4x30x128xf32, #tpu.memory_space<vmem>> -> memref<4x30x128xf32, #tpu.memory_space<vmem>>
    tpu.wait_dma2 semaphore(%arg12 : memref<!tpu.dma_semaphore, #tpu.memory_space<semaphore_mem>>) src(%dma_wait3A_568 : memref<4x30x128xf32, #tpu.memory_space<vmem>>) dst(%dma_wait3A_563 : memref<4x30x128xf32, #tpu.memory_space<hbm>>)
    %dma_start3A_569 = arith.constant 238 : i32
    %dma_start3A_570 = arith.constant 1 : i32
    %dma_start3A_571 = arith.constant 0 : i32
    %dma_start3A_572 = arith.constant 0 : i32
    %dma_start3A_573 = arith.constant 0 : i32
    %dma_start3A_574 = tpu.memref_slice %arg7[%dma_start3A_570, %dma_start3A_571, %dma_start3A_572, %dma_start3A_573] : memref<3x4x30x128xf32, #tpu.memory_space<vmem>> -> memref<1x1x30x128xf32, #tpu.memory_space<vmem>>
    %dma_start3A_575 = tpu.memref_squeeze %dma_start3A_574 : memref<1x1x30x128xf32, #tpu.memory_space<vmem>> -> memref<30x128xf32, #tpu.memory_space<vmem>>
    %dma_start3A_576 = arith.constant 0 : i32
    %dma_start3A_577 = tpu.memref_slice %arg6[%dma_start3A_569, %dma_start3A_576] : memref<240x128xi32, #tpu.memory_space<vmem>> -> memref<1x30xi32, #tpu.memory_space<vmem>>
    %dma_start3A_578 = tpu.memref_squeeze %dma_start3A_577 : memref<1x30xi32, #tpu.memory_space<vmem>> -> memref<30xi32, #tpu.memory_space<vmem>>
    %dma_start3A_579 = arith.constant 0 : i32
    %dma_start3A_580 = arith.constant 0 : i32
    %dma_start3A_581 = tpu.memref_slice %arg2[%dma_start3A_579, %dma_start3A_580] : memref<9900x128xf32, #tpu.memory_space<hbm>> -> memref<9900x128xf32, #tpu.memory_space<hbm>>
    tpu.enqueue_indirect_dma source(%dma_start3A_581 : memref<9900x128xf32, #tpu.memory_space<hbm>>) target(%dma_start3A_575 : memref<30x128xf32, #tpu.memory_space<vmem>>) offsets(%dma_start3A_578 : memref<30xi32, #tpu.memory_space<vmem>>) semaphore(%arg9 : memref<!tpu.dma_semaphore, #tpu.memory_space<semaphore_mem>>)
    %dma_start3A_582 = arith.constant 238 : i32
    %dma_start3A_583 = arith.constant 1 : i32
    %dma_start3A_584 = arith.constant 1 : i32
    %dma_start3A_585 = arith.constant 0 : i32
    %dma_start3A_586 = arith.constant 0 : i32
    %dma_start3A_587 = tpu.memref_slice %arg7[%dma_start3A_583, %dma_start3A_584, %dma_start3A_585, %dma_start3A_586] : memref<3x4x30x128xf32, #tpu.memory_space<vmem>> -> memref<1x1x30x128xf32, #tpu.memory_space<vmem>>
    %dma_start3A_588 = tpu.memref_squeeze %dma_start3A_587 : memref<1x1x30x128xf32, #tpu.memory_space<vmem>> -> memref<30x128xf32, #tpu.memory_space<vmem>>
    %dma_start3A_589 = arith.constant 32 : i32
    %dma_start3A_590 = tpu.memref_slice %arg6[%dma_start3A_582, %dma_start3A_589] : memref<240x128xi32, #tpu.memory_space<vmem>> -> memref<1x30xi32, #tpu.memory_space<vmem>>
    %dma_start3A_591 = tpu.memref_squeeze %dma_start3A_590 : memref<1x30xi32, #tpu.memory_space<vmem>> -> memref<30xi32, #tpu.memory_space<vmem>>
    %dma_start3A_592 = arith.constant 0 : i32
    %dma_start3A_593 = arith.constant 0 : i32
    %dma_start3A_594 = tpu.memref_slice %arg2[%dma_start3A_592, %dma_start3A_593] : memref<9900x128xf32, #tpu.memory_space<hbm>> -> memref<9900x128xf32, #tpu.memory_space<hbm>>
    tpu.enqueue_indirect_dma source(%dma_start3A_594 : memref<9900x128xf32, #tpu.memory_space<hbm>>) target(%dma_start3A_588 : memref<30x128xf32, #tpu.memory_space<vmem>>) offsets(%dma_start3A_591 : memref<30xi32, #tpu.memory_space<vmem>>) semaphore(%arg9 : memref<!tpu.dma_semaphore, #tpu.memory_space<semaphore_mem>>)
    %dma_start3A_595 = arith.constant 238 : i32
    %dma_start3A_596 = arith.constant 1 : i32
    %dma_start3A_597 = arith.constant 2 : i32
    %dma_start3A_598 = arith.constant 0 : i32
    %dma_start3A_599 = arith.constant 0 : i32
    %dma_start3A_600 = tpu.memref_slice %arg7[%dma_start3A_596, %dma_start3A_597, %dma_start3A_598, %dma_start3A_599] : memref<3x4x30x128xf32, #tpu.memory_space<vmem>> -> memref<1x1x30x128xf32, #tpu.memory_space<vmem>>
    %dma_start3A_601 = tpu.memref_squeeze %dma_start3A_600 : memref<1x1x30x128xf32, #tpu.memory_space<vmem>> -> memref<30x128xf32, #tpu.memory_space<vmem>>
    %dma_start3A_602 = arith.constant 64 : i32
    %dma_start3A_603 = tpu.memref_slice %arg6[%dma_start3A_595, %dma_start3A_602] : memref<240x128xi32, #tpu.memory_space<vmem>> -> memref<1x30xi32, #tpu.memory_space<vmem>>
    %dma_start3A_604 = tpu.memref_squeeze %dma_start3A_603 : memref<1x30xi32, #tpu.memory_space<vmem>> -> memref<30xi32, #tpu.memory_space<vmem>>
    %dma_start3A_605 = arith.constant 0 : i32
    %dma_start3A_606 = arith.constant 0 : i32
    %dma_start3A_607 = tpu.memref_slice %arg2[%dma_start3A_605, %dma_start3A_606] : memref<9900x128xf32, #tpu.memory_space<hbm>> -> memref<9900x128xf32, #tpu.memory_space<hbm>>
    tpu.enqueue_indirect_dma source(%dma_start3A_607 : memref<9900x128xf32, #tpu.memory_space<hbm>>) target(%dma_start3A_601 : memref<30x128xf32, #tpu.memory_space<vmem>>) offsets(%dma_start3A_604 : memref<30xi32, #tpu.memory_space<vmem>>) semaphore(%arg9 : memref<!tpu.dma_semaphore, #tpu.memory_space<semaphore_mem>>)
    %dma_start3A_608 = arith.constant 238 : i32
    %dma_start3A_609 = arith.constant 1 : i32
    %dma_start3A_610 = arith.constant 3 : i32
    %dma_start3A_611 = arith.constant 0 : i32
    %dma_start3A_612 = arith.constant 0 : i32
    %dma_start3A_613 = tpu.memref_slice %arg7[%dma_start3A_609, %dma_start3A_610, %dma_start3A_611, %dma_start3A_612] : memref<3x4x30x128xf32, #tpu.memory_space<vmem>> -> memref<1x1x30x128xf32, #tpu.memory_space<vmem>>
    %dma_start3A_614 = tpu.memref_squeeze %dma_start3A_613 : memref<1x1x30x128xf32, #tpu.memory_space<vmem>> -> memref<30x128xf32, #tpu.memory_space<vmem>>
    %dma_start3A_615 = arith.constant 96 : i32
    %dma_start3A_616 = tpu.memref_slice %arg6[%dma_start3A_608, %dma_start3A_615] : memref<240x128xi32, #tpu.memory_space<vmem>> -> memref<1x30xi32, #tpu.memory_space<vmem>>
    %dma_start3A_617 = tpu.memref_squeeze %dma_start3A_616 : memref<1x30xi32, #tpu.memory_space<vmem>> -> memref<30xi32, #tpu.memory_space<vmem>>
    %dma_start3A_618 = arith.constant 0 : i32
    %dma_start3A_619 = arith.constant 0 : i32
    %dma_start3A_620 = tpu.memref_slice %arg2[%dma_start3A_618, %dma_start3A_619] : memref<9900x128xf32, #tpu.memory_space<hbm>> -> memref<9900x128xf32, #tpu.memory_space<hbm>>
    tpu.enqueue_indirect_dma source(%dma_start3A_620 : memref<9900x128xf32, #tpu.memory_space<hbm>>) target(%dma_start3A_614 : memref<30x128xf32, #tpu.memory_space<vmem>>) offsets(%dma_start3A_617 : memref<30xi32, #tpu.memory_space<vmem>>) semaphore(%arg9 : memref<!tpu.dma_semaphore, #tpu.memory_space<semaphore_mem>>)
    %dma_wait3A_621 = arith.constant 238 : i32
    %dma_wait3A_622 = arith.constant 1 : i32
    %dma_wait3A_623 = arith.constant 0 : i32
    %dma_wait3A_624 = arith.constant 0 : i32
    %dma_wait3A_625 = arith.constant 0 : i32
    %dma_wait3A_626 = tpu.memref_slice %arg7[%dma_wait3A_622, %dma_wait3A_623, %dma_wait3A_624, %dma_wait3A_625] : memref<3x4x30x128xf32, #tpu.memory_space<vmem>> -> memref<1x1x30x128xf32, #tpu.memory_space<vmem>>
    %dma_wait3A_627 = tpu.memref_squeeze %dma_wait3A_626 : memref<1x1x30x128xf32, #tpu.memory_space<vmem>> -> memref<30x128xf32, #tpu.memory_space<vmem>>
    %dma_wait3A_628 = arith.constant 0 : i32
    %dma_wait3A_629 = tpu.memref_slice %arg6[%dma_wait3A_621, %dma_wait3A_628] : memref<240x128xi32, #tpu.memory_space<vmem>> -> memref<1x30xi32, #tpu.memory_space<vmem>>
    %dma_wait3A_630 = tpu.memref_squeeze %dma_wait3A_629 : memref<1x30xi32, #tpu.memory_space<vmem>> -> memref<30xi32, #tpu.memory_space<vmem>>
    %dma_wait3A_631 = arith.constant 0 : i32
    %dma_wait3A_632 = arith.constant 0 : i32
    %dma_wait3A_633 = tpu.memref_slice %arg2[%dma_wait3A_631, %dma_wait3A_632] : memref<9900x128xf32, #tpu.memory_space<hbm>> -> memref<9900x128xf32, #tpu.memory_space<hbm>>
    tpu.wait_indirect_dma semaphore(%arg9 : memref<!tpu.dma_semaphore, #tpu.memory_space<semaphore_mem>>) src(%dma_wait3A_633 : memref<9900x128xf32, #tpu.memory_space<hbm>>) dst(%dma_wait3A_627 : memref<30x128xf32, #tpu.memory_space<vmem>>)
    %dma_wait3A_634 = arith.constant 238 : i32
    %dma_wait3A_635 = arith.constant 1 : i32
    %dma_wait3A_636 = arith.constant 1 : i32
    %dma_wait3A_637 = arith.constant 0 : i32
    %dma_wait3A_638 = arith.constant 0 : i32
    %dma_wait3A_639 = tpu.memref_slice %arg7[%dma_wait3A_635, %dma_wait3A_636, %dma_wait3A_637, %dma_wait3A_638] : memref<3x4x30x128xf32, #tpu.memory_space<vmem>> -> memref<1x1x30x128xf32, #tpu.memory_space<vmem>>
    %dma_wait3A_640 = tpu.memref_squeeze %dma_wait3A_639 : memref<1x1x30x128xf32, #tpu.memory_space<vmem>> -> memref<30x128xf32, #tpu.memory_space<vmem>>
    %dma_wait3A_641 = arith.constant 32 : i32
    %dma_wait3A_642 = tpu.memref_slice %arg6[%dma_wait3A_634, %dma_wait3A_641] : memref<240x128xi32, #tpu.memory_space<vmem>> -> memref<1x30xi32, #tpu.memory_space<vmem>>
    %dma_wait3A_643 = tpu.memref_squeeze %dma_wait3A_642 : memref<1x30xi32, #tpu.memory_space<vmem>> -> memref<30xi32, #tpu.memory_space<vmem>>
    %dma_wait3A_644 = arith.constant 0 : i32
    %dma_wait3A_645 = arith.constant 0 : i32
    %dma_wait3A_646 = tpu.memref_slice %arg2[%dma_wait3A_644, %dma_wait3A_645] : memref<9900x128xf32, #tpu.memory_space<hbm>> -> memref<9900x128xf32, #tpu.memory_space<hbm>>
    tpu.wait_indirect_dma semaphore(%arg9 : memref<!tpu.dma_semaphore, #tpu.memory_space<semaphore_mem>>) src(%dma_wait3A_646 : memref<9900x128xf32, #tpu.memory_space<hbm>>) dst(%dma_wait3A_640 : memref<30x128xf32, #tpu.memory_space<vmem>>)
    %dma_wait3A_647 = arith.constant 238 : i32
    %dma_wait3A_648 = arith.constant 1 : i32
    %dma_wait3A_649 = arith.constant 2 : i32
    %dma_wait3A_650 = arith.constant 0 : i32
    %dma_wait3A_651 = arith.constant 0 : i32
    %dma_wait3A_652 = tpu.memref_slice %arg7[%dma_wait3A_648, %dma_wait3A_649, %dma_wait3A_650, %dma_wait3A_651] : memref<3x4x30x128xf32, #tpu.memory_space<vmem>> -> memref<1x1x30x128xf32, #tpu.memory_space<vmem>>
    %dma_wait3A_653 = tpu.memref_squeeze %dma_wait3A_652 : memref<1x1x30x128xf32, #tpu.memory_space<vmem>> -> memref<30x128xf32, #tpu.memory_space<vmem>>
    %dma_wait3A_654 = arith.constant 64 : i32
    %dma_wait3A_655 = tpu.memref_slice %arg6[%dma_wait3A_647, %dma_wait3A_654] : memref<240x128xi32, #tpu.memory_space<vmem>> -> memref<1x30xi32, #tpu.memory_space<vmem>>
    %dma_wait3A_656 = tpu.memref_squeeze %dma_wait3A_655 : memref<1x30xi32, #tpu.memory_space<vmem>> -> memref<30xi32, #tpu.memory_space<vmem>>
    %dma_wait3A_657 = arith.constant 0 : i32
    %dma_wait3A_658 = arith.constant 0 : i32
    %dma_wait3A_659 = tpu.memref_slice %arg2[%dma_wait3A_657, %dma_wait3A_658] : memref<9900x128xf32, #tpu.memory_space<hbm>> -> memref<9900x128xf32, #tpu.memory_space<hbm>>
    tpu.wait_indirect_dma semaphore(%arg9 : memref<!tpu.dma_semaphore, #tpu.memory_space<semaphore_mem>>) src(%dma_wait3A_659 : memref<9900x128xf32, #tpu.memory_space<hbm>>) dst(%dma_wait3A_653 : memref<30x128xf32, #tpu.memory_space<vmem>>)
    %dma_wait3A_660 = arith.constant 238 : i32
    %dma_wait3A_661 = arith.constant 1 : i32
    %dma_wait3A_662 = arith.constant 3 : i32
    %dma_wait3A_663 = arith.constant 0 : i32
    %dma_wait3A_664 = arith.constant 0 : i32
    %dma_wait3A_665 = tpu.memref_slice %arg7[%dma_wait3A_661, %dma_wait3A_662, %dma_wait3A_663, %dma_wait3A_664] : memref<3x4x30x128xf32, #tpu.memory_space<vmem>> -> memref<1x1x30x128xf32, #tpu.memory_space<vmem>>
    %dma_wait3A_666 = tpu.memref_squeeze %dma_wait3A_665 : memref<1x1x30x128xf32, #tpu.memory_space<vmem>> -> memref<30x128xf32, #tpu.memory_space<vmem>>
    %dma_wait3A_667 = arith.constant 96 : i32
    %dma_wait3A_668 = tpu.memref_slice %arg6[%dma_wait3A_660, %dma_wait3A_667] : memref<240x128xi32, #tpu.memory_space<vmem>> -> memref<1x30xi32, #tpu.memory_space<vmem>>
    %dma_wait3A_669 = tpu.memref_squeeze %dma_wait3A_668 : memref<1x30xi32, #tpu.memory_space<vmem>> -> memref<30xi32, #tpu.memory_space<vmem>>
    %dma_wait3A_670 = arith.constant 0 : i32
    %dma_wait3A_671 = arith.constant 0 : i32
    %dma_wait3A_672 = tpu.memref_slice %arg2[%dma_wait3A_670, %dma_wait3A_671] : memref<9900x128xf32, #tpu.memory_space<hbm>> -> memref<9900x128xf32, #tpu.memory_space<hbm>>
    tpu.wait_indirect_dma semaphore(%arg9 : memref<!tpu.dma_semaphore, #tpu.memory_space<semaphore_mem>>) src(%dma_wait3A_672 : memref<9900x128xf32, #tpu.memory_space<hbm>>) dst(%dma_wait3A_666 : memref<30x128xf32, #tpu.memory_space<vmem>>)
    %add3A_673 = arith.constant 31 : i32
    %add3A_674 = arith.addi %mul3A_2, %add3A_673 : i32
    %dma_start3A_675 = arith.constant 1 : i32
    %dma_start3A_676 = arith.constant 0 : i32
    %dma_start3A_677 = arith.constant 0 : i32
    %dma_start3A_678 = arith.constant 0 : i32
    %dma_start3A_679 = tpu.memref_slice %arg7[%dma_start3A_675, %dma_start3A_676, %dma_start3A_677, %dma_start3A_678] : memref<3x4x30x128xf32, #tpu.memory_space<vmem>> -> memref<1x4x30x128xf32, #tpu.memory_space<vmem>>
    %dma_start3A_680 = tpu.memref_squeeze %dma_start3A_679 : memref<1x4x30x128xf32, #tpu.memory_space<vmem>> -> memref<4x30x128xf32, #tpu.memory_space<vmem>>
    %dma_start3A_681 = arith.constant 22 : i32
    %dma_start3A_682 = arith.constant 0 : i32
    %dma_start3A_683 = arith.constant 0 : i32
    %dma_start3A_684 = tpu.memref_slice %arg4[%add3A_674, %dma_start3A_681, %dma_start3A_682, %dma_start3A_683] : memref<1024x30x30x128xf32, #tpu.memory_space<hbm>> -> memref<1x4x30x128xf32, #tpu.memory_space<hbm>>
    %dma_start3A_685 = tpu.memref_squeeze %dma_start3A_684 : memref<1x4x30x128xf32, #tpu.memory_space<hbm>> -> memref<4x30x128xf32, #tpu.memory_space<hbm>>
    %dma_start3A_686 = arith.constant 22 : i32
    %dma_start3A_687 = arith.constant 0 : i32
    %dma_start3A_688 = arith.constant 0 : i32
    %dma_start3A_689 = tpu.memref_slice %arg4[%add3A_674, %dma_start3A_686, %dma_start3A_687, %dma_start3A_688] : memref<1024x30x30x128xf32, #tpu.memory_space<hbm>> -> memref<1x4x30x128xf32, #tpu.memory_space<hbm>>
    %dma_start3A_690 = tpu.memref_squeeze %dma_start3A_689 : memref<1x4x30x128xf32, #tpu.memory_space<hbm>> -> memref<4x30x128xf32, #tpu.memory_space<hbm>>
    %dma_start3A_691 = arith.constant 0 : i32
    %dma_start3A_692 = arith.constant 0 : i32
    %dma_start3A_693 = arith.constant 0 : i32
    %dma_start3A_694 = tpu.memref_slice %arg7[%dma_start3A_675, %dma_start3A_691, %dma_start3A_692, %dma_start3A_693] : memref<3x4x30x128xf32, #tpu.memory_space<vmem>> -> memref<1x4x30x128xf32, #tpu.memory_space<vmem>>
    %dma_start3A_695 = tpu.memref_squeeze %dma_start3A_694 : memref<1x4x30x128xf32, #tpu.memory_space<vmem>> -> memref<4x30x128xf32, #tpu.memory_space<vmem>>
    tpu.enqueue_dma source(%dma_start3A_695 : memref<4x30x128xf32, #tpu.memory_space<vmem>>) target(%dma_start3A_690 : memref<4x30x128xf32, #tpu.memory_space<hbm>>) target_semaphore(%arg12 : memref<!tpu.dma_semaphore, #tpu.memory_space<semaphore_mem>>)
    %dma_wait3A_696 = arith.constant 2 : i32
    %dma_wait3A_697 = arith.constant 0 : i32
    %dma_wait3A_698 = arith.constant 0 : i32
    %dma_wait3A_699 = arith.constant 0 : i32
    %dma_wait3A_700 = arith.constant 0 : i32
    %dma_wait3A_701 = tpu.memref_slice %arg7[%dma_wait3A_696, %dma_wait3A_698, %dma_wait3A_699, %dma_wait3A_700] : memref<3x4x30x128xf32, #tpu.memory_space<vmem>> -> memref<1x4x30x128xf32, #tpu.memory_space<vmem>>
    %dma_wait3A_702 = tpu.memref_squeeze %dma_wait3A_701 : memref<1x4x30x128xf32, #tpu.memory_space<vmem>> -> memref<4x30x128xf32, #tpu.memory_space<vmem>>
    %dma_wait3A_703 = arith.constant 0 : i32
    %dma_wait3A_704 = arith.constant 0 : i32
    %dma_wait3A_705 = arith.constant 0 : i32
    %dma_wait3A_706 = tpu.memref_slice %arg4[%dma_wait3A_697, %dma_wait3A_703, %dma_wait3A_704, %dma_wait3A_705] : memref<1024x30x30x128xf32, #tpu.memory_space<hbm>> -> memref<1x4x30x128xf32, #tpu.memory_space<hbm>>
    %dma_wait3A_707 = tpu.memref_squeeze %dma_wait3A_706 : memref<1x4x30x128xf32, #tpu.memory_space<hbm>> -> memref<4x30x128xf32, #tpu.memory_space<hbm>>
    %dma_wait3A_708 = arith.constant 0 : i32
    %dma_wait3A_709 = arith.constant 0 : i32
    %dma_wait3A_710 = arith.constant 0 : i32
    %dma_wait3A_711 = tpu.memref_slice %arg4[%dma_wait3A_697, %dma_wait3A_708, %dma_wait3A_709, %dma_wait3A_710] : memref<1024x30x30x128xf32, #tpu.memory_space<hbm>> -> memref<1x4x30x128xf32, #tpu.memory_space<hbm>>
    %dma_wait3A_712 = tpu.memref_squeeze %dma_wait3A_711 : memref<1x4x30x128xf32, #tpu.memory_space<hbm>> -> memref<4x30x128xf32, #tpu.memory_space<hbm>>
    %dma_wait3A_713 = arith.constant 0 : i32
    %dma_wait3A_714 = arith.constant 0 : i32
    %dma_wait3A_715 = arith.constant 0 : i32
    %dma_wait3A_716 = tpu.memref_slice %arg7[%dma_wait3A_696, %dma_wait3A_713, %dma_wait3A_714, %dma_wait3A_715] : memref<3x4x30x128xf32, #tpu.memory_space<vmem>> -> memref<1x4x30x128xf32, #tpu.memory_space<vmem>>
    %dma_wait3A_717 = tpu.memref_squeeze %dma_wait3A_716 : memref<1x4x30x128xf32, #tpu.memory_space<vmem>> -> memref<4x30x128xf32, #tpu.memory_space<vmem>>
    tpu.wait_dma2 semaphore(%arg13 : memref<!tpu.dma_semaphore, #tpu.memory_space<semaphore_mem>>) src(%dma_wait3A_717 : memref<4x30x128xf32, #tpu.memory_space<vmem>>) dst(%dma_wait3A_712 : memref<4x30x128xf32, #tpu.memory_space<hbm>>)
    %dma_start3A_718 = arith.constant 239 : i32
    %dma_start3A_719 = arith.constant 2 : i32
    %dma_start3A_720 = arith.constant 0 : i32
    %dma_start3A_721 = arith.constant 0 : i32
    %dma_start3A_722 = arith.constant 0 : i32
    %dma_start3A_723 = tpu.memref_slice %arg7[%dma_start3A_719, %dma_start3A_720, %dma_start3A_721, %dma_start3A_722] : memref<3x4x30x128xf32, #tpu.memory_space<vmem>> -> memref<1x1x30x128xf32, #tpu.memory_space<vmem>>
    %dma_start3A_724 = tpu.memref_squeeze %dma_start3A_723 : memref<1x1x30x128xf32, #tpu.memory_space<vmem>> -> memref<30x128xf32, #tpu.memory_space<vmem>>
    %dma_start3A_725 = arith.constant 0 : i32
    %dma_start3A_726 = tpu.memref_slice %arg6[%dma_start3A_718, %dma_start3A_725] : memref<240x128xi32, #tpu.memory_space<vmem>> -> memref<1x30xi32, #tpu.memory_space<vmem>>
    %dma_start3A_727 = tpu.memref_squeeze %dma_start3A_726 : memref<1x30xi32, #tpu.memory_space<vmem>> -> memref<30xi32, #tpu.memory_space<vmem>>
    %dma_start3A_728 = arith.constant 0 : i32
    %dma_start3A_729 = arith.constant 0 : i32
    %dma_start3A_730 = tpu.memref_slice %arg2[%dma_start3A_728, %dma_start3A_729] : memref<9900x128xf32, #tpu.memory_space<hbm>> -> memref<9900x128xf32, #tpu.memory_space<hbm>>
    tpu.enqueue_indirect_dma source(%dma_start3A_730 : memref<9900x128xf32, #tpu.memory_space<hbm>>) target(%dma_start3A_724 : memref<30x128xf32, #tpu.memory_space<vmem>>) offsets(%dma_start3A_727 : memref<30xi32, #tpu.memory_space<vmem>>) semaphore(%arg10 : memref<!tpu.dma_semaphore, #tpu.memory_space<semaphore_mem>>)
    %dma_start3A_731 = arith.constant 239 : i32
    %dma_start3A_732 = arith.constant 2 : i32
    %dma_start3A_733 = arith.constant 1 : i32
    %dma_start3A_734 = arith.constant 0 : i32
    %dma_start3A_735 = arith.constant 0 : i32
    %dma_start3A_736 = tpu.memref_slice %arg7[%dma_start3A_732, %dma_start3A_733, %dma_start3A_734, %dma_start3A_735] : memref<3x4x30x128xf32, #tpu.memory_space<vmem>> -> memref<1x1x30x128xf32, #tpu.memory_space<vmem>>
    %dma_start3A_737 = tpu.memref_squeeze %dma_start3A_736 : memref<1x1x30x128xf32, #tpu.memory_space<vmem>> -> memref<30x128xf32, #tpu.memory_space<vmem>>
    %dma_start3A_738 = arith.constant 32 : i32
    %dma_start3A_739 = tpu.memref_slice %arg6[%dma_start3A_731, %dma_start3A_738] : memref<240x128xi32, #tpu.memory_space<vmem>> -> memref<1x30xi32, #tpu.memory_space<vmem>>
    %dma_start3A_740 = tpu.memref_squeeze %dma_start3A_739 : memref<1x30xi32, #tpu.memory_space<vmem>> -> memref<30xi32, #tpu.memory_space<vmem>>
    %dma_start3A_741 = arith.constant 0 : i32
    %dma_start3A_742 = arith.constant 0 : i32
    %dma_start3A_743 = tpu.memref_slice %arg2[%dma_start3A_741, %dma_start3A_742] : memref<9900x128xf32, #tpu.memory_space<hbm>> -> memref<9900x128xf32, #tpu.memory_space<hbm>>
    tpu.enqueue_indirect_dma source(%dma_start3A_743 : memref<9900x128xf32, #tpu.memory_space<hbm>>) target(%dma_start3A_737 : memref<30x128xf32, #tpu.memory_space<vmem>>) offsets(%dma_start3A_740 : memref<30xi32, #tpu.memory_space<vmem>>) semaphore(%arg10 : memref<!tpu.dma_semaphore, #tpu.memory_space<semaphore_mem>>)
    %dma_start3A_744 = arith.constant 239 : i32
    %dma_start3A_745 = arith.constant 2 : i32
    %dma_start3A_746 = arith.constant 2 : i32
    %dma_start3A_747 = arith.constant 0 : i32
    %dma_start3A_748 = arith.constant 0 : i32
    %dma_start3A_749 = tpu.memref_slice %arg7[%dma_start3A_745, %dma_start3A_746, %dma_start3A_747, %dma_start3A_748] : memref<3x4x30x128xf32, #tpu.memory_space<vmem>> -> memref<1x1x30x128xf32, #tpu.memory_space<vmem>>
    %dma_start3A_750 = tpu.memref_squeeze %dma_start3A_749 : memref<1x1x30x128xf32, #tpu.memory_space<vmem>> -> memref<30x128xf32, #tpu.memory_space<vmem>>
    %dma_start3A_751 = arith.constant 64 : i32
    %dma_start3A_752 = tpu.memref_slice %arg6[%dma_start3A_744, %dma_start3A_751] : memref<240x128xi32, #tpu.memory_space<vmem>> -> memref<1x30xi32, #tpu.memory_space<vmem>>
    %dma_start3A_753 = tpu.memref_squeeze %dma_start3A_752 : memref<1x30xi32, #tpu.memory_space<vmem>> -> memref<30xi32, #tpu.memory_space<vmem>>
    %dma_start3A_754 = arith.constant 0 : i32
    %dma_start3A_755 = arith.constant 0 : i32
    %dma_start3A_756 = tpu.memref_slice %arg2[%dma_start3A_754, %dma_start3A_755] : memref<9900x128xf32, #tpu.memory_space<hbm>> -> memref<9900x128xf32, #tpu.memory_space<hbm>>
    tpu.enqueue_indirect_dma source(%dma_start3A_756 : memref<9900x128xf32, #tpu.memory_space<hbm>>) target(%dma_start3A_750 : memref<30x128xf32, #tpu.memory_space<vmem>>) offsets(%dma_start3A_753 : memref<30xi32, #tpu.memory_space<vmem>>) semaphore(%arg10 : memref<!tpu.dma_semaphore, #tpu.memory_space<semaphore_mem>>)
    %dma_start3A_757 = arith.constant 239 : i32
    %dma_start3A_758 = arith.constant 2 : i32
    %dma_start3A_759 = arith.constant 3 : i32
    %dma_start3A_760 = arith.constant 0 : i32
    %dma_start3A_761 = arith.constant 0 : i32
    %dma_start3A_762 = tpu.memref_slice %arg7[%dma_start3A_758, %dma_start3A_759, %dma_start3A_760, %dma_start3A_761] : memref<3x4x30x128xf32, #tpu.memory_space<vmem>> -> memref<1x1x30x128xf32, #tpu.memory_space<vmem>>
    %dma_start3A_763 = tpu.memref_squeeze %dma_start3A_762 : memref<1x1x30x128xf32, #tpu.memory_space<vmem>> -> memref<30x128xf32, #tpu.memory_space<vmem>>
    %dma_start3A_764 = arith.constant 96 : i32
    %dma_start3A_765 = tpu.memref_slice %arg6[%dma_start3A_757, %dma_start3A_764] : memref<240x128xi32, #tpu.memory_space<vmem>> -> memref<1x30xi32, #tpu.memory_space<vmem>>
    %dma_start3A_766 = tpu.memref_squeeze %dma_start3A_765 : memref<1x30xi32, #tpu.memory_space<vmem>> -> memref<30xi32, #tpu.memory_space<vmem>>
    %dma_start3A_767 = arith.constant 0 : i32
    %dma_start3A_768 = arith.constant 0 : i32
    %dma_start3A_769 = tpu.memref_slice %arg2[%dma_start3A_767, %dma_start3A_768] : memref<9900x128xf32, #tpu.memory_space<hbm>> -> memref<9900x128xf32, #tpu.memory_space<hbm>>
    tpu.enqueue_indirect_dma source(%dma_start3A_769 : memref<9900x128xf32, #tpu.memory_space<hbm>>) target(%dma_start3A_763 : memref<30x128xf32, #tpu.memory_space<vmem>>) offsets(%dma_start3A_766 : memref<30xi32, #tpu.memory_space<vmem>>) semaphore(%arg10 : memref<!tpu.dma_semaphore, #tpu.memory_space<semaphore_mem>>)
    %dma_wait3A_770 = arith.constant 239 : i32
    %dma_wait3A_771 = arith.constant 2 : i32
    %dma_wait3A_772 = arith.constant 0 : i32
    %dma_wait3A_773 = arith.constant 0 : i32
    %dma_wait3A_774 = arith.constant 0 : i32
    %dma_wait3A_775 = tpu.memref_slice %arg7[%dma_wait3A_771, %dma_wait3A_772, %dma_wait3A_773, %dma_wait3A_774] : memref<3x4x30x128xf32, #tpu.memory_space<vmem>> -> memref<1x1x30x128xf32, #tpu.memory_space<vmem>>
    %dma_wait3A_776 = tpu.memref_squeeze %dma_wait3A_775 : memref<1x1x30x128xf32, #tpu.memory_space<vmem>> -> memref<30x128xf32, #tpu.memory_space<vmem>>
    %dma_wait3A_777 = arith.constant 0 : i32
    %dma_wait3A_778 = tpu.memref_slice %arg6[%dma_wait3A_770, %dma_wait3A_777] : memref<240x128xi32, #tpu.memory_space<vmem>> -> memref<1x30xi32, #tpu.memory_space<vmem>>
    %dma_wait3A_779 = tpu.memref_squeeze %dma_wait3A_778 : memref<1x30xi32, #tpu.memory_space<vmem>> -> memref<30xi32, #tpu.memory_space<vmem>>
    %dma_wait3A_780 = arith.constant 0 : i32
    %dma_wait3A_781 = arith.constant 0 : i32
    %dma_wait3A_782 = tpu.memref_slice %arg2[%dma_wait3A_780, %dma_wait3A_781] : memref<9900x128xf32, #tpu.memory_space<hbm>> -> memref<9900x128xf32, #tpu.memory_space<hbm>>
    tpu.wait_indirect_dma semaphore(%arg10 : memref<!tpu.dma_semaphore, #tpu.memory_space<semaphore_mem>>) src(%dma_wait3A_782 : memref<9900x128xf32, #tpu.memory_space<hbm>>) dst(%dma_wait3A_776 : memref<30x128xf32, #tpu.memory_space<vmem>>)
    %dma_wait3A_783 = arith.constant 239 : i32
    %dma_wait3A_784 = arith.constant 2 : i32
    %dma_wait3A_785 = arith.constant 1 : i32
    %dma_wait3A_786 = arith.constant 0 : i32
    %dma_wait3A_787 = arith.constant 0 : i32
    %dma_wait3A_788 = tpu.memref_slice %arg7[%dma_wait3A_784, %dma_wait3A_785, %dma_wait3A_786, %dma_wait3A_787] : memref<3x4x30x128xf32, #tpu.memory_space<vmem>> -> memref<1x1x30x128xf32, #tpu.memory_space<vmem>>
    %dma_wait3A_789 = tpu.memref_squeeze %dma_wait3A_788 : memref<1x1x30x128xf32, #tpu.memory_space<vmem>> -> memref<30x128xf32, #tpu.memory_space<vmem>>
    %dma_wait3A_790 = arith.constant 32 : i32
    %dma_wait3A_791 = tpu.memref_slice %arg6[%dma_wait3A_783, %dma_wait3A_790] : memref<240x128xi32, #tpu.memory_space<vmem>> -> memref<1x30xi32, #tpu.memory_space<vmem>>
    %dma_wait3A_792 = tpu.memref_squeeze %dma_wait3A_791 : memref<1x30xi32, #tpu.memory_space<vmem>> -> memref<30xi32, #tpu.memory_space<vmem>>
    %dma_wait3A_793 = arith.constant 0 : i32
    %dma_wait3A_794 = arith.constant 0 : i32
    %dma_wait3A_795 = tpu.memref_slice %arg2[%dma_wait3A_793, %dma_wait3A_794] : memref<9900x128xf32, #tpu.memory_space<hbm>> -> memref<9900x128xf32, #tpu.memory_space<hbm>>
    tpu.wait_indirect_dma semaphore(%arg10 : memref<!tpu.dma_semaphore, #tpu.memory_space<semaphore_mem>>) src(%dma_wait3A_795 : memref<9900x128xf32, #tpu.memory_space<hbm>>) dst(%dma_wait3A_789 : memref<30x128xf32, #tpu.memory_space<vmem>>)
    %dma_wait3A_796 = arith.constant 239 : i32
    %dma_wait3A_797 = arith.constant 2 : i32
    %dma_wait3A_798 = arith.constant 2 : i32
    %dma_wait3A_799 = arith.constant 0 : i32
    %dma_wait3A_800 = arith.constant 0 : i32
    %dma_wait3A_801 = tpu.memref_slice %arg7[%dma_wait3A_797, %dma_wait3A_798, %dma_wait3A_799, %dma_wait3A_800] : memref<3x4x30x128xf32, #tpu.memory_space<vmem>> -> memref<1x1x30x128xf32, #tpu.memory_space<vmem>>
    %dma_wait3A_802 = tpu.memref_squeeze %dma_wait3A_801 : memref<1x1x30x128xf32, #tpu.memory_space<vmem>> -> memref<30x128xf32, #tpu.memory_space<vmem>>
    %dma_wait3A_803 = arith.constant 64 : i32
    %dma_wait3A_804 = tpu.memref_slice %arg6[%dma_wait3A_796, %dma_wait3A_803] : memref<240x128xi32, #tpu.memory_space<vmem>> -> memref<1x30xi32, #tpu.memory_space<vmem>>
    %dma_wait3A_805 = tpu.memref_squeeze %dma_wait3A_804 : memref<1x30xi32, #tpu.memory_space<vmem>> -> memref<30xi32, #tpu.memory_space<vmem>>
    %dma_wait3A_806 = arith.constant 0 : i32
    %dma_wait3A_807 = arith.constant 0 : i32
    %dma_wait3A_808 = tpu.memref_slice %arg2[%dma_wait3A_806, %dma_wait3A_807] : memref<9900x128xf32, #tpu.memory_space<hbm>> -> memref<9900x128xf32, #tpu.memory_space<hbm>>
    tpu.wait_indirect_dma semaphore(%arg10 : memref<!tpu.dma_semaphore, #tpu.memory_space<semaphore_mem>>) src(%dma_wait3A_808 : memref<9900x128xf32, #tpu.memory_space<hbm>>) dst(%dma_wait3A_802 : memref<30x128xf32, #tpu.memory_space<vmem>>)
    %dma_wait3A_809 = arith.constant 239 : i32
    %dma_wait3A_810 = arith.constant 2 : i32
    %dma_wait3A_811 = arith.constant 3 : i32
    %dma_wait3A_812 = arith.constant 0 : i32
    %dma_wait3A_813 = arith.constant 0 : i32
    %dma_wait3A_814 = tpu.memref_slice %arg7[%dma_wait3A_810, %dma_wait3A_811, %dma_wait3A_812, %dma_wait3A_813] : memref<3x4x30x128xf32, #tpu.memory_space<vmem>> -> memref<1x1x30x128xf32, #tpu.memory_space<vmem>>
    %dma_wait3A_815 = tpu.memref_squeeze %dma_wait3A_814 : memref<1x1x30x128xf32, #tpu.memory_space<vmem>> -> memref<30x128xf32, #tpu.memory_space<vmem>>
    %dma_wait3A_816 = arith.constant 96 : i32
    %dma_wait3A_817 = tpu.memref_slice %arg6[%dma_wait3A_809, %dma_wait3A_816] : memref<240x128xi32, #tpu.memory_space<vmem>> -> memref<1x30xi32, #tpu.memory_space<vmem>>
    %dma_wait3A_818 = tpu.memref_squeeze %dma_wait3A_817 : memref<1x30xi32, #tpu.memory_space<vmem>> -> memref<30xi32, #tpu.memory_space<vmem>>
    %dma_wait3A_819 = arith.constant 0 : i32
    %dma_wait3A_820 = arith.constant 0 : i32
    %dma_wait3A_821 = tpu.memref_slice %arg2[%dma_wait3A_819, %dma_wait3A_820] : memref<9900x128xf32, #tpu.memory_space<hbm>> -> memref<9900x128xf32, #tpu.memory_space<hbm>>
    tpu.wait_indirect_dma semaphore(%arg10 : memref<!tpu.dma_semaphore, #tpu.memory_space<semaphore_mem>>) src(%dma_wait3A_821 : memref<9900x128xf32, #tpu.memory_space<hbm>>) dst(%dma_wait3A_815 : memref<30x128xf32, #tpu.memory_space<vmem>>)
    %add3A_822 = arith.constant 31 : i32
    %add3A_823 = arith.addi %mul3A_2, %add3A_822 : i32
    %dma_start3A_824 = arith.constant 2 : i32
    %dma_start3A_825 = arith.constant 0 : i32
    %dma_start3A_826 = arith.constant 0 : i32
    %dma_start3A_827 = arith.constant 0 : i32
    %dma_start3A_828 = tpu.memref_slice %arg7[%dma_start3A_824, %dma_start3A_825, %dma_start3A_826, %dma_start3A_827] : memref<3x4x30x128xf32, #tpu.memory_space<vmem>> -> memref<1x4x30x128xf32, #tpu.memory_space<vmem>>
    %dma_start3A_829 = tpu.memref_squeeze %dma_start3A_828 : memref<1x4x30x128xf32, #tpu.memory_space<vmem>> -> memref<4x30x128xf32, #tpu.memory_space<vmem>>
    %dma_start3A_830 = arith.constant 26 : i32
    %dma_start3A_831 = arith.constant 0 : i32
    %dma_start3A_832 = arith.constant 0 : i32
    %dma_start3A_833 = tpu.memref_slice %arg4[%add3A_823, %dma_start3A_830, %dma_start3A_831, %dma_start3A_832] : memref<1024x30x30x128xf32, #tpu.memory_space<hbm>> -> memref<1x4x30x128xf32, #tpu.memory_space<hbm>>
    %dma_start3A_834 = tpu.memref_squeeze %dma_start3A_833 : memref<1x4x30x128xf32, #tpu.memory_space<hbm>> -> memref<4x30x128xf32, #tpu.memory_space<hbm>>
    %dma_start3A_835 = arith.constant 26 : i32
    %dma_start3A_836 = arith.constant 0 : i32
    %dma_start3A_837 = arith.constant 0 : i32
    %dma_start3A_838 = tpu.memref_slice %arg4[%add3A_823, %dma_start3A_835, %dma_start3A_836, %dma_start3A_837] : memref<1024x30x30x128xf32, #tpu.memory_space<hbm>> -> memref<1x4x30x128xf32, #tpu.memory_space<hbm>>
    %dma_start3A_839 = tpu.memref_squeeze %dma_start3A_838 : memref<1x4x30x128xf32, #tpu.memory_space<hbm>> -> memref<4x30x128xf32, #tpu.memory_space<hbm>>
    %dma_start3A_840 = arith.constant 0 : i32
    %dma_start3A_841 = arith.constant 0 : i32
    %dma_start3A_842 = arith.constant 0 : i32
    %dma_start3A_843 = tpu.memref_slice %arg7[%dma_start3A_824, %dma_start3A_840, %dma_start3A_841, %dma_start3A_842] : memref<3x4x30x128xf32, #tpu.memory_space<vmem>> -> memref<1x4x30x128xf32, #tpu.memory_space<vmem>>
    %dma_start3A_844 = tpu.memref_squeeze %dma_start3A_843 : memref<1x4x30x128xf32, #tpu.memory_space<vmem>> -> memref<4x30x128xf32, #tpu.memory_space<vmem>>
    tpu.enqueue_dma source(%dma_start3A_844 : memref<4x30x128xf32, #tpu.memory_space<vmem>>) target(%dma_start3A_839 : memref<4x30x128xf32, #tpu.memory_space<hbm>>) target_semaphore(%arg13 : memref<!tpu.dma_semaphore, #tpu.memory_space<semaphore_mem>>)
    %dma_wait3A_845 = arith.constant 0 : i32
    %dma_wait3A_846 = arith.constant 0 : i32
    %dma_wait3A_847 = arith.constant 0 : i32
    %dma_wait3A_848 = arith.constant 0 : i32
    %dma_wait3A_849 = arith.constant 0 : i32
    %dma_wait3A_850 = tpu.memref_slice %arg7[%dma_wait3A_845, %dma_wait3A_847, %dma_wait3A_848, %dma_wait3A_849] : memref<3x4x30x128xf32, #tpu.memory_space<vmem>> -> memref<1x4x30x128xf32, #tpu.memory_space<vmem>>
    %dma_wait3A_851 = tpu.memref_squeeze %dma_wait3A_850 : memref<1x4x30x128xf32, #tpu.memory_space<vmem>> -> memref<4x30x128xf32, #tpu.memory_space<vmem>>
    %dma_wait3A_852 = arith.constant 0 : i32
    %dma_wait3A_853 = arith.constant 0 : i32
    %dma_wait3A_854 = arith.constant 0 : i32
    %dma_wait3A_855 = tpu.memref_slice %arg4[%dma_wait3A_846, %dma_wait3A_852, %dma_wait3A_853, %dma_wait3A_854] : memref<1024x30x30x128xf32, #tpu.memory_space<hbm>> -> memref<1x4x30x128xf32, #tpu.memory_space<hbm>>
    %dma_wait3A_856 = tpu.memref_squeeze %dma_wait3A_855 : memref<1x4x30x128xf32, #tpu.memory_space<hbm>> -> memref<4x30x128xf32, #tpu.memory_space<hbm>>
    %dma_wait3A_857 = arith.constant 0 : i32
    %dma_wait3A_858 = arith.constant 0 : i32
    %dma_wait3A_859 = arith.constant 0 : i32
    %dma_wait3A_860 = tpu.memref_slice %arg4[%dma_wait3A_846, %dma_wait3A_857, %dma_wait3A_858, %dma_wait3A_859] : memref<1024x30x30x128xf32, #tpu.memory_space<hbm>> -> memref<1x4x30x128xf32, #tpu.memory_space<hbm>>
    %dma_wait3A_861 = tpu.memref_squeeze %dma_wait3A_860 : memref<1x4x30x128xf32, #tpu.memory_space<hbm>> -> memref<4x30x128xf32, #tpu.memory_space<hbm>>
    %dma_wait3A_862 = arith.constant 0 : i32
    %dma_wait3A_863 = arith.constant 0 : i32
    %dma_wait3A_864 = arith.constant 0 : i32
    %dma_wait3A_865 = tpu.memref_slice %arg7[%dma_wait3A_845, %dma_wait3A_862, %dma_wait3A_863, %dma_wait3A_864] : memref<3x4x30x128xf32, #tpu.memory_space<vmem>> -> memref<1x4x30x128xf32, #tpu.memory_space<vmem>>
    %dma_wait3A_866 = tpu.memref_squeeze %dma_wait3A_865 : memref<1x4x30x128xf32, #tpu.memory_space<vmem>> -> memref<4x30x128xf32, #tpu.memory_space<vmem>>
    tpu.wait_dma2 semaphore(%arg11 : memref<!tpu.dma_semaphore, #tpu.memory_space<semaphore_mem>>) src(%dma_wait3A_866 : memref<4x30x128xf32, #tpu.memory_space<vmem>>) dst(%dma_wait3A_861 : memref<4x30x128xf32, #tpu.memory_space<hbm>>)
    %dma_wait3A_867 = arith.constant 1 : i32
    %dma_wait3A_868 = arith.constant 0 : i32
    %dma_wait3A_869 = arith.constant 0 : i32
    %dma_wait3A_870 = arith.constant 0 : i32
    %dma_wait3A_871 = arith.constant 0 : i32
    %dma_wait3A_872 = tpu.memref_slice %arg7[%dma_wait3A_867, %dma_wait3A_869, %dma_wait3A_870, %dma_wait3A_871] : memref<3x4x30x128xf32, #tpu.memory_space<vmem>> -> memref<1x4x30x128xf32, #tpu.memory_space<vmem>>
    %dma_wait3A_873 = tpu.memref_squeeze %dma_wait3A_872 : memref<1x4x30x128xf32, #tpu.memory_space<vmem>> -> memref<4x30x128xf32, #tpu.memory_space<vmem>>
    %dma_wait3A_874 = arith.constant 0 : i32
    %dma_wait3A_875 = arith.constant 0 : i32
    %dma_wait3A_876 = arith.constant 0 : i32
    %dma_wait3A_877 = tpu.memref_slice %arg4[%dma_wait3A_868, %dma_wait3A_874, %dma_wait3A_875, %dma_wait3A_876] : memref<1024x30x30x128xf32, #tpu.memory_space<hbm>> -> memref<1x4x30x128xf32, #tpu.memory_space<hbm>>
    %dma_wait3A_878 = tpu.memref_squeeze %dma_wait3A_877 : memref<1x4x30x128xf32, #tpu.memory_space<hbm>> -> memref<4x30x128xf32, #tpu.memory_space<hbm>>
    %dma_wait3A_879 = arith.constant 0 : i32
    %dma_wait3A_880 = arith.constant 0 : i32
    %dma_wait3A_881 = arith.constant 0 : i32
    %dma_wait3A_882 = tpu.memref_slice %arg4[%dma_wait3A_868, %dma_wait3A_879, %dma_wait3A_880, %dma_wait3A_881] : memref<1024x30x30x128xf32, #tpu.memory_space<hbm>> -> memref<1x4x30x128xf32, #tpu.memory_space<hbm>>
    %dma_wait3A_883 = tpu.memref_squeeze %dma_wait3A_882 : memref<1x4x30x128xf32, #tpu.memory_space<hbm>> -> memref<4x30x128xf32, #tpu.memory_space<hbm>>
    %dma_wait3A_884 = arith.constant 0 : i32
    %dma_wait3A_885 = arith.constant 0 : i32
    %dma_wait3A_886 = arith.constant 0 : i32
    %dma_wait3A_887 = tpu.memref_slice %arg7[%dma_wait3A_867, %dma_wait3A_884, %dma_wait3A_885, %dma_wait3A_886] : memref<3x4x30x128xf32, #tpu.memory_space<vmem>> -> memref<1x4x30x128xf32, #tpu.memory_space<vmem>>
    %dma_wait3A_888 = tpu.memref_squeeze %dma_wait3A_887 : memref<1x4x30x128xf32, #tpu.memory_space<vmem>> -> memref<4x30x128xf32, #tpu.memory_space<vmem>>
    tpu.wait_dma2 semaphore(%arg12 : memref<!tpu.dma_semaphore, #tpu.memory_space<semaphore_mem>>) src(%dma_wait3A_888 : memref<4x30x128xf32, #tpu.memory_space<vmem>>) dst(%dma_wait3A_883 : memref<4x30x128xf32, #tpu.memory_space<hbm>>)
    %dma_wait3A_889 = arith.constant 2 : i32
    %dma_wait3A_890 = arith.constant 0 : i32
    %dma_wait3A_891 = arith.constant 0 : i32
    %dma_wait3A_892 = arith.constant 0 : i32
    %dma_wait3A_893 = arith.constant 0 : i32
    %dma_wait3A_894 = tpu.memref_slice %arg7[%dma_wait3A_889, %dma_wait3A_891, %dma_wait3A_892, %dma_wait3A_893] : memref<3x4x30x128xf32, #tpu.memory_space<vmem>> -> memref<1x4x30x128xf32, #tpu.memory_space<vmem>>
    %dma_wait3A_895 = tpu.memref_squeeze %dma_wait3A_894 : memref<1x4x30x128xf32, #tpu.memory_space<vmem>> -> memref<4x30x128xf32, #tpu.memory_space<vmem>>
    %dma_wait3A_896 = arith.constant 0 : i32
    %dma_wait3A_897 = arith.constant 0 : i32
    %dma_wait3A_898 = arith.constant 0 : i32
    %dma_wait3A_899 = tpu.memref_slice %arg4[%dma_wait3A_890, %dma_wait3A_896, %dma_wait3A_897, %dma_wait3A_898] : memref<1024x30x30x128xf32, #tpu.memory_space<hbm>> -> memref<1x4x30x128xf32, #tpu.memory_space<hbm>>
    %dma_wait3A_900 = tpu.memref_squeeze %dma_wait3A_899 : memref<1x4x30x128xf32, #tpu.memory_space<hbm>> -> memref<4x30x128xf32, #tpu.memory_space<hbm>>
    %dma_wait3A_901 = arith.constant 0 : i32
    %dma_wait3A_902 = arith.constant 0 : i32
    %dma_wait3A_903 = arith.constant 0 : i32
    %dma_wait3A_904 = tpu.memref_slice %arg4[%dma_wait3A_890, %dma_wait3A_901, %dma_wait3A_902, %dma_wait3A_903] : memref<1024x30x30x128xf32, #tpu.memory_space<hbm>> -> memref<1x4x30x128xf32, #tpu.memory_space<hbm>>
    %dma_wait3A_905 = tpu.memref_squeeze %dma_wait3A_904 : memref<1x4x30x128xf32, #tpu.memory_space<hbm>> -> memref<4x30x128xf32, #tpu.memory_space<hbm>>
    %dma_wait3A_906 = arith.constant 0 : i32
    %dma_wait3A_907 = arith.constant 0 : i32
    %dma_wait3A_908 = arith.constant 0 : i32
    %dma_wait3A_909 = tpu.memref_slice %arg7[%dma_wait3A_889, %dma_wait3A_906, %dma_wait3A_907, %dma_wait3A_908] : memref<3x4x30x128xf32, #tpu.memory_space<vmem>> -> memref<1x4x30x128xf32, #tpu.memory_space<vmem>>
    %dma_wait3A_910 = tpu.memref_squeeze %dma_wait3A_909 : memref<1x4x30x128xf32, #tpu.memory_space<vmem>> -> memref<4x30x128xf32, #tpu.memory_space<vmem>>
    tpu.wait_dma2 semaphore(%arg13 : memref<!tpu.dma_semaphore, #tpu.memory_space<semaphore_mem>>) src(%dma_wait3A_910 : memref<4x30x128xf32, #tpu.memory_space<vmem>>) dst(%dma_wait3A_905 : memref<4x30x128xf32, #tpu.memory_space<hbm>>)
    return
  }
}

module attributes {stable_mosaic.version = 14 : i64} {
  func.func @_fused_body(%arg0: memref<11x128xf32, #tpu.memory_space<vmem>>, %arg1: memref<30x128xf32, #tpu.memory_space<vmem>>, %arg2: memref<30x128xf32, #tpu.memory_space<vmem>>, %arg3: memref<11x30x30x128xf32, #tpu.memory_space<vmem>>) attributes {dimension_semantics = [], scalar_prefetch = 0 : i64, scratch_operands = 0 : i64, tpu.core_type = #tpu.core_type<tc>} {
    %get3A = arith.constant 0 : index
    %get3A_0 = arith.constant 0 : index
    %get3A_1 = vector.load %arg0[%get3A, %get3A_0] : memref<11x128xf32, #tpu.memory_space<vmem>>, vector<11x128xf32>
    %broadcast_in_dim3A = vector.shape_cast %get3A_1 : vector<11x128xf32> to vector<11x1x1x128xf32>
    %get3A_2 = arith.constant 0 : index
    %get3A_3 = arith.constant 0 : index
    %get3A_4 = vector.load %arg1[%get3A_2, %get3A_3] : memref<30x128xf32, #tpu.memory_space<vmem>>, vector<30x128xf32>
    %broadcast_in_dim3A_5 = vector.shape_cast %get3A_4 : vector<30x128xf32> to vector<1x30x1x128xf32>
    %add3A = vector.broadcast %broadcast_in_dim3A : vector<11x1x1x128xf32> to vector<11x30x1x128xf32>
    %add3A_6 = vector.broadcast %broadcast_in_dim3A_5 : vector<1x30x1x128xf32> to vector<11x30x1x128xf32>
    %add3A_7 = arith.addf %add3A, %add3A_6 : vector<11x30x1x128xf32>
    %get3A_8 = arith.constant 0 : index
    %get3A_9 = arith.constant 0 : index
    %get3A_10 = vector.load %arg2[%get3A_8, %get3A_9] : memref<30x128xf32, #tpu.memory_space<vmem>>, vector<30x128xf32>
    %broadcast_in_dim3A_11 = vector.shape_cast %get3A_10 : vector<30x128xf32> to vector<1x1x30x128xf32>
    %add3A_12 = vector.broadcast %add3A_7 : vector<11x30x1x128xf32> to vector<11x30x30x128xf32>
    %add3A_13 = vector.broadcast %broadcast_in_dim3A_11 : vector<1x1x30x128xf32> to vector<11x30x30x128xf32>
    %add3A_14 = arith.addf %add3A_12, %add3A_13 : vector<11x30x30x128xf32>
    %swap3A = arith.constant 0 : index
    %swap3A_15 = arith.constant 0 : index
    %swap3A_16 = arith.constant 0 : index
    %swap3A_17 = arith.constant 0 : index
    %swap3A_18 = vector.load %arg3[%swap3A, %swap3A_15, %swap3A_16, %swap3A_17] : memref<11x30x30x128xf32, #tpu.memory_space<vmem>>, vector<11x30x30x128xf32>
    tpu.vector_store %arg3[%swap3A, %swap3A_15, %swap3A_16, %swap3A_17], %add3A_14 {strides = array<i32>} : memref<11x30x30x128xf32, #tpu.memory_space<vmem>>, vector<11x30x30x128xf32>,
    return
  }
}

</mosaic_0001>

<sc_bundles>
// kernel: kernel.4.cloned.1.call-start
scs
__scs_entry_jumppad:
0x0: {  	(pc) =	sbr.rel $0x88, $3  }
0x1: {  	(tag) =	ssettag $0x0;
	lr =	simm.s32 $0x1  }
0x2: {  	[smem:$0x3F9D] =	sst lr;
	_ =	strace $0xD0000000  }
0x3: {  	_ = 	snop  }
0x4: {  	_ = 	snop  }
0x5: {  	_ = 	snop  }
0x6: {  	_ = 	snop  }
0x7: {  	_ = 	snop  }
__scs_overlays_trampoline_lowered:
0x8: {  	[smem:$0x3FAC] =	sst s0  }
0x9: {  	[smem:$0x3FAD] =	sst s1  }
0xa: {  	[smem:$0x3FAE] =	sst s2  }
0xb: {  	[smem:$0x3FAF] =	sst s3  }
0xc: {  	[smem:$0x3FB0] =	sst s4  }
0xd: {  	[smem:$0x3FB1] =	sst s5  }
0xe: {  	[smem:$0x3FB2] =	sst s6  }
0xf: {  	[smem:$0x3FB3] =	sst s7  }
0x10: {  	[smem:$0x3FB4] =	sst s8  }
0x11: {  	[smem:$0x3FB5] =	sst s9;
	s0 =	simm.s32 @!p0 $0x0  }
0x12: {  	s1 =	sld [smem:$0x3F9B];
	s0 =	simm.s32 @p0 $0x1  }
0x13: {  	[smem:$0x3FB6] =	sst s0;
	s0 =	simm.s32 @!p1 $0x0  }
0x14: {  	s2 =	sld [smem:$0x3F9A];
	s0 =	simm.s32 @p1 $0x1  }
0x15: {  	[smem:$0x3FB7] =	sst s0;
	s0 =	simm.s32 @!p2 $0x0  }
0x16: {  	s3 =	sld [smem:$0x3FDB];
	s0 =	simm.s32 @p2 $0x1  }
0x17: {  	s4 =	simm.s32 $0x1BF5;
	[smem:$0x3FB9] =	sst s0  }
0x18: {  	s0 =	sld [smem:$0x3F9C];
	_ =	swait.ge [sflag:s4], $0x0  }
0x19: {  	s7 =	sld [smem:$0x3F9D]  }
0x1a: {  	s8 =	sadd.s32 $0xFFFFE003, lr  }
0x1b: {  	s9 =	sadd.s32 $0xFFFFFEF7, lr;
	s5 =	simm.s32 $0xFFFFFFFF;
	p2 =	slt.u32 s8, $0xFFFFF086  }
0x1c: {  	p1 =	slt.u32 s9, $0xF7A;
	s5 =	simm.s32 @!p2 $0x0  }
0x1d: {  	s5 =	simm.s32 @p1 $0x1;
	p0 =	seq.s32 s7, s2  }
0x1e: {  	s7 =	smul.u32 @!p0 $0xF7A, s2;
	p2 =	seq.s32 @!p0 s5, $0x0  }
0x1f: {  	s9 =	smul.u32 $0xF7A, s1;
	s8 =	simm.s32 @!p0 $0x1BF5;
	p2 =	por !p2, p0  }
0x20: {  	[sflag:s8] =	ssyncset.s32 @!p0 $0xFFFFF086;
	s6 =	sadd.s32 @!p0 s3, s7;
	s7 =	simm.s32 @!p0 $0x108  }
0x21: {  	s3 =	sadd.s32 s3, s9;
	s6 =	sadd.s32 @!p0 $0x88, s6;
	s7 =	simm.s32 @p2 $0x1082  }
0x22: {  	[simem:s7], [sflag:s8] =	dma.local @!p0 [hbm:s6], $0xF7A  }
0x23: {  	s9 =	sor.u32 $0xD0000000, s2;
	s6 =	simm.s32 $0x108;
	_ =	swait.ge @!p0 [sflag:s8], $0x0  }
0x24: {  	s3 =	sadd.s32 $0x88, s3;
	s6 =	simm.s32 @!p1 $0x1082;
	[sflag:s4] =	ssyncset.s32 $0xFFFFF086  }
0x25: {  	[simem:s6], [sflag:s4] =	dma.local [hbm:s3], $0xF7A  }
0x26: {  	[smem:$0x3F9D] =	sst s1;
	(tag) =	ssettag s2;
	_ =	strace s9  }
0x27: {  	s1 =	sld [smem:$0x3FAD]  }
0x28: {  	s2 =	sld [smem:$0x3FAE]  }
0x29: {  	s4 =	sld [smem:$0x3FB0]  }
0x2a: {  	p0 =	seq.s32 s5, $0x0;
	s5 =	sld [smem:$0x3FB1]  }
0x2b: {  	s6 =	sld [smem:$0x3FB2]  }
0x2c: {  	s7 =	sld [smem:$0x3FB3]  }
0x2d: {  	s3 =	simm.s32 $0x108;
	s8 =	sld [smem:$0x3FB4]  }
0x2e: {  	s3 =	simm.s32 @!p0 $0x1082;
	s9 =	sld [smem:$0x3FB5]  }
0x2f: {  	lr =	sadd.s32 s0, s3;
	s0 =	sld [smem:$0x3FAC]  }
0x30: {  	s3 =	sld [smem:$0x3FAF]  }
0x31: {  	[smem:$0x3FB8] =	sst s10  }
0x32: {  	s10 =	sld [smem:$0x3FB6];
	_ =	sdelay $0x3  }
0x33: {  	p0 =	seq.s32 s10, $0x1;
	s10 =	sld [smem:$0x3FB8];
	_ =	sdelay $0x3  }
0x34: {  	[smem:$0x3FB8] =	sst s10  }
0x35: {  	s10 =	sld [smem:$0x3FB7];
	_ =	sdelay $0x3  }
0x36: {  	p1 =	seq.s32 s10, $0x1;
	s10 =	sld [smem:$0x3FB8];
	_ =	sdelay $0x3  }
0x37: {  	[smem:$0x3FB8] =	sst s10  }
0x38: {  	s10 =	sld [smem:$0x3FB9]  }
0x39: {  	_ = 	snop;
	(pc) =	sbr.ind lr, $3  }
0x3a: {  	_ = 	snop  }
0x3b: {  	_ = 	snop  }
0x3c: {  	p2 =	seq.s32 s10, $0x1;
	s10 =	sld [smem:$0x3FB8]  }
0x3d: {  	_ =	shalt  }
0x3e: {  	_ =	shalt  }
0x3f: {  	_ =	shalt  }
0x40: {  	_ =	shalt  }
0x41: {  	_ =	shalt  }
0x42: {  	_ =	shalt  }
0x43: {  	_ =	shalt  }
0x44: {  	_ =	shalt  }
0x45: {  	_ =	shalt  }
0x46: {  	_ =	shalt  }
0x47: {  	_ =	shalt  }
0x48: {  	_ =	shalt  }
0x49: {  	_ =	shalt  }
0x4a: {  	_ =	shalt  }
0x4b: {  	_ =	shalt  }
0x4c: {  	_ =	shalt  }
0x4d: {  	_ =	shalt  }
0x4e: {  	_ =	shalt  }
0x4f: {  	_ =	shalt  }
0x50: {  	_ =	shalt  }
0x51: {  	_ =	shalt  }
0x52: {  	_ =	shalt  }
0x53: {  	_ =	shalt  }
0x54: {  	_ =	shalt  }
0x55: {  	_ =	shalt  }
0x56: {  	_ =	shalt  }
0x57: {  	_ =	shalt  }
0x58: {  	_ =	shalt  }
0x59: {  	_ =	shalt  }
0x5a: {  	_ =	shalt  }
0x5b: {  	_ =	shalt  }
0x5c: {  	_ =	shalt  }
0x5d: {  	_ =	shalt  }
0x5e: {  	_ =	shalt  }
0x5f: {  	_ =	shalt  }
0x60: {  	_ =	shalt  }
0x61: {  	_ =	shalt  }
0x62: {  	_ =	shalt  }
0x63: {  	_ =	shalt  }
0x64: {  	_ =	shalt  }
0x65: {  	_ =	shalt  }
0x66: {  	_ =	shalt  }
0x67: {  	_ =	shalt  }
0x68: {  	_ =	shalt  }
0x69: {  	_ =	shalt  }
0x6a: {  	_ =	shalt  }
0x6b: {  	_ =	shalt  }
0x6c: {  	_ =	shalt  }
0x6d: {  	_ =	shalt  }
0x6e: {  	_ =	shalt  }
0x6f: {  	_ =	shalt  }
0x70: {  	_ =	shalt  }
0x71: {  	_ =	shalt  }
0x72: {  	_ =	shalt  }
0x73: {  	_ =	shalt  }
0x74: {  	_ =	shalt  }
0x75: {  	_ =	shalt  }
0x76: {  	_ =	shalt  }
0x77: {  	_ =	shalt  }
0x78: {  	_ =	shalt  }
0x79: {  	_ =	shalt  }
0x7a: {  	_ =	shalt  }
0x7b: {  	_ =	shalt  }
0x7c: {  	_ =	shalt  }
0x7d: {  	_ =	shalt  }
0x7e: {  	_ =	shalt  }
0x7f: {  	_ =	shalt  }
0x80: {  	_ =	shalt  }
0x81: {  	_ =	shalt  }
0x82: {  	_ =	shalt  }
0x83: {  	_ =	shalt  }
0x84: {  	_ =	shalt  }
0x85: {  	_ =	shalt  }
0x86: {  	_ =	shalt  }
0x87: {  	_ =	shalt  }
.Lfunc_end0:
.L_simem_size_0:
called_computation_lowered:
.L_overlay_start_0:
0x88: {  	s2 =	sld [smem:$0x3FD9]  }
0x89: {  	s3 =	sld [smem:$0x3FFE];
	_ =	sdelay $0x1  }
0x8a: {  	s1 =	srdreg.scid  }
0x8b: {  	s0 =	sand.u32 $0x1, s1  }
0x8c: {  	s17 =	sshll.u32 s0, $0xA;
	s2 =	sadd.s32 s3, s2  }
0x8d: {  	s2 =	sadd.s32 s2, s17  }
0x8e: {  	[smem:$0x3FC4] =	sst s2  }
0x8f: {  	_ = 	snop  }
0x90: {  	s2 =	sld [smem:$0x3FD0];
	(tm) =	ssettm $0x1  }
0x91: {  	s18 =	sld [smem:$0x3FFB];
	_ =	sdelay $0x3  }
0x92: {  	_ =	strace s18  }
0x93: {  	s3 =	sld [smem:$0x3FFC];
	_ =	sdelay $0x3  }
0x94: {  	_ =	strace s3  }
0x95: {  	s3 =	sld [smem:$0x3FFD];
	_ =	sdelay $0x3  }
0x96: {  	_ =	strace s3  }
0x97: {  	_ =	strace $0x8FFFFFFF  }
0x98: {  	s19 =	sld [smem:$0x3FDB];
	_ =	sdelay $0x1  }
0x99: {  	s4 =	simm.s32 $_scs_section_size  }
0x9a: {  	s5 =	simm.s32 $_size__tile_overlayer_lowered;
	s6 =	simm.s32 $_tile_overlayer_lowered  }
0x9b: {  	s22 =	simm.s32 $0x1BFF;
	s21 =	sshll.u32 s6, $0x1;
	s3 =	sadd.s32 s4, s19  }
0x9c: {  	s7 =	simm.s32 $0x0;
	s20 =	sshll.u32 s5, $0x1;
	s5 =	sadd.s32 s21, s3  }
0x9d: {  	[timem:s7], [sflag:s22] =	dma.local [hbm:s5], s20  }
0x9e: {  	_ =	swait.ge [sflag:s22], s20  }
0x9f: {  	s4 =	ssub.s32 $0x0, s20;
	[sflag:s22] =	ssyncset.done $0x0  }
0xa0: {  	[sflag:s22] =	ssyncadd.s32 s4;
	_ =	sdelay $0x1  }
0xa1: {  	s23 =	simm.s32 $0x1B8B  }
0xa2: {  	_ =	swait.ge [sflag:s23], $0x1  }
0xa3: {  	[sflag:s23] =	ssyncset.done $0x0  }
0xa4: {  	s25 =	simm.s32 $0x1B8E;
	s24 =	sld [smem:$0x3FFE];
	[sflag:s23] =	ssyncadd.s32 $0xFFFFFFFF  }
0xa5: {  	s26 =	simm.s32 $execute0_lowered;
	[smem:$0x3FD2] =	sst s25  }
0xa6: {  	s5 =	sshll.u32 s26, $0x1;
	_ =	strace $0x80000046;
	[dreg:$0x1] =	wrdreg $0xFFFFFFFF  }
0xa7: {  	s28 =	simm.s32 $_size_execute0_lowered;
	s3 =	sadd.s32 s3, s5;
	[dreg:$0x0] =	wrdreg $0x0  }
0xa8: {  	s5 =	sshll.u32 s28, $0x1;
	[dreg:$0x2] =	wrdreg s3  }
0xa9: {  	[dreg:$0x3] =	wrdreg s5  }
0xaa: {  	[dreg:$0x4] =	wrdreg $0xC0  }
0xab: {  	_ =	task [dreg:s7], $0x5FFFF  }
0xac: {  	[dreg:$0x1] =	wrdreg $0xFFFFFFFF  }
0xad: {  	[dreg:$0x0] =	wrdreg $0x60  }
0xae: {  	[dreg:$0x2] =	wrdreg s2  }
0xaf: {  	[dreg:$0x3] =	wrdreg s24  }
0xb0: {  	[dreg:$0x4] =	wrdreg $0x9  }
0xb1: {  	_ =	task.clear_ibuf [dreg:s7], $0x5FFFF;
	_ =	strace $0x90000046  }
0xb2: {  	s29 =	simm.s32 $0x9;
	_ =	strace $0x80000048  }
0xb3: {  	_ =	swait.ge [sflag:s29], $0x1  }
0xb4: {  	[sflag:s29] =	ssyncadd.s32 $0xFFFFFFFF  }
0xb5: {  	_ =	strace $0x90000048  }
0xb6: {  	_ =	sfence  }
0xb7: {  	s30 =	sld [smem:$0x0];
	_ =	sdelay $0x2  }
0xb8: {  	s31 =	sshll.u32 s1, $0xD;
	s1 =	sshrl.u32 s1, $0x2  }
0xb9: {  	s3 =	sand.u32 $0x4000, s31;
	s1 =	sadd.s32 s1, s30  }
0xba: {  	s0 =	sor.u32 s3, s0;
	s1 =	sshll.u32 s1, $0x11  }
0xbb: {  	s0 =	sor.u32 s1, s0  }
0xbc: {  	s0 =	sadd.s32 $0x8F2B, s0  }
0xbd: {  	[sflag:s0] =	ssyncadd.remote.s32 $0x1  }
0xbe: {  	_ =	sfence.sel $0xFFFF  }
0xbf: {  	[dreg:$0x0] =	wrdreg $0xFFFFFFFF;
	(pc) =	sbr.abs _section_cstart, $3  }
0xc0: {  	[dreg:$0x1] =	wrdreg $0xFFFFFFFF  }
0xc1: {  	_ =	task.clear_ibuf [dreg:s7], $0x2FFFF;
	_ =	strace $0x9FFFFFFF  }
0xc2: {  	(tm) =	ssettm $0x7FFFFFFF  }
0xc3: {  	_ =	shalt  }
tec
execute0_lowered:
.L_overlay_start_1:
0x0: {  	(tag) =	ssettag $0x1  }
0x1: {  	s0 =	srdreg.scid;
	s2 =	rddreg [dreg:$0x0]  }
0x2: {  	s1 =	stileid.u32;
	s4 =	rddreg [dreg:$0x1];
	s3 =	simm.s32 $0x0  }
0x3: {  	s15 =	simm.s32 $0x1E;
	s14 =	simm.s32 $0xE900;
	s17 =	simm.s32 $0xF900  }
0x4: {  	s19 =	simm.s32 $0x7140;
	s28 =	simm.s32 $0x13900;
	s31 =	simm.s32 $0x14900  }
0x5: {  	s16 =	simm.s32 $0x2;
	s29 =	simm.s32 $0x16900;
	s20 =	simm.s32 $0x18900  }
0x6: {  	s30 =	simm.s32 $0x3;
	s0 =	sand.u32 $0x1, s0;
	s1 =	sshll.u32 s1, $0x1  }
0x7: {  	s18 =	simm.s32 $0x4;
	s1 =	sor.u32 s0, s1;
	s0 =	ssub.s32 $0x2, s0  }
0x8: {  	[smem:$0x7FF] =	sst s3;
	s5 =	smul.u32 $0xE10, s1;
	s21 =	sshrl.u32 s0, $0x1  }
0x9: {  	_ =	strace $0x80000047;
	s6 =	smul.u32 $0x3C0000, s1;
	s0 =	ssub.s32 s0, s21  }
0xa: {  	s7 =	sadd.s32 s5, s4;
	s4 =	sadd.s32 $0x1CE00, s4;
	s0 =	smax.u32 s0, $0x1  }
0xb: {  	s6 =	sshrl.u32 s6, $0x3;
	s22 =	sadd.s32 $0xC00, s7;
	[dreg:$0xa] =	wrdreg s0  }
0xc: {  	s13 =	simm.s32 $0x6;
	s23 =	sadd.s32 s4, s6;
	[dreg:$0x3] =	wrdreg s22  }
0xd: {  	s21 =	simm.s32 $0x10900;
	s6 =	sadd.s32 $0x800, s23;
	[dreg:$0x4] =	wrdreg s23  }
0xe: {  	s5 =	sshll.u32 s1, $0x5;
	s24 =	sadd.s32 $0x1000, s23;
	[dreg:$0x5] =	wrdreg s6  }
0xf: {  	s0 =	simm.s32 $0x15900;
	s25 =	sadd.s32 $0x76800, s23;
	[dreg:$0x6] =	wrdreg s24  }
0x10: {  	s26 =	sadd.s32 $0x77000, s23;
	s1 =	sadd.s32 $0x77800, s23;
	[dreg:$0x7] =	wrdreg s25  }
0x11: {  	s23 =	simm.s32 $0x11900;
	s22 =	simm.s32 $0x12900;
	[dreg:$0x8] =	wrdreg s26  }
0x12: {  	v0 =	vlaneseq.u32;
	[dreg:$0x9] =	wrdreg s1;
	s24 =	simm.s32 $0x1;
	s26 =	simm.s32 $0x17900  }
0x13: {  	v1 =	vor.u32 $0x10, v0;
	s25 =	simm.s32 $0x19900;
	s6 =	simm.s32 $0x5;
	s1 =	simm.s32 $0x0  }
.LBB2_1:
0x14: {  	[dreg:$0xb] =	wrdreg s1  }
0x15: {  	s7 =	rddreg [dreg:$0x3];
	s11 =	simm.s32 $0x7  }
0x16: {  	[tilespmem:s3], [sflag:$0x7] =	stream.linear.gather [hbm4b:s7+s3], $0x7080, $0x38;
	[tilespmem:$0x1A900] =	vst v63  }
0x17: {  	_ =	swait.ge [sflag:s11], $0x7080  }
0x18: {  	[sflag:s11] =	ssyncset.done $0x0  }
0x19: {  	s12 =	simm.s32 $0x0;
	[sflag:s11] =	ssyncadd.s32 $0xFFFF8F80  }
0x1a: {  	v2 =	vld [tilespmem:s12+$0x0];
	_ =	sdelay $0x2  }
0x1b: {  	p0 =	por $0x0, $0x0;
	s8 =	simm.s32 $0xFFFFFFE2;
	s9 =	simm.s32 $0x0  }
0x1c: {  	s9 =	smov.u32 @p0 s8  }
0x1d: {  	s8 =	smul.u32 $0x1E, s9;
	v2 =	vmul.u32 $0x384, v2;
	_ =	sdelay $0x1  }
0x1e: {  	v2 =	vadd.s32 s8, v2  }
0x1f: {  	v2 =	vadd.s32 v0, v2  }
0x20: {  	[tilespmem:s19+$0xFFFFFFC0] =	vst v2  }
0x21: {  	v2 =	vld [tilespmem:s12+$0x10];
	_ =	sdelay $0x4  }
0x22: {  	v2 =	vmul.u32 $0x384, v2;
	_ =	sdelay $0x1  }
0x23: {  	v2 =	vadd.s32 s8, v2  }
0x24: {  	v2 =	vadd.s32 v1, v2  }
0x25: {  	[tilespmem:s19+$0xFFFFFFD0] =	vst v2  }
0x26: {  	v2 =	vld [tilespmem:s12+$0x1E];
	_ =	sdelay $0x2  }
0x27: {  	p0 =	por $0x0, $0x0;
	s9 =	simm.s32 $0xFFFFFFE3;
	s8 =	simm.s32 $0x1  }
0x28: {  	s8 =	smov.u32 @p0 s9  }
0x29: {  	s8 =	smul.u32 $0x1E, s8;
	v2 =	vmul.u32 $0x384, v2;
	_ =	sdelay $0x1  }
0x2a: {  	v2 =	vadd.s32 s8, v2  }
0x2b: {  	v2 =	vadd.s32 v0, v2  }
0x2c: {  	[tilespmem:s19+$0xFFFFFFE0] =	vst v2  }
0x2d: {  	v2 =	vld [tilespmem:s12+$0x2E];
	_ =	sdelay $0x4  }
0x2e: {  	v2 =	vmul.u32 $0x384, v2;
	_ =	sdelay $0x1  }
0x2f: {  	v2 =	vadd.s32 s8, v2  }
0x30: {  	v2 =	vadd.s32 v1, v2  }
0x31: {  	[tilespmem:s19+$0xFFFFFFF0] =	vst v2  }
0x32: {  	v2 =	vld [tilespmem:s12+$0x3C];
	_ =	sdelay $0x2  }
0x33: {  	p0 =	por $0x0, $0x0;
	s9 =	simm.s32 $0xFFFFFFE4;
	s8 =	simm.s32 $0x2  }
0x34: {  	s8 =	smov.u32 @p0 s9  }
0x35: {  	s8 =	smul.u32 $0x1E, s8;
	v2 =	vmul.u32 $0x384, v2;
	_ =	sdelay $0x1  }
0x36: {  	v2 =	vadd.s32 s8, v2  }
0x37: {  	v2 =	vadd.s32 v0, v2  }
0x38: {  	[tilespmem:s19+$0x0] =	vst v2  }
0x39: {  	v2 =	vld [tilespmem:s12+$0x4C];
	_ =	sdelay $0x4  }
0x3a: {  	v2 =	vmul.u32 $0x384, v2;
	_ =	sdelay $0x1  }
0x3b: {  	v2 =	vadd.s32 s8, v2  }
0x3c: {  	v2 =	vadd.s32 v1, v2  }
0x3d: {  	[tilespmem:s19+$0x10] =	vst v2  }
0x3e: {  	v2 =	vld [tilespmem:s12+$0x5A];
	_ =	sdelay $0x2  }
0x3f: {  	p0 =	por $0x0, $0x0;
	s9 =	simm.s32 $0xFFFFFFE5;
	s8 =	simm.s32 $0x3  }
0x40: {  	s8 =	smov.u32 @p0 s9  }
0x41: {  	s8 =	smul.u32 $0x1E, s8;
	v2 =	vmul.u32 $0x384, v2;
	_ =	sdelay $0x1  }
0x42: {  	v2 =	vadd.s32 s8, v2  }
0x43: {  	v2 =	vadd.s32 v0, v2  }
0x44: {  	[tilespmem:s19+$0x20] =	vst v2  }
0x45: {  	v2 =	vld [tilespmem:s12+$0x6A];
	_ =	sdelay $0x4  }
0x46: {  	v2 =	vmul.u32 $0x384, v2;
	_ =	sdelay $0x1  }
0x47: {  	s10 =	simm.s32 $0x7140;
	v2 =	vadd.s32 s8, v2  }
0x48: {  	s7 =	simm.s32 $0xFFFFFFE6;
	p0 =	por $0x0, $0x0;
	s8 =	simm.s32 $0x4;
	v2 =	vadd.s32 v1, v2  }
0x49: {  	s11 =	simm.s32 $0x3C0;
	s9 =	simm.s32 $0x78;
	s8 =	smov.u32 @p0 s7;
	[tilespmem:s19+$0x30] =	vst v2  }
.LBB2_2:
0x4a: {  	p0 =	sne.s32 s11, $0x1C020;
	v2 =	vld [tilespmem:s9+$0x0];
	_ =	sdelay $0x2  }
0x4b: {  	p1 =	sgt.s32 s8, $0x1D;
	s7 =	sadd.s32 $0xFFFFFFE2, s8;
	s12 =	smov.u32 s8  }
0x4c: {  	s12 =	smov.u32 @p1 s7  }
0x4d: {  	s7 =	smul.u32 $0x1E, s12;
	v2 =	vmul.u32 $0x384, v2;
	_ =	sdelay $0x1  }
0x4e: {  	v2 =	vadd.s32 s7, v2  }
0x4f: {  	s10 =	sadd.s32 $0x80, s10;
	v2 =	vadd.s32 v0, v2  }
0x50: {  	[tilespmem:s10+$0xFFFFFFC0] =	vst v2  }
0x51: {  	v2 =	vld [tilespmem:s9+$0x10];
	_ =	sdelay $0x4  }
0x52: {  	v2 =	vmul.u32 $0x384, v2;
	_ =	sdelay $0x1  }
0x53: {  	v2 =	vadd.s32 s7, v2  }
0x54: {  	v2 =	vadd.s32 v1, v2  }
0x55: {  	[tilespmem:s10+$0xFFFFFFD0] =	vst v2  }
0x56: {  	v2 =	vld [tilespmem:s9+$0x1E];
	_ =	sdelay $0x1  }
0x57: {  	s7 =	sadd.s32 $0x1, s8  }
0x58: {  	s12 =	sadd.s32 $0xFFFFFFE3, s8;
	p1 =	sgt.s32 s7, $0x1D  }
0x59: {  	s7 =	smov.u32 @p1 s12  }
0x5a: {  	s7 =	smul.u32 $0x1E, s7;
	v2 =	vmul.u32 $0x384, v2;
	_ =	sdelay $0x1  }
0x5b: {  	v2 =	vadd.s32 s7, v2  }
0x5c: {  	v2 =	vadd.s32 v0, v2  }
0x5d: {  	[tilespmem:s10+$0xFFFFFFE0] =	vst v2  }
0x5e: {  	v2 =	vld [tilespmem:s9+$0x2E];
	_ =	sdelay $0x4  }
0x5f: {  	v2 =	vmul.u32 $0x384, v2;
	_ =	sdelay $0x1  }
0x60: {  	v2 =	vadd.s32 s7, v2  }
0x61: {  	v2 =	vadd.s32 v1, v2  }
0x62: {  	[tilespmem:s10+$0xFFFFFFF0] =	vst v2  }
0x63: {  	v2 =	vld [tilespmem:s9+$0x3C];
	_ =	sdelay $0x1  }
0x64: {  	s7 =	sadd.s32 $0x2, s8  }
0x65: {  	s12 =	sadd.s32 $0xFFFFFFE4, s8;
	p1 =	sgt.s32 s7, $0x1D  }
0x66: {  	s7 =	smov.u32 @p1 s12  }
0x67: {  	s7 =	smul.u32 $0x1E, s7;
	v2 =	vmul.u32 $0x384, v2;
	_ =	sdelay $0x1  }
0x68: {  	v2 =	vadd.s32 s7, v2  }
0x69: {  	v2 =	vadd.s32 v0, v2  }
0x6a: {  	[tilespmem:s10+$0x0] =	vst v2  }
0x6b: {  	v2 =	vld [tilespmem:s9+$0x4C];
	_ =	sdelay $0x4  }
0x6c: {  	v2 =	vmul.u32 $0x384, v2;
	_ =	sdelay $0x1  }
0x6d: {  	v2 =	vadd.s32 s7, v2  }
0x6e: {  	v2 =	vadd.s32 v1, v2  }
0x6f: {  	[tilespmem:s10+$0x10] =	vst v2  }
0x70: {  	v2 =	vld [tilespmem:s9+$0x5A];
	_ =	sdelay $0x1  }
0x71: {  	s7 =	sadd.s32 $0x3, s8  }
0x72: {  	s12 =	sadd.s32 $0xFFFFFFE5, s8;
	p1 =	sgt.s32 s7, $0x1D  }
0x73: {  	s7 =	smov.u32 @p1 s12  }
0x74: {  	s7 =	smul.u32 $0x1E, s7;
	v2 =	vmul.u32 $0x384, v2;
	_ =	sdelay $0x1  }
0x75: {  	v2 =	vadd.s32 s7, v2  }
0x76: {  	v2 =	vadd.s32 v0, v2  }
0x77: {  	[tilespmem:s10+$0x20] =	vst v2  }
0x78: {  	v2 =	vld [tilespmem:s9+$0x6A];
	_ =	sdelay $0x4  }
.Ltmp0:
0x79: {  	v2 =	vmul.u32 $0x384, v2;
	(pc) =	sbr.rel @p0 .LBB2_2-.Ltmp0, $4  }
0x7a: {  	_ = 	snop  }
0x7b: {  	v2 =	vadd.s32 s7, v2;
	s7 =	sadd.s32 $0x4, s8  }
0x7c: {  	s12 =	sadd.s32 $0xFFFFFFE6, s8;
	v2 =	vadd.s32 v1, v2;
	p1 =	sgt.s32 s7, $0x1D;
	s8 =	smov.u32 s7  }
0x7d: {  	s9 =	sshra.s32 s11, $0x2;
	s11 =	sadd.s32 $0x1E0, s11;
	[tilespmem:s10+$0x30] =	vst v2;
	s8 =	smov.u32 @p1 s12  }
0x7e: {  	v2 =	vld [tilespmem:s9+$0x0];
	_ =	sdelay $0x2  }
0x7f: {  	p0 =	sgt.s32 s8, $0x1D;
	s7 =	sadd.s32 $0xFFFFFFE2, s8;
	s11 =	smov.u32 s8  }
0x80: {  	s11 =	smov.u32 @p0 s7  }
0x81: {  	s7 =	smul.u32 $0x1E, s11;
	v2 =	vmul.u32 $0x384, v2;
	_ =	sdelay $0x1  }
0x82: {  	v2 =	vadd.s32 s7, v2  }
0x83: {  	s10 =	sadd.s32 $0x80, s10;
	v2 =	vadd.s32 v0, v2  }
0x84: {  	[tilespmem:s10+$0xFFFFFFC0] =	vst v2  }
0x85: {  	v2 =	vld [tilespmem:s9+$0x10];
	_ =	sdelay $0x4  }
0x86: {  	v2 =	vmul.u32 $0x384, v2;
	_ =	sdelay $0x1  }
0x87: {  	v2 =	vadd.s32 s7, v2  }
0x88: {  	v2 =	vadd.s32 v1, v2  }
0x89: {  	[tilespmem:s10+$0xFFFFFFD0] =	vst v2  }
0x8a: {  	v2 =	vld [tilespmem:s9+$0x1E];
	_ =	sdelay $0x1  }
0x8b: {  	s7 =	sadd.s32 $0x1, s8  }
0x8c: {  	s11 =	sadd.s32 $0xFFFFFFE3, s8;
	p0 =	sgt.s32 s7, $0x1D  }
0x8d: {  	s7 =	smov.u32 @p0 s11  }
0x8e: {  	s7 =	smul.u32 $0x1E, s7;
	v2 =	vmul.u32 $0x384, v2;
	_ =	sdelay $0x1  }
0x8f: {  	v2 =	vadd.s32 s7, v2  }
0x90: {  	v2 =	vadd.s32 v0, v2  }
0x91: {  	[tilespmem:s10+$0xFFFFFFE0] =	vst v2  }
0x92: {  	v2 =	vld [tilespmem:s9+$0x2E];
	_ =	sdelay $0x4  }
0x93: {  	v2 =	vmul.u32 $0x384, v2;
	_ =	sdelay $0x1  }
0x94: {  	v2 =	vadd.s32 s7, v2  }
0x95: {  	v2 =	vadd.s32 v1, v2  }
0x96: {  	[tilespmem:s10+$0xFFFFFFF0] =	vst v2  }
0x97: {  	v2 =	vld [tilespmem:s9+$0x3C];
	_ =	sdelay $0x1  }
0x98: {  	s7 =	sadd.s32 $0x2, s8  }
0x99: {  	s11 =	sadd.s32 $0xFFFFFFE4, s8;
	p0 =	sgt.s32 s7, $0x1D  }
0x9a: {  	s7 =	smov.u32 @p0 s11  }
0x9b: {  	s7 =	smul.u32 $0x1E, s7;
	v2 =	vmul.u32 $0x384, v2;
	_ =	sdelay $0x1  }
0x9c: {  	v2 =	vadd.s32 s7, v2  }
0x9d: {  	v2 =	vadd.s32 v0, v2  }
0x9e: {  	[tilespmem:s10+$0x0] =	vst v2  }
0x9f: {  	v2 =	vld [tilespmem:s9+$0x4C];
	_ =	sdelay $0x4  }
0xa0: {  	v2 =	vmul.u32 $0x384, v2;
	_ =	sdelay $0x1  }
0xa1: {  	v2 =	vadd.s32 s7, v2  }
0xa2: {  	v2 =	vadd.s32 v1, v2  }
0xa3: {  	[tilespmem:s10+$0x10] =	vst v2  }
0xa4: {  	v2 =	vld [tilespmem:s9+$0x5A];
	_ =	sdelay $0x1  }
0xa5: {  	s7 =	sadd.s32 $0x3, s8  }
0xa6: {  	s8 =	sadd.s32 $0xFFFFFFE5, s8;
	p0 =	sgt.s32 s7, $0x1D  }
0xa7: {  	s7 =	smov.u32 @p0 s8  }
0xa8: {  	s7 =	smul.u32 $0x1E, s7;
	v2 =	vmul.u32 $0x384, v2;
	_ =	sdelay $0x1  }
0xa9: {  	v2 =	vadd.s32 s7, v2  }
0xaa: {  	v2 =	vadd.s32 v0, v2  }
0xab: {  	[tilespmem:s10+$0x20] =	vst v2  }
0xac: {  	v2 =	vld [tilespmem:s9+$0x6A];
	_ =	sdelay $0x4  }
0xad: {  	v2 =	vmul.u32 $0x384, v2;
	_ =	sdelay $0x1  }
0xae: {  	v2 =	vadd.s32 s7, v2  }
0xaf: {  	v2 =	vadd.s32 v1, v2  }
0xb0: {  	s11 =	simm.s32 $0x7100;
	[tilespmem:s10+$0x30] =	vst v2  }
0xb1: {  	[tilespmem:s14], [sflag:$0x1] =	stream.indirect.gather [hbm4b:s2+s15], $0x80, s11, s15, $0xb8;
	[tilespmem:$0x1A900] =	vst v63  }
0xb2: {  	s12 =	simm.s32 $0x7120  }
0xb3: {  	[tilespmem:s17], [sflag:$0x1] =	stream.indirect.gather [hbm4b:s2+s15], $0x80, s12, s15, $0xb8;
	[tilespmem:$0x1A900] =	vst v63  }
0xb4: {  	_ = 	snop  }
0xb5: {  	[tilespmem:s21], [sflag:$0x1] =	stream.indirect.gather [hbm4b:s2+s15], $0x80, s19, s15, $0xb8;
	[tilespmem:$0x1A900] =	vst v63  }
0xb6: {  	s19 =	simm.s32 $0x7160  }
0xb7: {  	[tilespmem:s23], [sflag:$0x1] =	stream.indirect.gather [hbm4b:s2+s15], $0x80, s19, s15, $0xb8;
	[tilespmem:$0x1A900] =	vst v63  }
0xb8: {  	_ =	swait.ge [sflag:s24], $0xF00  }
0xb9: {  	[sflag:s24] =	ssyncset.done $0x0  }
0xba: {  	[sflag:s24] =	ssyncadd.s32 $0xFFFFF100  }
0xbb: {  	_ =	swait.ge [sflag:s24], $0xF00  }
0xbc: {  	[sflag:s24] =	ssyncset.done $0x0  }
0xbd: {  	[sflag:s24] =	ssyncadd.s32 $0xFFFFF100  }
0xbe: {  	_ =	swait.ge [sflag:s24], $0xF00  }
0xbf: {  	[sflag:s24] =	ssyncset.done $0x0  }
0xc0: {  	[sflag:s24] =	ssyncadd.s32 $0xFFFFF100  }
0xc1: {  	_ =	swait.ge [sflag:s24], $0xF00  }
0xc2: {  	[sflag:s24] =	ssyncset.done $0x0  }
0xc3: {  	s7 =	simm.s32 $0x0;
	s1 =	rddreg [dreg:$0x4];
	[sflag:s24] =	ssyncadd.s32 $0xFFFFF100  }
0xc4: {  	[hbm4b:s1+s7] =	stream.linear.scatter [tilespmem:s14], [sflag:$0x4], $0xF00, $0x38;
	[tilespmem:$0x1A900] =	vst v63  }
0xc5: {  	s10 =	sadd.s32 $0x200, s1  }
0xc6: {  	[hbm4b:s10+s7] =	stream.linear.scatter [tilespmem:s17], [sflag:$0x4], $0xF00, $0x38;
	[tilespmem:$0x1A900] =	vst v63  }
0xc7: {  	s11 =	sadd.s32 $0x400, s1  }
0xc8: {  	[hbm4b:s11+s7] =	stream.linear.scatter [tilespmem:s21], [sflag:$0x4], $0xF00, $0x38;
	[tilespmem:$0x1A900] =	vst v63  }
0xc9: {  	s12 =	sadd.s32 $0x600, s1  }
0xca: {  	[hbm4b:s12+s7] =	stream.linear.scatter [tilespmem:s23], [sflag:$0x4], $0xF00, $0x38;
	[tilespmem:$0x1A900] =	vst v63  }
0xcb: {  	s19 =	simm.s32 $0x7180  }
0xcc: {  	[tilespmem:s22], [sflag:$0x2] =	stream.indirect.gather [hbm4b:s2+s15], $0x80, s19, s15, $0xb8;
	[tilespmem:$0x1A900] =	vst v63  }
0xcd: {  	s1 =	simm.s32 $0x71A0  }
0xce: {  	[tilespmem:s28], [sflag:$0x2] =	stream.indirect.gather [hbm4b:s2+s15], $0x80, s1, s15, $0xb8;
	[tilespmem:$0x1A900] =	vst v63  }
0xcf: {  	s9 =	simm.s32 $0x71C0  }
0xd0: {  	[tilespmem:s31], [sflag:$0x2] =	stream.indirect.gather [hbm4b:s2+s15], $0x80, s9, s15, $0xb8;
	[tilespmem:$0x1A900] =	vst v63  }
0xd1: {  	s10 =	simm.s32 $0x71E0  }
0xd2: {  	[tilespmem:s0], [sflag:$0x2] =	stream.indirect.gather [hbm4b:s2+s15], $0x80, s10, s15, $0xb8;
	[tilespmem:$0x1A900] =	vst v63  }
0xd3: {  	_ =	swait.ge [sflag:s16], $0xF00  }
0xd4: {  	[sflag:s16] =	ssyncset.done $0x0  }
0xd5: {  	[sflag:s16] =	ssyncadd.s32 $0xFFFFF100  }
0xd6: {  	_ =	swait.ge [sflag:s16], $0xF00  }
0xd7: {  	[sflag:s16] =	ssyncset.done $0x0  }
0xd8: {  	[sflag:s16] =	ssyncadd.s32 $0xFFFFF100  }
0xd9: {  	_ =	swait.ge [sflag:s16], $0xF00  }
0xda: {  	[sflag:s16] =	ssyncset.done $0x0  }
0xdb: {  	[sflag:s16] =	ssyncadd.s32 $0xFFFFF100  }
0xdc: {  	_ =	swait.ge [sflag:s16], $0xF00  }
0xdd: {  	[sflag:s16] =	ssyncset.done $0x0  }
0xde: {  	s11 =	rddreg [dreg:$0x5];
	[sflag:s16] =	ssyncadd.s32 $0xFFFFF100  }
0xdf: {  	[hbm4b:s11+s7] =	stream.linear.scatter [tilespmem:s22], [sflag:$0x5], $0xF00, $0x38;
	[tilespmem:$0x1A900] =	vst v63  }
0xe0: {  	s12 =	sadd.s32 $0x200, s11  }
0xe1: {  	[hbm4b:s12+s7] =	stream.linear.scatter [tilespmem:s28], [sflag:$0x5], $0xF00, $0x38;
	[tilespmem:$0x1A900] =	vst v63  }
0xe2: {  	s19 =	sadd.s32 $0x400, s11  }
0xe3: {  	[hbm4b:s19+s7] =	stream.linear.scatter [tilespmem:s31], [sflag:$0x5], $0xF00, $0x38;
	[tilespmem:$0x1A900] =	vst v63  }
0xe4: {  	s1 =	sadd.s32 $0x600, s11  }
0xe5: {  	[hbm4b:s1+s7] =	stream.linear.scatter [tilespmem:s0], [sflag:$0x5], $0xF00, $0x38;
	[tilespmem:$0x1A900] =	vst v63  }
0xe6: {  	s9 =	simm.s32 $0x7200  }
0xe7: {  	[tilespmem:s29], [sflag:$0x3] =	stream.indirect.gather [hbm4b:s2+s15], $0x80, s9, s15, $0xb8;
	[tilespmem:$0x1A900] =	vst v63  }
0xe8: {  	s10 =	simm.s32 $0x7220  }
0xe9: {  	[tilespmem:s26], [sflag:$0x3] =	stream.indirect.gather [hbm4b:s2+s15], $0x80, s10, s15, $0xb8;
	[tilespmem:$0x1A900] =	vst v63  }
0xea: {  	s1 =	simm.s32 $0x7240  }
0xeb: {  	[tilespmem:s20], [sflag:$0x3] =	stream.indirect.gather [hbm4b:s2+s15], $0x80, s1, s15, $0xb8;
	[tilespmem:$0x1A900] =	vst v63  }
0xec: {  	s11 =	simm.s32 $0x7260  }
0xed: {  	[tilespmem:s25], [sflag:$0x3] =	stream.indirect.gather [hbm4b:s2+s15], $0x80, s11, s15, $0xb8;
	[tilespmem:$0x1A900] =	vst v63  }
0xee: {  	_ =	swait.ge [sflag:s30], $0xF00  }
0xef: {  	[sflag:s30] =	ssyncset.done $0x0  }
0xf0: {  	[sflag:s30] =	ssyncadd.s32 $0xFFFFF100  }
0xf1: {  	_ =	swait.ge [sflag:s30], $0xF00  }
0xf2: {  	[sflag:s30] =	ssyncset.done $0x0  }
0xf3: {  	[sflag:s30] =	ssyncadd.s32 $0xFFFFF100  }
0xf4: {  	_ =	swait.ge [sflag:s30], $0xF00  }
0xf5: {  	[sflag:s30] =	ssyncset.done $0x0  }
0xf6: {  	[sflag:s30] =	ssyncadd.s32 $0xFFFFF100  }
0xf7: {  	_ =	swait.ge [sflag:s30], $0xF00  }
0xf8: {  	[sflag:s30] =	ssyncset.done $0x0  }
0xf9: {  	s12 =	rddreg [dreg:$0x6];
	[sflag:s30] =	ssyncadd.s32 $0xFFFFF100  }
0xfa: {  	[hbm4b:s12+s7] =	stream.linear.scatter [tilespmem:s29], [sflag:$0x6], $0xF00, $0x38;
	[tilespmem:$0x1A900] =	vst v63  }
0xfb: {  	s19 =	sadd.s32 $0x200, s12  }
0xfc: {  	[hbm4b:s19+s7] =	stream.linear.scatter [tilespmem:s26], [sflag:$0x6], $0xF00, $0x38;
	[tilespmem:$0x1A900] =	vst v63  }
0xfd: {  	s1 =	sadd.s32 $0x400, s12  }
0xfe: {  	[hbm4b:s1+s7] =	stream.linear.scatter [tilespmem:s20], [sflag:$0x6], $0xF00, $0x38;
	[tilespmem:$0x1A900] =	vst v63  }
0xff: {  	s10 =	sadd.s32 $0x600, s12  }
0x100: {  	[hbm4b:s10+s7] =	stream.linear.scatter [tilespmem:s25], [sflag:$0x6], $0xF00, $0x38;
	[tilespmem:$0x1A900] =	vst v63  }
0x101: {  	_ =	swait.ge [sflag:s18], $0x3C00  }
0x102: {  	[sflag:s18] =	ssyncset.done $0x0  }
0x103: {  	s11 =	simm.s32 $0x7280;
	[sflag:s18] =	ssyncadd.s32 $0xFFFFC400  }
0x104: {  	[tilespmem:s14], [sflag:$0x1] =	stream.indirect.gather [hbm4b:s2+s15], $0x80, s11, s15, $0xb8;
	[tilespmem:$0x1A900] =	vst v63  }
0x105: {  	s12 =	simm.s32 $0x72A0  }
0x106: {  	[tilespmem:s17], [sflag:$0x1] =	stream.indirect.gather [hbm4b:s2+s15], $0x80, s12, s15, $0xb8;
	[tilespmem:$0x1A900] =	vst v63  }
0x107: {  	s19 =	simm.s32 $0x72C0  }
0x108: {  	[tilespmem:s21], [sflag:$0x1] =	stream.indirect.gather [hbm4b:s2+s15], $0x80, s19, s15, $0xb8;
	[tilespmem:$0x1A900] =	vst v63  }
0x109: {  	s20 =	simm.s32 $0x72E0  }
0x10a: {  	[tilespmem:s23], [sflag:$0x1] =	stream.indirect.gather [hbm4b:s2+s15], $0x80, s20, s15, $0xb8;
	[tilespmem:$0x1A900] =	vst v63  }
0x10b: {  	_ =	swait.ge [sflag:s24], $0xF00  }
0x10c: {  	[sflag:s24] =	ssyncset.done $0x0  }
0x10d: {  	[sflag:s24] =	ssyncadd.s32 $0xFFFFF100  }
0x10e: {  	_ =	swait.ge [sflag:s24], $0xF00  }
0x10f: {  	[sflag:s24] =	ssyncset.done $0x0  }
0x110: {  	[sflag:s24] =	ssyncadd.s32 $0xFFFFF100  }
0x111: {  	s25 =	sadd.s32 $0x0, s5;
	_ =	swait.ge [sflag:s24], $0xF00  }
0x112: {  	p0 =	por $0x0, $0x0;
	s7 =	smul.u32 $0x1E000, s25;
	[sflag:s24] =	ssyncset.done $0x0  }
0x113: {  	s9 =	simm.s32 @p0 $0xF900;
	[sflag:s24] =	ssyncadd.s32 $0xFFFFF100  }
0x114: {  	s10 =	simm.s32 @p0 $0xE900;
	s8 =	sadd.s32 @p0 $0x1C000, s7;
	_ =	swait.ge [sflag:s24], $0xF00  }
0x115: {  	s8 =	sshrl.u32 @p0 s8, $0x3;
	s11 =	sadd.s32 @p0 $0x1E000, s7;
	[sflag:s24] =	ssyncset.done $0x0  }
0x116: {  	s8 =	sadd.s32 @p0 s4, s8;
	s12 =	simm.s32 @p0 $0x0;
	[sflag:s24] =	ssyncadd.s32 $0xFFFFF100  }
0x117: {  	[hbm4b:s8+s12] =	stream.linear.scatter @p0 [tilespmem:s10], [sflag:$0x4], $0xF00, $0x38;
	[tilespmem:$0x1A900] =	vst v63  }
0x118: {  	s7 =	sadd.s32 @!p0 $0xC000, s7;
	s8 =	sadd.s32 @p0 $0x200, s8;
	s10 =	sshrl.u32 @p0 s11, $0x3  }
0x119: {  	[hbm4b:s8+s12] =	stream.linear.scatter @p0 [tilespmem:s9], [sflag:$0x4], $0xF00, $0x38;
	[tilespmem:$0x1A900] =	vst v63  }
0x11a: {  	s7 =	sshrl.u32 @!p0 s7, $0x3;
	s8 =	sadd.s32 @p0 s4, s10;
	s9 =	simm.s32 @p0 $0x10900  }
0x11b: {  	[hbm4b:s8+s12] =	stream.linear.scatter @p0 [tilespmem:s9], [sflag:$0x4], $0xF00, $0x38;
	[tilespmem:$0x1A900] =	vst v63  }
0x11c: {  	s7 =	sadd.s32 @!p0 s4, s7;
	s10 =	simm.s32 @!p0 $0xE900;
	s9 =	simm.s32 @!p0 $0x0  }
0x11d: {  	[hbm4b:s7+s9] =	stream.linear.scatter @!p0 [tilespmem:s10], [sflag:$0x4], $0xF00, $0x38;
	[tilespmem:$0x1A900] =	vst v63  }
0x11e: {  	s11 =	simm.s32 @!p0 $0xF900;
	s8 =	sadd.s32 @p0 $0x200, s8;
	s10 =	sadd.s32 @!p0 $0x200, s7  }
0x11f: {  	[hbm4b:s10+s9] =	stream.linear.scatter @!p0 [tilespmem:s11], [sflag:$0x4], $0xF00, $0x38;
	[tilespmem:$0x1A900] =	vst v63  }
0x120: {  	s10 =	sadd.s32 @!p0 $0x400, s7;
	s7 =	sadd.s32 @!p0 $0x600, s7;
	s11 =	simm.s32 @!p0 $0x10900  }
0x121: {  	[hbm4b:s10+s9] =	stream.linear.scatter @!p0 [tilespmem:s11], [sflag:$0x4], $0xF00, $0x38;
	[tilespmem:$0x1A900] =	vst v63  }
0x122: {  	s7 =	smov.u32 @p0 s8  }
0x123: {  	[hbm4b:s7+s3] =	stream.linear.scatter [tilespmem:s23], [sflag:$0x4], $0xF00, $0x38;
	[tilespmem:$0x1A900] =	vst v63  }
0x124: {  	_ =	swait.ge [sflag:s6], $0x3C00  }
0x125: {  	[sflag:s6] =	ssyncset.done $0x0  }
0x126: {  	s1 =	simm.s32 $0x7300;
	[sflag:s6] =	ssyncadd.s32 $0xFFFFC400  }
0x127: {  	[tilespmem:s22], [sflag:$0x2] =	stream.indirect.gather [hbm4b:s2+s15], $0x80, s1, s15, $0xb8;
	[tilespmem:$0x1A900] =	vst v63  }
0x128: {  	s8 =	simm.s32 $0x7320  }
0x129: {  	[tilespmem:s28], [sflag:$0x2] =	stream.indirect.gather [hbm4b:s2+s15], $0x80, s8, s15, $0xb8;
	[tilespmem:$0x1A900] =	vst v63  }
0x12a: {  	s9 =	simm.s32 $0x7340  }
0x12b: {  	[tilespmem:s31], [sflag:$0x2] =	stream.indirect.gather [hbm4b:s2+s15], $0x80, s9, s15, $0xb8;
	[tilespmem:$0x1A900] =	vst v63  }
0x12c: {  	s10 =	simm.s32 $0x7360  }
0x12d: {  	[tilespmem:s0], [sflag:$0x2] =	stream.indirect.gather [hbm4b:s2+s15], $0x80, s10, s15, $0xb8;
	[tilespmem:$0x1A900] =	vst v63  }
0x12e: {  	_ =	swait.ge [sflag:s16], $0xF00  }
0x12f: {  	[sflag:s16] =	ssyncset.done $0x0  }
0x130: {  	[sflag:s16] =	ssyncadd.s32 $0xFFFFF100  }
0x131: {  	p0 =	por $0x0, $0x0;
	s8 =	simm.s32 $0x1;
	_ =	swait.ge [sflag:s16], $0xF00  }
0x132: {  	s8 =	simm.s32 @!p0 $0x0;
	[sflag:s16] =	ssyncset.done $0x0  }
0x133: {  	s7 =	simm.s32 $0x10;
	s8 =	sadd.s32 $0x0, s8;
	[sflag:s16] =	ssyncadd.s32 $0xFFFFF100  }
0x134: {  	s9 =	simm.s32 $0xFFFFFFF2;
	s11 =	sadd.s32 s5, s8;
	_ =	swait.ge [sflag:s16], $0xF00  }
0x135: {  	s7 =	smov.u32 @p0 s9;
	s9 =	smul.u32 $0x1E000, s11;
	[sflag:s16] =	ssyncset.done $0x0  }
0x136: {  	p0 =	seq.s32 s7, $0x1C;
	[sflag:s16] =	ssyncadd.s32 $0xFFFFF100  }
0x137: {  	s11 =	simm.s32 @p0 $0x0;
	s10 =	sadd.s32 @p0 $0x1C000, s9;
	_ =	swait.ge [sflag:s16], $0xF00  }
0x138: {  	s12 =	simm.s32 @p0 $0x12900;
	s10 =	sshrl.u32 @p0 s10, $0x3;
	[sflag:s16] =	ssyncset.done $0x0  }
0x139: {  	s20 =	sadd.s32 @p0 $0x1E000, s9;
	s10 =	sadd.s32 @p0 s4, s10;
	[sflag:s16] =	ssyncadd.s32 $0xFFFFF100  }
0x13a: {  	[hbm4b:s10+s11] =	stream.linear.scatter @p0 [tilespmem:s12], [sflag:$0x5], $0xF00, $0x38;
	[tilespmem:$0x1A900] =	vst v63  }
0x13b: {  	s20 =	sshrl.u32 @p0 s20, $0x3;
	s12 =	sshll.u32 @!p0 s7, $0xC  }
0x13c: {  	s10 =	sadd.s32 @p0 $0x200, s10;
	s9 =	sadd.s32 @!p0 s12, s9;
	s12 =	simm.s32 @p0 $0x13900  }
0x13d: {  	[hbm4b:s10+s11] =	stream.linear.scatter @p0 [tilespmem:s12], [sflag:$0x5], $0xF00, $0x38;
	[tilespmem:$0x1A900] =	vst v63  }
0x13e: {  	s10 =	sadd.s32 @p0 s4, s20;
	s9 =	sshrl.u32 @!p0 s9, $0x3;
	s12 =	simm.s32 @p0 $0x14900  }
0x13f: {  	[hbm4b:s10+s11] =	stream.linear.scatter @p0 [tilespmem:s12], [sflag:$0x5], $0xF00, $0x38;
	[tilespmem:$0x1A900] =	vst v63  }
0x140: {  	s9 =	sadd.s32 @!p0 s4, s9;
	s11 =	simm.s32 @!p0 $0x12900;
	s12 =	simm.s32 @!p0 $0x0  }
0x141: {  	[hbm4b:s9+s12] =	stream.linear.scatter @!p0 [tilespmem:s11], [sflag:$0x5], $0xF00, $0x38;
	[tilespmem:$0x1A900] =	vst v63  }
0x142: {  	s20 =	simm.s32 @!p0 $0x13900;
	s10 =	sadd.s32 @p0 $0x200, s10;
	s11 =	sadd.s32 @!p0 $0x200, s9  }
0x143: {  	[hbm4b:s11+s12] =	stream.linear.scatter @!p0 [tilespmem:s20], [sflag:$0x5], $0xF00, $0x38;
	[tilespmem:$0x1A900] =	vst v63  }
0x144: {  	s11 =	sadd.s32 @!p0 $0x400, s9;
	s9 =	sadd.s32 @!p0 $0x600, s9;
	s20 =	simm.s32 @!p0 $0x14900  }
0x145: {  	[hbm4b:s11+s12] =	stream.linear.scatter @!p0 [tilespmem:s20], [sflag:$0x5], $0xF00, $0x38;
	[tilespmem:$0x1A900] =	vst v63  }
0x146: {  	s9 =	smov.u32 @p0 s10  }
0x147: {  	[hbm4b:s9+s3] =	stream.linear.scatter [tilespmem:s0], [sflag:$0x5], $0xF00, $0x38;
	[tilespmem:$0x1A900] =	vst v63  }
0x148: {  	_ =	swait.ge [sflag:s13], $0x3C00  }
0x149: {  	[sflag:s13] =	ssyncset.done $0x0  }
0x14a: {  	s12 =	simm.s32 $0x7380;
	[sflag:s13] =	ssyncadd.s32 $0xFFFFC400  }
0x14b: {  	[tilespmem:s29], [sflag:$0x3] =	stream.indirect.gather [hbm4b:s2+s15], $0x80, s12, s15, $0xb8;
	[tilespmem:$0x1A900] =	vst v63  }
0x14c: {  	s20 =	simm.s32 $0x73A0  }
0x14d: {  	[tilespmem:s26], [sflag:$0x3] =	stream.indirect.gather [hbm4b:s2+s15], $0x80, s20, s15, $0xb8;
	[tilespmem:$0x1A900] =	vst v63  }
0x14e: {  	s19 =	simm.s32 $0x18900;
	s23 =	simm.s32 $0x73C0  }
0x14f: {  	[tilespmem:s19], [sflag:$0x3] =	stream.indirect.gather [hbm4b:s2+s15], $0x80, s23, s15, $0xb8;
	[tilespmem:$0x1A900] =	vst v63  }
0x150: {  	s1 =	simm.s32 $0x19900;
	s26 =	simm.s32 $0x73E0  }
0x151: {  	[tilespmem:s1], [sflag:$0x3] =	stream.indirect.gather [hbm4b:s2+s15], $0x80, s26, s15, $0xb8;
	[tilespmem:$0x1A900] =	vst v63  }
0x152: {  	_ =	swait.ge [sflag:s30], $0xF00  }
0x153: {  	[sflag:s30] =	ssyncset.done $0x0  }
0x154: {  	s11 =	sadd.s32 $0x4, s7;
	[sflag:s30] =	ssyncadd.s32 $0xFFFFF100  }
0x155: {  	p0 =	sgt.s32 s11, $0x1D;
	s9 =	simm.s32 $0x1;
	_ =	swait.ge [sflag:s30], $0xF00  }
0x156: {  	s9 =	simm.s32 @!p0 $0x0;
	[sflag:s30] =	ssyncset.done $0x0  }
0x157: {  	s29 =	sadd.s32 s9, s8;
	[sflag:s30] =	ssyncadd.s32 $0xFFFFF100  }
0x158: {  	s7 =	sadd.s32 $0xFFFFFFE6, s7;
	s8 =	sadd.s32 s5, s29;
	_ =	swait.ge [sflag:s30], $0xF00  }
0x159: {  	s11 =	smov.u32 @p0 s7;
	s7 =	smul.u32 $0x1E000, s8;
	[sflag:s30] =	ssyncset.done $0x0  }
0x15a: {  	p0 =	seq.s32 s11, $0x1C;
	[sflag:s30] =	ssyncadd.s32 $0xFFFFF100  }
0x15b: {  	s8 =	sadd.s32 @p0 $0x1C000, s7;
	_ =	swait.ge [sflag:s30], $0xF00  }
0x15c: {  	s10 =	simm.s32 @p0 $0x0;
	s8 =	sshrl.u32 @p0 s8, $0x3;
	[sflag:s30] =	ssyncset.done $0x0  }
0x15d: {  	s9 =	simm.s32 @p0 $0x16900;
	s8 =	sadd.s32 @p0 s4, s8;
	[sflag:s30] =	ssyncadd.s32 $0xFFFFF100  }
0x15e: {  	[hbm4b:s8+s10] =	stream.linear.scatter @p0 [tilespmem:s9], [sflag:$0x6], $0xF00, $0x38;
	[tilespmem:$0x1A900] =	vst v63  }
0x15f: {  	s20 =	sshll.u32 @!p0 s11, $0xC;
	s9 =	sadd.s32 @p0 $0x1E000, s7;
	s8 =	sadd.s32 @p0 $0x200, s8  }
0x160: {  	s7 =	sadd.s32 @!p0 s20, s7;
	s20 =	simm.s32 @p0 $0x17900;
	s9 =	sshrl.u32 @p0 s9, $0x3  }
0x161: {  	[hbm4b:s8+s10] =	stream.linear.scatter @p0 [tilespmem:s20], [sflag:$0x6], $0xF00, $0x38;
	[tilespmem:$0x1A900] =	vst v63  }
0x162: {  	s7 =	sshrl.u32 @!p0 s7, $0x3;
	s8 =	sadd.s32 @p0 s4, s9;
	s9 =	simm.s32 @p0 $0x18900  }
0x163: {  	[hbm4b:s8+s10] =	stream.linear.scatter @p0 [tilespmem:s9], [sflag:$0x6], $0xF00, $0x38;
	[tilespmem:$0x1A900] =	vst v63  }
0x164: {  	s7 =	sadd.s32 @!p0 s4, s7;
	s9 =	simm.s32 @!p0 $0x0;
	s10 =	simm.s32 @!p0 $0x16900  }
0x165: {  	[hbm4b:s7+s9] =	stream.linear.scatter @!p0 [tilespmem:s10], [sflag:$0x6], $0xF00, $0x38;
	[tilespmem:$0x1A900] =	vst v63  }
0x166: {  	s25 =	simm.s32 $0x15900;
	s20 =	simm.s32 @!p0 $0x17900;
	s10 =	sadd.s32 @!p0 $0x200, s7  }
0x167: {  	[hbm4b:s10+s9] =	stream.linear.scatter @!p0 [tilespmem:s20], [sflag:$0x6], $0xF00, $0x38;
	[tilespmem:$0x1A900] =	vst v63  }
0x168: {  	s0 =	simm.s32 $0x11900;
	s10 =	sadd.s32 @!p0 $0x400, s7;
	s20 =	simm.s32 @!p0 $0x18900  }
0x169: {  	[hbm4b:s10+s9] =	stream.linear.scatter @!p0 [tilespmem:s20], [sflag:$0x6], $0xF00, $0x38;
	[tilespmem:$0x1A900] =	vst v63  }
0x16a: {  	s23 =	simm.s32 $0x17900;
	s7 =	sadd.s32 @!p0 $0x600, s7;
	s9 =	sadd.s32 @p0 $0x200, s8  }
0x16b: {  	s8 =	simm.s32 $0x600;
	s10 =	sadd.s32 $0x4, s11;
	s11 =	sadd.s32 $0xFFFFFFE6, s11  }
0x16c: {  	s7 =	smov.u32 @p0 s9;
	s9 =	simm.s32 $0x0;
	p0 =	sgt.s32 s10, $0x1D  }
0x16d: {  	[hbm4b:s7+s3] =	stream.linear.scatter [tilespmem:s1], [sflag:$0x6], $0xF00, $0x38;
	[tilespmem:$0x1A900] =	vst v63  }
0x16e: {  	s10 =	smov.u32 @p0 s11;
	s7 =	simm.s32 $0x1;
	_ =	swait.ge [sflag:s18], $0x3C00  }
0x16f: {  	s11 =	simm.s32 $0x7420;
	s7 =	simm.s32 @!p0 $0x0;
	[sflag:s18] =	ssyncset.done $0x0  }
0x170: {  	s12 =	sadd.s32 s7, s29;
	s7 =	simm.s32 $0x7400;
	[sflag:s18] =	ssyncadd.s32 $0xFFFFC400  }
.LBB2_4:
0x171: {  	[tilespmem:s14], [sflag:$0x1] =	stream.indirect.gather [hbm4b:s2+s15], $0x80, s7, s15, $0xb8;
	[tilespmem:$0x1A900] =	vst v63  }
0x172: {  	s20 =	sadd.s32 $0x7440, s9;
	s7 =	smov.u32 s8;
	s8 =	sadd.s32 $0x600, s8  }
0x173: {  	[tilespmem:s17], [sflag:$0x1] =	stream.indirect.gather [hbm4b:s2+s15], $0x80, s11, s15, $0xb8;
	[tilespmem:$0x1A900] =	vst v63  }
0x174: {  	s9 =	sadd.s32 $0x7460, s9;
	p0 =	sne.s32 s8, $0x1D400  }
0x175: {  	[tilespmem:s21], [sflag:$0x1] =	stream.indirect.gather [hbm4b:s2+s15], $0x80, s20, s15, $0xb8;
	[tilespmem:$0x1A900] =	vst v63  }
0x176: {  	_ = 	snop  }
0x177: {  	[tilespmem:s0], [sflag:$0x1] =	stream.indirect.gather [hbm4b:s2+s15], $0x80, s9, s15, $0xb8;
	[tilespmem:$0x1A900] =	vst v63  }
0x178: {  	_ =	swait.ge [sflag:s24], $0xF00  }
0x179: {  	s9 =	sadd.s32 s5, s12;
	[sflag:s24] =	ssyncset.done $0x0  }
0x17a: {  	s9 =	smul.u32 $0x1E000, s9;
	[sflag:s24] =	ssyncadd.s32 $0xFFFFF100  }
0x17b: {  	p1 =	seq.s32 s10, $0x1C;
	_ =	swait.ge [sflag:s24], $0xF00  }
0x17c: {  	s20 =	simm.s32 @p1 $0xF900;
	s11 =	sadd.s32 @p1 $0x1C000, s9;
	[sflag:s24] =	ssyncset.done $0x0  }
0x17d: {  	s14 =	simm.s32 @p1 $0xE900;
	s11 =	sshrl.u32 @p1 s11, $0x3;
	[sflag:s24] =	ssyncadd.s32 $0xFFFFF100  }
0x17e: {  	s17 =	sadd.s32 @p1 $0x1E000, s9;
	s11 =	sadd.s32 @p1 s4, s11;
	_ =	swait.ge [sflag:s24], $0xF00  }
0x17f: {  	s19 =	simm.s32 @p1 $0x0;
	s21 =	sadd.s32 @p1 $0x200, s11;
	[sflag:s24] =	ssyncset.done $0x0  }
0x180: {  	s26 =	sshll.u32 @!p1 s10, $0xC;
	s17 =	sshrl.u32 @p1 s17, $0x3;
	[sflag:s24] =	ssyncadd.s32 $0xFFFFF100  }
0x181: {  	s9 =	sadd.s32 @!p1 s26, s9;
	s17 =	sadd.s32 @p1 s4, s17;
	_ =	swait.ge [sflag:s24], $0xF00  }
0x182: {  	[sflag:s24] =	ssyncset.done $0x0  }
0x183: {  	s9 =	sshrl.u32 @!p1 s9, $0x3;
	s26 =	sadd.s32 @p1 $0x200, s17;
	[sflag:s24] =	ssyncadd.s32 $0xFFFFF100  }
0x184: {  	[hbm4b:s11+s19] =	stream.linear.scatter @p1 [tilespmem:s14], [sflag:$0x4], $0xF00, $0x38;
	[tilespmem:$0x1A900] =	vst v63  }
0x185: {  	s9 =	sadd.s32 @!p1 s4, s9;
	s11 =	simm.s32 @p1 $0x10900;
	s14 =	simm.s32 @!p1 $0x0  }
0x186: {  	[hbm4b:s21+s19] =	stream.linear.scatter @p1 [tilespmem:s20], [sflag:$0x4], $0xF00, $0x38;
	[tilespmem:$0x1A900] =	vst v63  }
0x187: {  	s29 =	sadd.s32 @!p1 $0x600, s9;
	s20 =	sadd.s32 @!p1 $0x200, s9;
	s21 =	sadd.s32 @!p1 $0x400, s9  }
0x188: {  	[hbm4b:s17+s19] =	stream.linear.scatter @p1 [tilespmem:s11], [sflag:$0x4], $0xF00, $0x38;
	[tilespmem:$0x1A900] =	vst v63  }
0x189: {  	s29 =	smov.u32 @p1 s26;
	s11 =	simm.s32 @!p1 $0xE900;
	s17 =	simm.s32 @!p1 $0xF900  }
0x18a: {  	[hbm4b:s9+s14] =	stream.linear.scatter @!p1 [tilespmem:s11], [sflag:$0x4], $0xF00, $0x38;
	[tilespmem:$0x1A900] =	vst v63  }
0x18b: {  	s9 =	simm.s32 @!p1 $0x10900  }
0x18c: {  	[hbm4b:s20+s14] =	stream.linear.scatter @!p1 [tilespmem:s17], [sflag:$0x4], $0xF00, $0x38;
	[tilespmem:$0x1A900] =	vst v63  }
0x18d: {  	_ = 	snop  }
0x18e: {  	[hbm4b:s21+s14] =	stream.linear.scatter @!p1 [tilespmem:s9], [sflag:$0x4], $0xF00, $0x38;
	[tilespmem:$0x1A900] =	vst v63  }
0x18f: {  	s9 =	sshra.s32 s7, $0x2  }
0x190: {  	[hbm4b:s29+s3] =	stream.linear.scatter [tilespmem:s0], [sflag:$0x4], $0xF00, $0x38;
	[tilespmem:$0x1A900] =	vst v63  }
0x191: {  	s11 =	sadd.s32 $0x7420, s9;
	_ =	swait.ge [sflag:s6], $0x3C00  }
0x192: {  	[sflag:s6] =	ssyncset.done $0x0  }
0x193: {  	s7 =	sadd.s32 $0x7300, s9;
	s14 =	sadd.s32 $0x7320, s9;
	[sflag:s6] =	ssyncadd.s32 $0xFFFFC400  }
0x194: {  	[tilespmem:s22], [sflag:$0x2] =	stream.indirect.gather [hbm4b:s2+s15], $0x80, s7, s15, $0xb8;
	[tilespmem:$0x1A900] =	vst v63  }
0x195: {  	s7 =	sadd.s32 $0x7340, s9  }
0x196: {  	[tilespmem:s28], [sflag:$0x2] =	stream.indirect.gather [hbm4b:s2+s15], $0x80, s14, s15, $0xb8;
	[tilespmem:$0x1A900] =	vst v63  }
0x197: {  	s17 =	sadd.s32 $0x4, s10;
	s14 =	sadd.s32 $0x7360, s9  }
0x198: {  	[tilespmem:s31], [sflag:$0x2] =	stream.indirect.gather [hbm4b:s2+s15], $0x80, s7, s15, $0xb8;
	[tilespmem:$0x1A900] =	vst v63  }
0x199: {  	p1 =	sgt.s32 s17, $0x1D;
	s7 =	sadd.s32 $0xFFFFFFE6, s10  }
0x19a: {  	s17 =	smov.u32 @p1 s7;
	s7 =	simm.s32 $0x1  }
0x19b: {  	[tilespmem:s25], [sflag:$0x2] =	stream.indirect.gather [hbm4b:s2+s15], $0x80, s14, s15, $0xb8;
	[tilespmem:$0x1A900] =	vst v63  }
0x19c: {  	s7 =	simm.s32 @!p1 $0x0;
	_ =	swait.ge [sflag:s16], $0xF00  }
0x19d: {  	s10 =	sadd.s32 s7, s12;
	s7 =	sadd.s32 $0x4, s17;
	[sflag:s16] =	ssyncset.done $0x0  }
0x19e: {  	s12 =	sadd.s32 s5, s10;
	p2 =	sgt.s32 s7, $0x1D;
	[sflag:s16] =	ssyncadd.s32 $0xFFFFF100  }
0x19f: {  	s14 =	smul.u32 $0x1E000, s12;
	s12 =	simm.s32 $0x1;
	_ =	swait.ge [sflag:s16], $0xF00  }
0x1a0: {  	s12 =	simm.s32 @!p2 $0x0;
	[sflag:s16] =	ssyncset.done $0x0  }
0x1a1: {  	p1 =	seq.s32 s17, $0x1C;
	s12 =	sadd.s32 s12, s10;
	[sflag:s16] =	ssyncadd.s32 $0xFFFFF100  }
0x1a2: {  	s19 =	simm.s32 @p1 $0x0;
	s10 =	sadd.s32 @p1 $0x1C000, s14;
	_ =	swait.ge [sflag:s16], $0xF00  }
0x1a3: {  	s20 =	sshll.u32 @!p1 s17, $0xC;
	s10 =	sshrl.u32 @p1 s10, $0x3;
	[sflag:s16] =	ssyncset.done $0x0  }
0x1a4: {  	s17 =	sadd.s32 $0xFFFFFFE6, s17;
	s21 =	sadd.s32 @p1 $0x1E000, s14;
	s10 =	sadd.s32 @p1 s4, s10  }
0x1a5: {  	s26 =	simm.s32 @p1 $0x12900;
	s29 =	sadd.s32 @p1 $0x200, s10;
	[sflag:s16] =	ssyncadd.s32 $0xFFFFF100  }
0x1a6: {  	s31 =	simm.s32 @!p1 $0x12900;
	s21 =	sshrl.u32 @p1 s21, $0x3;
	_ =	swait.ge [sflag:s16], $0xF00  }
0x1a7: {  	s14 =	sadd.s32 @!p1 s20, s14;
	s21 =	sadd.s32 @p1 s4, s21;
	[sflag:s16] =	ssyncset.done $0x0  }
0x1a8: {  	s14 =	sshrl.u32 @!p1 s14, $0x3;
	s20 =	sadd.s32 @p1 $0x200, s21;
	[sflag:s16] =	ssyncadd.s32 $0xFFFFF100  }
0x1a9: {  	[hbm4b:s10+s19] =	stream.linear.scatter @p1 [tilespmem:s26], [sflag:$0x5], $0xF00, $0x38;
	[tilespmem:$0x1A900] =	vst v63  }
0x1aa: {  	s14 =	sadd.s32 @!p1 s4, s14;
	s10 =	simm.s32 @p1 $0x13900;
	s26 =	simm.s32 @p1 $0x14900  }
0x1ab: {  	[hbm4b:s29+s19] =	stream.linear.scatter @p1 [tilespmem:s10], [sflag:$0x5], $0xF00, $0x38;
	[tilespmem:$0x1A900] =	vst v63  }
0x1ac: {  	s22 =	sadd.s32 @!p1 $0x400, s14;
	s28 =	sadd.s32 @!p1 $0x600, s14;
	s29 =	sadd.s32 @!p1 $0x200, s14  }
0x1ad: {  	[hbm4b:s21+s19] =	stream.linear.scatter @p1 [tilespmem:s26], [sflag:$0x5], $0xF00, $0x38;
	[tilespmem:$0x1A900] =	vst v63  }
0x1ae: {  	s7 =	smov.u32 @p2 s17;
	s28 =	smov.u32 @p1 s20;
	s19 =	simm.s32 @!p1 $0x0  }
0x1af: {  	[hbm4b:s14+s19] =	stream.linear.scatter @!p1 [tilespmem:s31], [sflag:$0x5], $0xF00, $0x38;
	[tilespmem:$0x1A900] =	vst v63  }
0x1b0: {  	s31 =	simm.s32 $0x14900  }
0x1b1: {  	s17 =	sadd.s32 s5, s12;
	s10 =	sadd.s32 $0x4, s7;
	s14 =	simm.s32 @!p1 $0x13900  }
0x1b2: {  	[hbm4b:s29+s19] =	stream.linear.scatter @!p1 [tilespmem:s14], [sflag:$0x5], $0xF00, $0x38;
	[tilespmem:$0x1A900] =	vst v63  }
0x1b3: {  	s29 =	simm.s32 $0x16900  }
0x1b4: {  	s20 =	sadd.s32 $0xFFFFFFE6, s7;
	p2 =	sgt.s32 s10, $0x1D;
	s14 =	simm.s32 @!p1 $0x14900  }
0x1b5: {  	[hbm4b:s22+s19] =	stream.linear.scatter @!p1 [tilespmem:s14], [sflag:$0x5], $0xF00, $0x38;
	[tilespmem:$0x1A900] =	vst v63  }
0x1b6: {  	s14 =	simm.s32 $0x1  }
0x1b7: {  	s10 =	smov.u32 @p2 s20;
	s14 =	simm.s32 @!p2 $0x0  }
0x1b8: {  	[hbm4b:s28+s3] =	stream.linear.scatter [tilespmem:s25], [sflag:$0x5], $0xF00, $0x38;
	[tilespmem:$0x1A900] =	vst v63  }
0x1b9: {  	s28 =	simm.s32 $0x13900  }
0x1ba: {  	s12 =	sadd.s32 s14, s12;
	_ =	swait.ge [sflag:s13], $0x3C00  }
0x1bb: {  	s14 =	sadd.s32 $0x7380, s9;
	[sflag:s13] =	ssyncset.done $0x0  }
0x1bc: {  	s19 =	sadd.s32 $0x73A0, s9;
	[sflag:s13] =	ssyncadd.s32 $0xFFFFC400  }
0x1bd: {  	[tilespmem:s29], [sflag:$0x3] =	stream.indirect.gather [hbm4b:s2+s15], $0x80, s14, s15, $0xb8;
	[tilespmem:$0x1A900] =	vst v63  }
0x1be: {  	s14 =	sadd.s32 $0x73C0, s9  }
0x1bf: {  	[tilespmem:s23], [sflag:$0x3] =	stream.indirect.gather [hbm4b:s2+s15], $0x80, s19, s15, $0xb8;
	[tilespmem:$0x1A900] =	vst v63  }
0x1c0: {  	s20 =	simm.s32 $0x18900;
	s19 =	sadd.s32 $0x73E0, s9  }
0x1c1: {  	[tilespmem:s20], [sflag:$0x3] =	stream.indirect.gather [hbm4b:s2+s15], $0x80, s14, s15, $0xb8;
	[tilespmem:$0x1A900] =	vst v63  }
0x1c2: {  	_ = 	snop  }
0x1c3: {  	[tilespmem:s1], [sflag:$0x3] =	stream.indirect.gather [hbm4b:s2+s15], $0x80, s19, s15, $0xb8;
	[tilespmem:$0x1A900] =	vst v63  }
0x1c4: {  	_ =	swait.ge [sflag:s30], $0xF00  }
0x1c5: {  	[sflag:s30] =	ssyncset.done $0x0  }
0x1c6: {  	[sflag:s30] =	ssyncadd.s32 $0xFFFFF100  }
0x1c7: {  	_ =	swait.ge [sflag:s30], $0xF00  }
0x1c8: {  	s14 =	smul.u32 $0x1E000, s17;
	[sflag:s30] =	ssyncset.done $0x0  }
0x1c9: {  	p1 =	seq.s32 s7, $0x1C;
	[sflag:s30] =	ssyncadd.s32 $0xFFFFF100  }
0x1ca: {  	s17 =	sadd.s32 @p1 $0x1C000, s14;
	s19 =	sadd.s32 @p1 $0x1E000, s14;
	_ =	swait.ge [sflag:s30], $0xF00  }
0x1cb: {  	s20 =	simm.s32 @p1 $0x16900;
	s17 =	sshrl.u32 @p1 s17, $0x3;
	[sflag:s30] =	ssyncset.done $0x0  }
0x1cc: {  	s21 =	simm.s32 @p1 $0x0;
	s17 =	sadd.s32 @p1 s4, s17;
	[sflag:s30] =	ssyncadd.s32 $0xFFFFF100  }
0x1cd: {  	s26 =	simm.s32 @p1 $0x17900;
	s22 =	sadd.s32 @p1 $0x200, s17;
	_ =	swait.ge [sflag:s30], $0xF00  }
0x1ce: {  	s7 =	sshll.u32 @!p1 s7, $0xC;
	s19 =	sshrl.u32 @p1 s19, $0x3;
	[sflag:s30] =	ssyncset.done $0x0  }
0x1cf: {  	s7 =	sadd.s32 @!p1 s7, s14;
	s19 =	sadd.s32 @p1 s4, s19;
	[sflag:s30] =	ssyncadd.s32 $0xFFFFF100  }
0x1d0: {  	[hbm4b:s17+s21] =	stream.linear.scatter @p1 [tilespmem:s20], [sflag:$0x6], $0xF00, $0x38;
	[tilespmem:$0x1A900] =	vst v63  }
0x1d1: {  	s14 =	simm.s32 @p1 $0x18900;
	s7 =	sshrl.u32 @!p1 s7, $0x3;
	s17 =	sadd.s32 @p1 $0x200, s19  }
0x1d2: {  	[hbm4b:s22+s21] =	stream.linear.scatter @p1 [tilespmem:s26], [sflag:$0x6], $0xF00, $0x38;
	[tilespmem:$0x1A900] =	vst v63  }
0x1d3: {  	s7 =	sadd.s32 @!p1 s4, s7;
	s20 =	simm.s32 @!p1 $0x0;
	s22 =	simm.s32 @!p1 $0x16900  }
0x1d4: {  	[hbm4b:s19+s21] =	stream.linear.scatter @p1 [tilespmem:s14], [sflag:$0x6], $0xF00, $0x38;
	[tilespmem:$0x1A900] =	vst v63  }
0x1d5: {  	s14 =	sadd.s32 @!p1 $0x200, s7;
	s19 =	simm.s32 @!p1 $0x17900;
	s21 =	sadd.s32 @!p1 $0x400, s7  }
0x1d6: {  	[hbm4b:s7+s20] =	stream.linear.scatter @!p1 [tilespmem:s22], [sflag:$0x6], $0xF00, $0x38;
	[tilespmem:$0x1A900] =	vst v63  }
0x1d7: {  	s22 =	simm.s32 @!p1 $0x18900;
	s7 =	sadd.s32 @!p1 $0x600, s7  }
0x1d8: {  	[hbm4b:s14+s20] =	stream.linear.scatter @!p1 [tilespmem:s19], [sflag:$0x6], $0xF00, $0x38;
	[tilespmem:$0x1A900] =	vst v63  }
0x1d9: {  	s14 =	simm.s32 $0xE900  }
0x1da: {  	s7 =	smov.u32 @p1 s17;
	s17 =	simm.s32 $0xF900  }
0x1db: {  	[hbm4b:s21+s20] =	stream.linear.scatter @!p1 [tilespmem:s22], [sflag:$0x6], $0xF00, $0x38;
	[tilespmem:$0x1A900] =	vst v63  }
0x1dc: {  	s22 =	simm.s32 $0x12900;
	s21 =	simm.s32 $0x10900  }
.Ltmp1:
0x1dd: {  	(pc) =	sbr.rel @p0 .LBB2_4-.Ltmp1, $4  }
0x1de: {  	[hbm4b:s7+s3] =	stream.linear.scatter [tilespmem:s1], [sflag:$0x6], $0xF00, $0x38;
	[tilespmem:$0x1A900] =	vst v63  }
0x1df: {  	_ =	swait.ge [sflag:s18], $0x3C00  }
0x1e0: {  	s7 =	sadd.s32 $0x7400, s9;
	[sflag:s18] =	ssyncset.done $0x0  }
0x1e1: {  	[sflag:s18] =	ssyncadd.s32 $0xFFFFC400  }
0x1e2: {  	[tilespmem:s14], [sflag:$0x1] =	stream.indirect.gather [hbm4b:s2+s15], $0x80, s7, s15, $0xb8;
	[tilespmem:$0x1A900] =	vst v63  }
0x1e3: {  	_ = 	snop  }
0x1e4: {  	[tilespmem:s17], [sflag:$0x1] =	stream.indirect.gather [hbm4b:s2+s15], $0x80, s11, s15, $0xb8;
	[tilespmem:$0x1A900] =	vst v63  }
0x1e5: {  	s12 =	sadd.s32 $0x7440, s9  }
0x1e6: {  	[tilespmem:s21], [sflag:$0x1] =	stream.indirect.gather [hbm4b:s2+s15], $0x80, s12, s15, $0xb8;
	[tilespmem:$0x1A900] =	vst v63  }
0x1e7: {  	s19 =	sadd.s32 $0x7460, s9  }
0x1e8: {  	[tilespmem:s0], [sflag:$0x1] =	stream.indirect.gather [hbm4b:s2+s15], $0x80, s19, s15, $0xb8;
	[tilespmem:$0x1A900] =	vst v63  }
0x1e9: {  	_ =	swait.ge [sflag:s24], $0xF00  }
0x1ea: {  	[sflag:s24] =	ssyncset.done $0x0  }
0x1eb: {  	[sflag:s24] =	ssyncadd.s32 $0xFFFFF100  }
0x1ec: {  	_ =	swait.ge [sflag:s24], $0xF00  }
0x1ed: {  	[sflag:s24] =	ssyncset.done $0x0  }
0x1ee: {  	[sflag:s24] =	ssyncadd.s32 $0xFFFFF100  }
0x1ef: {  	_ =	swait.ge [sflag:s24], $0xF00  }
0x1f0: {  	[sflag:s24] =	ssyncset.done $0x0  }
0x1f1: {  	[sflag:s24] =	ssyncadd.s32 $0xFFFFF100  }
0x1f2: {  	_ =	swait.ge [sflag:s24], $0xF00  }
0x1f3: {  	[sflag:s24] =	ssyncset.done $0x0  }
0x1f4: {  	s8 =	rddreg [dreg:$0x7];
	[sflag:s24] =	ssyncadd.s32 $0xFFFFF100  }
0x1f5: {  	[hbm4b:s8+s3] =	stream.linear.scatter [tilespmem:s14], [sflag:$0x4], $0xF00, $0x38;
	[tilespmem:$0x1A900] =	vst v63  }
0x1f6: {  	s20 =	sadd.s32 $0x200, s8  }
0x1f7: {  	[hbm4b:s20+s3] =	stream.linear.scatter [tilespmem:s17], [sflag:$0x4], $0xF00, $0x38;
	[tilespmem:$0x1A900] =	vst v63  }
0x1f8: {  	s23 =	sadd.s32 $0x400, s8  }
0x1f9: {  	[hbm4b:s23+s3] =	stream.linear.scatter [tilespmem:s21], [sflag:$0x4], $0xF00, $0x38;
	[tilespmem:$0x1A900] =	vst v63  }
0x1fa: {  	s26 =	sadd.s32 $0x600, s8  }
0x1fb: {  	[hbm4b:s26+s3] =	stream.linear.scatter [tilespmem:s0], [sflag:$0x4], $0xF00, $0x38;
	[tilespmem:$0x1A900] =	vst v63  }
0x1fc: {  	_ =	swait.ge [sflag:s6], $0x3C00  }
0x1fd: {  	[sflag:s6] =	ssyncset.done $0x0  }
0x1fe: {  	s8 =	simm.s32 $0xE800;
	[sflag:s6] =	ssyncadd.s32 $0xFFFFC400  }
0x1ff: {  	[tilespmem:s22], [sflag:$0x2] =	stream.indirect.gather [hbm4b:s2+s15], $0x80, s8, s15, $0xb8;
	[tilespmem:$0x1A900] =	vst v63  }
0x200: {  	s9 =	simm.s32 $0xE820  }
0x201: {  	[tilespmem:s28], [sflag:$0x2] =	stream.indirect.gather [hbm4b:s2+s15], $0x80, s9, s15, $0xb8;
	[tilespmem:$0x1A900] =	vst v63  }
0x202: {  	s10 =	simm.s32 $0xE840  }
0x203: {  	[tilespmem:s31], [sflag:$0x2] =	stream.indirect.gather [hbm4b:s2+s15], $0x80, s10, s15, $0xb8;
	[tilespmem:$0x1A900] =	vst v63  }
0x204: {  	s11 =	simm.s32 $0xE860  }
0x205: {  	[tilespmem:s25], [sflag:$0x2] =	stream.indirect.gather [hbm4b:s2+s15], $0x80, s11, s15, $0xb8;
	[tilespmem:$0x1A900] =	vst v63  }
0x206: {  	_ =	swait.ge [sflag:s16], $0xF00  }
0x207: {  	[sflag:s16] =	ssyncset.done $0x0  }
0x208: {  	[sflag:s16] =	ssyncadd.s32 $0xFFFFF100  }
0x209: {  	_ =	swait.ge [sflag:s16], $0xF00  }
0x20a: {  	[sflag:s16] =	ssyncset.done $0x0  }
0x20b: {  	[sflag:s16] =	ssyncadd.s32 $0xFFFFF100  }
0x20c: {  	_ =	swait.ge [sflag:s16], $0xF00  }
0x20d: {  	[sflag:s16] =	ssyncset.done $0x0  }
0x20e: {  	[sflag:s16] =	ssyncadd.s32 $0xFFFFF100  }
0x20f: {  	_ =	swait.ge [sflag:s16], $0xF00  }
0x210: {  	[sflag:s16] =	ssyncset.done $0x0  }
0x211: {  	s12 =	rddreg [dreg:$0x8];
	[sflag:s16] =	ssyncadd.s32 $0xFFFFF100  }
0x212: {  	[hbm4b:s12+s3] =	stream.linear.scatter [tilespmem:s22], [sflag:$0x5], $0xF00, $0x38;
	[tilespmem:$0x1A900] =	vst v63  }
0x213: {  	s19 =	sadd.s32 $0x200, s12  }
0x214: {  	[hbm4b:s19+s3] =	stream.linear.scatter [tilespmem:s28], [sflag:$0x5], $0xF00, $0x38;
	[tilespmem:$0x1A900] =	vst v63  }
0x215: {  	s20 =	sadd.s32 $0x400, s12  }
0x216: {  	[hbm4b:s20+s3] =	stream.linear.scatter [tilespmem:s31], [sflag:$0x5], $0xF00, $0x38;
	[tilespmem:$0x1A900] =	vst v63  }
0x217: {  	s23 =	sadd.s32 $0x600, s12  }
0x218: {  	[hbm4b:s23+s3] =	stream.linear.scatter [tilespmem:s25], [sflag:$0x5], $0xF00, $0x38;
	[tilespmem:$0x1A900] =	vst v63  }
0x219: {  	_ =	swait.ge [sflag:s13], $0x3C00  }
0x21a: {  	[sflag:s13] =	ssyncset.done $0x0  }
0x21b: {  	s26 =	simm.s32 $0xE880;
	[sflag:s13] =	ssyncadd.s32 $0xFFFFC400  }
0x21c: {  	[tilespmem:s29], [sflag:$0x3] =	stream.indirect.gather [hbm4b:s2+s15], $0x80, s26, s15, $0xb8;
	[tilespmem:$0x1A900] =	vst v63  }
0x21d: {  	s0 =	simm.s32 $0xE8A0;
	s8 =	simm.s32 $0x17900  }
0x21e: {  	[tilespmem:s8], [sflag:$0x3] =	stream.indirect.gather [hbm4b:s2+s15], $0x80, s0, s15, $0xb8;
	[tilespmem:$0x1A900] =	vst v63  }
0x21f: {  	s9 =	simm.s32 $0xE8C0;
	s10 =	simm.s32 $0x18900  }
0x220: {  	[tilespmem:s10], [sflag:$0x3] =	stream.indirect.gather [hbm4b:s2+s15], $0x80, s9, s15, $0xb8;
	[tilespmem:$0x1A900] =	vst v63  }
0x221: {  	s11 =	simm.s32 $0xE8E0  }
0x222: {  	[tilespmem:s1], [sflag:$0x3] =	stream.indirect.gather [hbm4b:s2+s15], $0x80, s11, s15, $0xb8;
	[tilespmem:$0x1A900] =	vst v63  }
0x223: {  	_ =	swait.ge [sflag:s30], $0xF00  }
0x224: {  	[sflag:s30] =	ssyncset.done $0x0  }
0x225: {  	[sflag:s30] =	ssyncadd.s32 $0xFFFFF100  }
0x226: {  	_ =	swait.ge [sflag:s30], $0xF00  }
0x227: {  	[sflag:s30] =	ssyncset.done $0x0  }
0x228: {  	[sflag:s30] =	ssyncadd.s32 $0xFFFFF100  }
0x229: {  	_ =	swait.ge [sflag:s30], $0xF00  }
0x22a: {  	[sflag:s30] =	ssyncset.done $0x0  }
0x22b: {  	[sflag:s30] =	ssyncadd.s32 $0xFFFFF100  }
0x22c: {  	_ =	swait.ge [sflag:s30], $0xF00  }
0x22d: {  	[sflag:s30] =	ssyncset.done $0x0  }
0x22e: {  	s12 =	rddreg [dreg:$0x9];
	[sflag:s30] =	ssyncadd.s32 $0xFFFFF100  }
0x22f: {  	[hbm4b:s12+s3] =	stream.linear.scatter [tilespmem:s29], [sflag:$0x6], $0xF00, $0x38;
	[tilespmem:$0x1A900] =	vst v63  }
0x230: {  	s19 =	sadd.s32 $0x200, s12  }
0x231: {  	[hbm4b:s19+s3] =	stream.linear.scatter [tilespmem:s8], [sflag:$0x6], $0xF00, $0x38;
	[tilespmem:$0x1A900] =	vst v63  }
0x232: {  	s20 =	sadd.s32 $0x400, s12  }
0x233: {  	[hbm4b:s20+s3] =	stream.linear.scatter [tilespmem:s10], [sflag:$0x6], $0xF00, $0x38;
	[tilespmem:$0x1A900] =	vst v63  }
0x234: {  	s23 =	sadd.s32 $0x600, s12  }
0x235: {  	[hbm4b:s23+s3] =	stream.linear.scatter [tilespmem:s1], [sflag:$0x6], $0xF00, $0x38;
	[tilespmem:$0x1A900] =	vst v63  }
0x236: {  	_ =	swait.ge [sflag:s18], $0x3C00  }
0x237: {  	[sflag:s18] =	ssyncset.done $0x0  }
0x238: {  	[sflag:s18] =	ssyncadd.s32 $0xFFFFC400  }
0x239: {  	_ =	swait.ge [sflag:s6], $0x3C00  }
0x23a: {  	[sflag:s6] =	ssyncset.done $0x0  }
0x23b: {  	[sflag:s6] =	ssyncadd.s32 $0xFFFFC400  }
0x23c: {  	_ =	swait.ge [sflag:s13], $0x3C00  }
0x23d: {  	s25 =	rddreg [dreg:$0xb]  }
0x23e: {  	s26 =	rddreg [dreg:$0xa];
	s1 =	sadd.s32 $0x1, s25  }
0x23f: {  	p0 =	sne.s32 s1, s26  }
.Ltmp2:
0x240: {  	_ = 	snop;
	(pc) =	sbr.rel @p0 .LBB2_1-.Ltmp2, $4  }
0x241: {  	_ = 	snop  }
0x242: {  	s0 =	simm.s32 $0x15900;
	s19 =	simm.s32 $0x7140  }
0x243: {  	s20 =	simm.s32 $0x18900;
	s23 =	simm.s32 $0x11900;
	[sflag:s13] =	ssyncset.done $0x0  }
0x244: {  	[sflag:s13] =	ssyncadd.s32 $0xFFFFC400;
	s25 =	simm.s32 $0x19900;
	s26 =	simm.s32 $0x17900  }
0x245: {  	_ =	sfence.sel $0x180000  }
0x246: {  	[bflag:$0x0] =	sbarrier.arrive $0xFFFF  }
0x247: {  	_ =	strace $0x90000047  }
0x248: {  	s0 =	stileid.u32;
	[bflag:$0x2] =	sbarrier.arrive $0xFFFF  }
0x249: {  	p0 =	sne.s32 s0, $0x0;
	s0 =	rddreg [dreg:$0x2]  }
0x24a: {  	s0 =	sadd.s32 @!p0 $0x100000, s0  }
0x24b: {  	[sflag:s0] =	ssyncadd.tile.s32 @!p0 $0x1;
	_ =	shalt  }
.Lfunc_end2:
_tile_overlayer_lowered:
.L_overlay_start_2:
0x24c: {  	(tag) =	ssettag $0x2  }
0x24d: {  	s0 =	rddreg [dreg:$0x0];
	s2 =	stileid.u32  }
0x24e: {  	s1 =	rddreg [dreg:$0x1];
	p0 =	sne.s32 s2, $0x0  }
0x24f: {  	s3 =	rddreg [dreg:$0x2];
	[bflag:$0x3] =	sbarrier.arrive $0xFFFF;
	s2 =	simm.s32 @!p0 $0x1C07  }
0x250: {  	[timem:s3], [sflag:s2] =	dma.local @!p0 [hbm:s0], s1  }
0x251: {  	s0 =	simm.s32 @!p0 $0x7  }
0x252: {  	_ =	swait.ge @!p0 [sflag:s0], s1  }
0x253: {  	s1 =	ssub.s32 @!p0 $0x0, s1;
	[sflag:s0] =	ssyncset.done @!p0 $0x0  }
0x254: {  	[sflag:s0] =	ssyncadd.s32 @!p0 s1  }
0x255: {  	[bflag:$0x3] =	sbarrier.arrive $0xFFFF  }
0x256: {  	_ =	shalt  }

</sc_bundles>
